<compile_context>
chip_gen: v7x
topology: tpu7x:2x2x1
jax: 0.10.2.dev20260603
libtpu: 0.0.44.dev20260713+nightly
codegen_flags: <defaults>
</compile_context>

<pallas_src>
import functools
import math

import jax
import jax.numpy as jnp
from jax import lax
from jax.experimental import pallas as pl
from jax.experimental.pallas import tpu as pltpu
from jax.experimental.pallas import tpu_sc as plsc

_N = 8192
_D = 768
_K = 512
_BN = 1024
_SQ2OPI = math.sqrt(2.0 / math.pi)

_NC = 2
_NS = 16
_NSTRIPE = _D // 128
_NQ = 4
_NACT = _NSTRIPE * _NQ
_NH = 3 * _N // 8
_NHB = _N - _NH
_QROWS = _NH // _NQ
_CH2 = 128


def _row_normalize(v, eps):
    n = jnp.sqrt(jnp.sum(v * v, axis=-1, keepdims=True))
    return v / jnp.maximum(n, eps)


def _assign_kernel(x_ref, p_ref, assign_ref, counts_ref, sraw_ref):
    i = pl.program_id(0)
    xb = x_ref[...]
    p_norm = _row_normalize(p_ref[...], 1e-12)
    sraw = jax.lax.dot_general(xb, p_norm, (((1,), (1,)), ((), ())),
                               preferred_element_type=jnp.float32)
    sraw_ref[...] = sraw.astype(jnp.bfloat16)
    a = jnp.argmax(sraw, axis=-1).astype(jnp.int32)
    assign_ref[...] = a.reshape(1, 1, _BN)
    onehot = (jax.lax.broadcasted_iota(jnp.int32, (_BN, _K), 1) == a[:, None])
    part_counts = jnp.sum(onehot.astype(jnp.float32), axis=0).reshape(1, _K)

    @pl.when(i == 0)
    def _init():
        counts_ref[...] = part_counts

    @pl.when(i != 0)
    def _acc():
        counts_ref[...] += part_counts


def _assign_oh_kernel(x_ref, p_ref, counts_ref, sums_ref, sraw_ref):
    i = pl.program_id(0)
    xb = x_ref[...]
    p_norm = _row_normalize(p_ref[...], 1e-12)
    sraw = jax.lax.dot_general(xb, p_norm, (((1,), (1,)), ((), ())),
                               preferred_element_type=jnp.float32)
    sraw_ref[...] = sraw.astype(jnp.bfloat16)
    a = jnp.argmax(sraw, axis=-1).astype(jnp.int32)
    onehot_t = (jax.lax.broadcasted_iota(jnp.int32, (_K, _BN), 0)
                == a[None, :]).astype(jnp.float32)
    part_sums = jax.lax.dot_general(onehot_t, xb, (((1,), (0,)), ((), ())),
                                    preferred_element_type=jnp.float32)
    part_counts = jnp.sum(onehot_t, axis=1).reshape(1, _K)

    @pl.when(i == 0)
    def _init():
        counts_ref[...] = part_counts
        sums_ref[...] = part_sums

    @pl.when(i != 0)
    def _acc():
        counts_ref[...] += part_counts
        sums_ref[...] += part_sums


_sc_mesh = plsc.VectorSubcoreMesh(core_axis_name="c", subcore_axis_name="s")


def _make_segsum(rbase):
    @functools.partial(
        pl.kernel,
        mesh=_sc_mesh,
        out_type=jax.ShapeDtypeStruct((_NQ, _K, _D), jnp.float32),
        scratch_types=[
            pltpu.VMEM((_QROWS,), jnp.int32),
            pltpu.VMEM((_CH2, 128), jnp.float32),
            pltpu.VMEM((_CH2, 128), jnp.float32),
            pltpu.VMEM((_K, 128), jnp.float32),
            pltpu.SemaphoreType.DMA,
            pltpu.SemaphoreType.DMA,
        ],
        compiler_params=pltpu.CompilerParams(needs_layout_passes=False),
    )
    def _segsum_sc(x_hbm, a_hbm, z_hbm, sums_out,
                   idx_v, rows0, rows1, acc_v, sem0, sem1):
        cid = lax.axis_index("c")
        sid = lax.axis_index("s")
        wid = sid * _NC + cid
        lanes = lax.iota(jnp.int32, 16)
        nch = _QROWS // _CH2

        @pl.when(wid < _NACT)
        def _active():
            stripe = wid // _NQ
            rowq = wid % _NQ
            c0 = stripe * 128
            pltpu.sync_copy(a_hbm.at[pl.ds(rowq * _QROWS, _QROWS)], idx_v)
            pltpu.sync_copy(z_hbm, acc_v)
            banks = ((rows0, sem0), (rows1, sem1))

            def start(ci, b):
                off = rbase + rowq * _QROWS + ci * _CH2
                rb, sb = banks[b]
                ra = pltpu.make_async_copy(
                    x_hbm.at[pl.ds(off, _CH2), pl.ds(c0, 128)], rb, sb)
                ra.start()
                return ra

            pend = start(0, 0)
            for ci in range(nch):
                b = ci % 2
                pend.wait()
                if ci + 1 < nch:
                    pend = start(ci + 1, 1 - b)
                rowsb, _ = banks[b]
                ibase = ci * _CH2

                @plsc.parallel_loop(0, _CH2, unroll=8)
                def _rows(r):
                    rsplat = jnp.broadcast_to(r, (16,)).astype(jnp.int32)
                    a_splat = plsc.load_gather(idx_v, [rsplat + ibase])
                    for j in range(8):
                        cols = lanes + (16 * j)
                        vals = plsc.load_gather(rowsb, [rsplat, cols])
                        plsc.addupdate_scatter(acc_v, [a_splat, cols], vals)

            pltpu.sync_copy(acc_v, sums_out.at[rowq, :, pl.ds(c0, 128)])

    return _segsum_sc


_segsum_a = _make_segsum(0)


def _update_kernel(p_ref, sa_ref, sb_ref, ca_ref, cb_ref, cscale_ref):
    p0 = p_ref[...]
    sums = ((sa_ref[0] + sa_ref[1]) + (sa_ref[2] + sa_ref[3])) + sb_ref[...]
    counts = (ca_ref[...] + cb_ref[...]).reshape(_K, 1)
    centroids = jnp.where(counts > 0, sums / jnp.maximum(counts, 1.0), p0)
    new_p = _row_normalize(centroids, 1e-12)
    p_upd = 0.999 * p0 + 0.001 * new_p
    n0 = jnp.maximum(jnp.sqrt(jnp.sum(p0 * p0, axis=1)), 1e-12)
    nu = jnp.maximum(jnp.sqrt(jnp.sum(p_upd * p_upd, axis=1)), 1e-08)
    cscale_ref[...] = (0.999 * n0 / nu).reshape(1, _K)


def _out_kernel(x_ref, sra_ref, srb_ref, cs_ref, lt_ref, lb_ref, out_ref):
    i = pl.program_id(0)
    xb = x_ref[...]
    sraw = jnp.where(i < _NH // _BN, sra_ref[...], srb_ref[...])
    s2 = sraw.astype(jnp.float32) * cs_ref[...]
    rowmax = jnp.max(s2, axis=-1)
    xnorm = jnp.sqrt(jnp.sum(xb * xb, axis=-1))
    m = rowmax / jnp.maximum(xnorm, 1e-08)
    m = jnp.clip(m, -1.0, 1.0)
    dists = jnp.clip(1.0 - m, 0.0, 2.0)
    tau = jnp.exp(lt_ref[0, 0])
    alpha = jax.nn.sigmoid(lb_ref[0, 0])
    novelty = 1.0 - jnp.exp(-tau * dists)
    scale = jnp.clip(1.0 - alpha + alpha * novelty, 0.1, 10.0)[:, None]
    y = xb * scale
    out_ref[...] = 0.5 * y * (1.0 + jnp.tanh(_SQ2OPI * (y + 0.044715 * y**3)))


def _assign_half(x2d, P, hblk):
    nhb = _NH // _BN

    def _call(boff):
        return pl.pallas_call(
            _assign_kernel,
            grid=(nhb,),
            in_specs=[
                pl.BlockSpec((_BN, _D), lambda i: (i + boff, 0)),
                pl.BlockSpec((_K, _D), lambda i: (0, 0)),
            ],
            out_specs=[
                pl.BlockSpec((1, 1, _BN), lambda i: (i, 0, 0)),
                pl.BlockSpec((1, _K), lambda i: (0, 0)),
                pl.BlockSpec((_BN, _K), lambda i: (i, 0)),
            ],
            out_shape=[
                jax.ShapeDtypeStruct((nhb, 1, _BN), jnp.int32),
                jax.ShapeDtypeStruct((1, _K), jnp.float32),
                jax.ShapeDtypeStruct((_NH, _K), jnp.bfloat16),
            ],
        )(x2d, P)

    return _call(hblk)


@jax.jit
def _run(x2d, P, log_tau, log_blend):
    nblk = _N // _BN
    nhb = _NH // _BN
    zsum = jnp.zeros((_K, 128), jnp.float32)

    assign3a, counts_a, sraw_a = _assign_half(x2d, P, 0)
    sums_a = _segsum_a(x2d, assign3a.reshape(_NH), zsum)
    counts_b, sums_b, sraw_b = pl.pallas_call(
        _assign_oh_kernel,
        grid=(_NHB // _BN,),
        in_specs=[
            pl.BlockSpec((_BN, _D), lambda i: (i + nhb, 0)),
            pl.BlockSpec((_K, _D), lambda i: (0, 0)),
        ],
        out_specs=[
            pl.BlockSpec((1, _K), lambda i: (0, 0)),
            pl.BlockSpec((_K, _D), lambda i: (0, 0)),
            pl.BlockSpec((_BN, _K), lambda i: (i, 0)),
        ],
        out_shape=[
            jax.ShapeDtypeStruct((1, _K), jnp.float32),
            jax.ShapeDtypeStruct((_K, _D), jnp.float32),
            jax.ShapeDtypeStruct((_NHB, _K), jnp.bfloat16),
        ],
    )(x2d, P)

    cscale = pl.pallas_call(
        _update_kernel,
        in_specs=[
            pl.BlockSpec((_K, _D), lambda: (0, 0)),
            pl.BlockSpec((_NQ, _K, _D), lambda: (0, 0, 0)),
            pl.BlockSpec((_K, _D), lambda: (0, 0)),
            pl.BlockSpec((1, _K), lambda: (0, 0)),
            pl.BlockSpec((1, _K), lambda: (0, 0)),
        ],
        out_specs=pl.BlockSpec((1, _K), lambda: (0, 0)),
        out_shape=jax.ShapeDtypeStruct((1, _K), jnp.float32),
    )(P, sums_a, sums_b, counts_a, counts_b)

    out2d = pl.pallas_call(
        _out_kernel,
        grid=(nblk,),
        in_specs=[
            pl.BlockSpec((_BN, _D), lambda i: (i, 0)),
            pl.BlockSpec((_BN, _K),
                         lambda i: (jnp.minimum(i, nhb - 1), 0)),
            pl.BlockSpec((_BN, _K),
                         lambda i: (jnp.maximum(i - nhb, 0), 0)),
            pl.BlockSpec((1, _K), lambda i: (0, 0)),
            pl.BlockSpec(memory_space=pltpu.SMEM),
            pl.BlockSpec(memory_space=pltpu.SMEM),
        ],
        out_specs=pl.BlockSpec((_BN, _D), lambda i: (i, 0)),
        out_shape=jax.ShapeDtypeStruct((_N, _D), jnp.float32),
    )(x2d, sraw_a, sraw_b, cscale, log_tau, log_blend)
    return out2d


def kernel(x, P, log_tau, log_blend):
    B, T, D = x.shape
    x2d = x.reshape(-1, D)
    lt = jnp.reshape(log_tau, (1, 1))
    lb = jnp.reshape(log_blend, (1, 1))
    out2d = _run(x2d, P, lt, lb)
    return out2d.reshape(B, T, D)

# --- scband reference (transcript-rebuilt; emitter-appended) ---
"""Pipeline reference for scband-gelu13-17566416240645 (READ-ONLY COPY).

The authoritative reference and input builder live on the scoring server;
editing this copy changes nothing except your own understanding.
"""

import jax, jax.numpy as jnp
import numpy as np
import math


def _normalize(v, eps=1e-12):
    n = jnp.linalg.norm(v, axis=-1, keepdims=True)
    return v / jnp.maximum(n, eps)


def _gelu(x):
    return 0.5 * x * (1.0 + jnp.tanh(math.sqrt(2.0 / math.pi) * (x + 0.044715 * x ** 3)))


def setup_inputs(seed: int = 0) -> dict:
    key = jax.random.key(seed)
    k1, k2 = jax.random.split(key)
    x = jax.random.normal(k1, (8, 1024, 768), dtype=jnp.float32)
    # prototypes buffer (codebook) as produced by the module's first call: normalized randn
    P = _normalize(jax.random.normal(k2, (512, 768), dtype=jnp.float32))
    log_tau = jnp.asarray(math.log(2.0), dtype=jnp.float32)
    log_blend = jnp.asarray(math.log(0.3 / 0.7), dtype=jnp.float32)
    return {"x": x, "P": P, "log_tau": log_tau, "log_blend": log_blend}


def reference(x, P, log_tau, log_blend):
    # Steady-state forward path (prototypes already initialized)
    K = P.shape[0]
    momentum = 0.999
    tau = jnp.exp(log_tau)
    alpha = jax.nn.sigmoid(log_blend)
    B, T, D = x.shape
    x_flat = jax.lax.stop_gradient(x).reshape(-1, D)
    P0 = jax.lax.stop_gradient(P)  # buffer, no grad in torch
    P_norm = _normalize(P0)
    x_flat_norm = _normalize(x_flat, eps=1e-08)
    sims = jnp.clip(x_flat_norm @ P_norm.T, -1.0, 1.0)
    assignments = jnp.argmax(sims, axis=-1)
    counts = jnp.bincount(assignments, length=K).astype(x.dtype)[:, None]
    sums = jax.ops.segment_sum(x_flat, assignments, num_segments=K)
    centroids = jnp.where(counts > 0, sums / jnp.maximum(counts, 1.0), P0)
    new_P = _normalize(centroids)
    P_upd = momentum * P0 + (1.0 - momentum) * new_P
    P_norm2 = _normalize(P_upd, eps=1e-08)
    sims2 = jnp.clip(x_flat_norm @ P_norm2.T, -1.0, 1.0)
    dists = jnp.clip(1.0 - jnp.max(sims2, axis=-1), 0.0, 2.0)
    novelty = (1.0 - jnp.exp(-tau * dists)).reshape(B, T)
    scale = jnp.clip(1.0 - alpha + alpha * novelty[..., None], 0.1, 10.0)
    return _gelu(x * scale)

if __name__ == "__main__":
    import jax
    _d = setup_inputs()
    print(jax.jit(kernel)(*tuple(_d.values())))

</pallas_src>

<mosaic_0001>
#map = affine_map<(d0, d1) -> (0, 0)>
#map1 = affine_map<(d0, d1) -> (0)>
#map2 = affine_map<(d0, d1) -> (0, 0, 0)>
module attributes {stable_mosaic.version = 14 : i64} {
  func.func @_segsum_sc(%arg0: i32, %arg1: i32, %arg2: memref<8192x768xf32, #tpu.memory_space<hbm>>, %arg3: memref<3072xi32, #tpu.memory_space<hbm>>, %arg4: memref<512x128xf32, #tpu.memory_space<hbm>>, %arg5: memref<4x512x768xf32, #tpu.memory_space<hbm>>, %arg6: memref<768xi32, #tpu.memory_space<vmem>>, %arg7: memref<128x128xf32, #tpu.memory_space<vmem>>, %arg8: memref<128x128xf32, #tpu.memory_space<vmem>>, %arg9: memref<512x128xf32, #tpu.memory_space<vmem>>, %arg10: memref<!tpu.dma_semaphore, #tpu.memory_space<semaphore_mem>>, %arg11: memref<!tpu.dma_semaphore, #tpu.memory_space<semaphore_mem>>) attributes {dimension_semantics = [#tpu.dimension_semantics<core_parallel>, #tpu.dimension_semantics<subcore_parallel>], iteration_bounds = array<i64: 2, 16>, scalar_prefetch = 0 : i64, scratch_operands = 6 : i64, tpu.core_type = #tpu.core_type<sc_vector_subcore>, window_params = [{transform_indices = #map}, {transform_indices = #map1}, {transform_indices = #map}, {transform_indices = #map2}]} {
    %mul3A = arith.constant 2 : i32
    %mul3A_0 = arith.muli %arg1, %mul3A : i32
    %add3A = arith.addi %mul3A_0, %arg0 : i32
    %iota3A = tpu.iota {dimensions = array<i32: 0>} : vector<16xi32>
    %lt3A = arith.constant 24 : i32
    %lt3A_1 = arith.cmpi slt, %add3A, %lt3A : i32
    %convert_element_type3A = arith.extui %lt3A_1 : i1 to i32
    %cond3A = arith.constant 0 : i32
    %cond3A_2 = arith.cmpi ne, %convert_element_type3A, %cond3A : i32
    scf.if %cond3A_2 {
      %jit3A = arith.constant 4 : i32
      %div3A = arith.divsi %add3A, %jit3A : i32
      %sign3A = arith.constant 0 : i32
      %sign3A_3 = arith.cmpi sgt, %add3A, %sign3A : i32
      %sign3A_4 = arith.extui %sign3A_3 : i1 to i32
      %sign3A_5 = arith.constant 0 : i32
      %sign3A_6 = arith.cmpi slt, %add3A, %sign3A_5 : i32
      %sign3A_7 = arith.extui %sign3A_6 : i1 to i32
      %sign3A_8 = arith.subi %sign3A_4, %sign3A_7 : i32
      %sign3A_9 = arith.constant 0 : i32
      %sign3A_10 = arith.cmpi sgt, %jit3A, %sign3A_9 : i32
      %sign3A_11 = arith.extui %sign3A_10 : i1 to i32
      %sign3A_12 = arith.constant 0 : i32
      %sign3A_13 = arith.cmpi slt, %jit3A, %sign3A_12 : i32
      %sign3A_14 = arith.extui %sign3A_13 : i1 to i32
      %sign3A_15 = arith.subi %sign3A_11, %sign3A_14 : i32
      %ne3A = arith.cmpi ne, %sign3A_8, %sign3A_15 : i32
      %rem3A = arith.remsi %add3A, %jit3A : i32
      %ne3A_16 = arith.constant 0 : i32
      %ne3A_17 = arith.cmpi ne, %rem3A, %ne3A_16 : i32
      %and3A = arith.andi %ne3A, %ne3A_17 : i1
      %sub3A = arith.constant 1 : i32
      %sub3A_18 = arith.subi %div3A, %sub3A : i32
      %select_n3A = arith.select %and3A, %sub3A_18, %div3A : i32
      %jit3A_19 = arith.constant 4 : i32
      %eq3A = arith.constant 0 : i32
      %eq3A_20 = arith.cmpi eq, %jit3A_19, %eq3A : i32
      %jit3A_21 = arith.constant 1 : i32
      %select_n3A_22 = arith.select %eq3A_20, %jit3A_21, %jit3A_19 : i32
      %rem3A_23 = arith.remsi %add3A, %select_n3A_22 : i32
      %ne3A_24 = arith.constant 0 : i32
      %ne3A_25 = arith.cmpi ne, %rem3A_23, %ne3A_24 : i32
      %lt3A_26 = arith.constant 0 : i32
      %lt3A_27 = arith.cmpi slt, %rem3A_23, %lt3A_26 : i32
      %lt3A_28 = arith.constant 0 : i32
      %lt3A_29 = arith.cmpi slt, %select_n3A_22, %lt3A_28 : i32
      %ne3A_30 = arith.xori %lt3A_27, %lt3A_29 : i1
      %and3A_31 = arith.andi %ne3A_30, %ne3A_25 : i1
      %add3A_32 = arith.addi %rem3A_23, %select_n3A_22 : i32
      %select_n3A_33 = arith.select %and3A_31, %add3A_32, %rem3A_23 : i32
      %mul3A_34 = arith.constant 128 : i32
      %mul3A_35 = arith.muli %select_n3A, %mul3A_34 : i32
      %mul3A_36 = arith.constant 768 : i32
      %mul3A_37 = arith.muli %select_n3A_33, %mul3A_36 : i32
      "tpu.region"() ({
        %run_scoped3A = tpu.sem_alloc : memref<!tpu.dma_semaphore, #tpu.memory_space<semaphore_mem>>
        %dma_start3A_113 = tpu.memref_slice %arg3[%mul3A_37] : memref<3072xi32, #tpu.memory_space<hbm>> -> memref<768xi32, #tpu.memory_space<hbm>>
        %dma_start3A_114 = tpu.memref_slice %arg3[%mul3A_37] : memref<3072xi32, #tpu.memory_space<hbm>> -> memref<768xi32, #tpu.memory_space<hbm>>
        tpu.enqueue_dma source(%dma_start3A_114 : memref<768xi32, #tpu.memory_space<hbm>>) target(%arg6 : memref<768xi32, #tpu.memory_space<vmem>>) target_semaphore(%run_scoped3A : memref<!tpu.dma_semaphore, #tpu.memory_space<semaphore_mem>>)
        %dma_wait3A_115 = tpu.memref_slice %arg3[%mul3A_37] : memref<3072xi32, #tpu.memory_space<hbm>> -> memref<768xi32, #tpu.memory_space<hbm>>
        %dma_wait3A_116 = tpu.memref_slice %arg3[%mul3A_37] : memref<3072xi32, #tpu.memory_space<hbm>> -> memref<768xi32, #tpu.memory_space<hbm>>
        tpu.wait_dma2 semaphore(%run_scoped3A : memref<!tpu.dma_semaphore, #tpu.memory_space<semaphore_mem>>) src(%dma_wait3A_116 : memref<768xi32, #tpu.memory_space<hbm>>) dst(%arg6 : memref<768xi32, #tpu.memory_space<vmem>>)
        tpu.yield
      }) : () -> ()
      "tpu.region"() ({
        %run_scoped3A = tpu.sem_alloc : memref<!tpu.dma_semaphore, #tpu.memory_space<semaphore_mem>>
        tpu.enqueue_dma source(%arg4 : memref<512x128xf32, #tpu.memory_space<hbm>>) target(%arg9 : memref<512x128xf32, #tpu.memory_space<vmem>>) target_semaphore(%run_scoped3A : memref<!tpu.dma_semaphore, #tpu.memory_space<semaphore_mem>>)
        tpu.wait_dma2 semaphore(%run_scoped3A : memref<!tpu.dma_semaphore, #tpu.memory_space<semaphore_mem>>) src(%arg4 : memref<512x128xf32, #tpu.memory_space<hbm>>) dst(%arg9 : memref<512x128xf32, #tpu.memory_space<vmem>>)
        tpu.yield
      }) : () -> ()
      %mul3A_38 = arith.constant 768 : i32
      %mul3A_39 = arith.muli %select_n3A_33, %mul3A_38 : i32
      %add3A_40 = arith.constant 0 : i32
      %add3A_41 = arith.addi %add3A_40, %mul3A_39 : i32
      %add3A_42 = arith.constant 0 : i32
      %add3A_43 = arith.addi %add3A_41, %add3A_42 : i32
      %dma_start3A = tpu.memref_slice %arg2[%add3A_43, %mul3A_35] : memref<8192x768xf32, #tpu.memory_space<hbm>> -> memref<128x128xf32, #tpu.memory_space<hbm>>
      %dma_start3A_44 = tpu.memref_slice %arg2[%add3A_43, %mul3A_35] : memref<8192x768xf32, #tpu.memory_space<hbm>> -> memref<128x128xf32, #tpu.memory_space<hbm>>
      tpu.enqueue_dma source(%dma_start3A_44 : memref<128x128xf32, #tpu.memory_space<hbm>>) target(%arg7 : memref<128x128xf32, #tpu.memory_space<vmem>>) target_semaphore(%arg10 : memref<!tpu.dma_semaphore, #tpu.memory_space<semaphore_mem>>)
      %dma_wait3A = tpu.memref_slice %arg2[%add3A_43, %mul3A_35] : memref<8192x768xf32, #tpu.memory_space<hbm>> -> memref<128x128xf32, #tpu.memory_space<hbm>>
      %dma_wait3A_45 = tpu.memref_slice %arg2[%add3A_43, %mul3A_35] : memref<8192x768xf32, #tpu.memory_space<hbm>> -> memref<128x128xf32, #tpu.memory_space<hbm>>
      tpu.wait_dma2 semaphore(%arg10 : memref<!tpu.dma_semaphore, #tpu.memory_space<semaphore_mem>>) src(%dma_wait3A_45 : memref<128x128xf32, #tpu.memory_space<hbm>>) dst(%arg7 : memref<128x128xf32, #tpu.memory_space<vmem>>)
      %mul3A_46 = arith.constant 768 : i32
      %mul3A_47 = arith.muli %select_n3A_33, %mul3A_46 : i32
      %add3A_48 = arith.constant 0 : i32
      %add3A_49 = arith.addi %add3A_48, %mul3A_47 : i32
      %add3A_50 = arith.constant 128 : i32
      %add3A_51 = arith.addi %add3A_49, %add3A_50 : i32
      %dma_start3A_52 = tpu.memref_slice %arg2[%add3A_51, %mul3A_35] : memref<8192x768xf32, #tpu.memory_space<hbm>> -> memref<128x128xf32, #tpu.memory_space<hbm>>
      %dma_start3A_53 = tpu.memref_slice %arg2[%add3A_51, %mul3A_35] : memref<8192x768xf32, #tpu.memory_space<hbm>> -> memref<128x128xf32, #tpu.memory_space<hbm>>
      tpu.enqueue_dma source(%dma_start3A_53 : memref<128x128xf32, #tpu.memory_space<hbm>>) target(%arg8 : memref<128x128xf32, #tpu.memory_space<vmem>>) target_semaphore(%arg11 : memref<!tpu.dma_semaphore, #tpu.memory_space<semaphore_mem>>)
      %parallel_loop3A = arith.constant 0 : i32
      %parallel_loop3A_54 = arith.constant 128 : i32
      %parallel_loop3A_55 = arith.constant 1 : i32
      scf.for %parallel_loop3A_113 = %parallel_loop3A to %parallel_loop3A_54 step %parallel_loop3A_55  : i32 {
        %parallel_loop3A_114 = vector.broadcast %parallel_loop3A_113 : i32 to vector<16xi32>
        %parallel_loop3A_115 = arith.constant 0 : i32
        %parallel_loop3A_116 = vector.broadcast %parallel_loop3A_115 : i32 to vector<16xi32>
        %parallel_loop3A_117 = arith.addi %parallel_loop3A_114, %parallel_loop3A_116 : vector<16xi32>
        %parallel_loop3A_118 = tpu.vector_load_idx %arg6[%parallel_loop3A_117] : memref<768xi32, #tpu.memory_space<vmem>>[vector<16xi32>], vector<16xi32>,
        %parallel_loop3A_119 = arith.constant 0 : i32
        %parallel_loop3A_120 = vector.broadcast %parallel_loop3A_119 : i32 to vector<16xi32>
        %parallel_loop3A_121 = arith.addi %iota3A, %parallel_loop3A_120 : vector<16xi32>
        %parallel_loop3A_122 = tpu.vector_load_idx %arg7[%parallel_loop3A_114, %parallel_loop3A_121] : memref<128x128xf32, #tpu.memory_space<vmem>>[vector<16xi32>, vector<16xi32>], vector<16xf32>,
        tpu.vector_store_idx %arg9[%parallel_loop3A_118, %parallel_loop3A_121], %parallel_loop3A_122 {add = true} : memref<512x128xf32, #tpu.memory_space<vmem>>[vector<16xi32>, vector<16xi32>], vector<16xf32>,
        %parallel_loop3A_123 = arith.constant 16 : i32
        %parallel_loop3A_124 = vector.broadcast %parallel_loop3A_123 : i32 to vector<16xi32>
        %parallel_loop3A_125 = arith.addi %iota3A, %parallel_loop3A_124 : vector<16xi32>
        %parallel_loop3A_126 = tpu.vector_load_idx %arg7[%parallel_loop3A_114, %parallel_loop3A_125] : memref<128x128xf32, #tpu.memory_space<vmem>>[vector<16xi32>, vector<16xi32>], vector<16xf32>,
        tpu.vector_store_idx %arg9[%parallel_loop3A_118, %parallel_loop3A_125], %parallel_loop3A_126 {add = true} : memref<512x128xf32, #tpu.memory_space<vmem>>[vector<16xi32>, vector<16xi32>], vector<16xf32>,
        %parallel_loop3A_127 = arith.constant 32 : i32
        %parallel_loop3A_128 = vector.broadcast %parallel_loop3A_127 : i32 to vector<16xi32>
        %parallel_loop3A_129 = arith.addi %iota3A, %parallel_loop3A_128 : vector<16xi32>
        %parallel_loop3A_130 = tpu.vector_load_idx %arg7[%parallel_loop3A_114, %parallel_loop3A_129] : memref<128x128xf32, #tpu.memory_space<vmem>>[vector<16xi32>, vector<16xi32>], vector<16xf32>,
        tpu.vector_store_idx %arg9[%parallel_loop3A_118, %parallel_loop3A_129], %parallel_loop3A_130 {add = true} : memref<512x128xf32, #tpu.memory_space<vmem>>[vector<16xi32>, vector<16xi32>], vector<16xf32>,
        %parallel_loop3A_131 = arith.constant 48 : i32
        %parallel_loop3A_132 = vector.broadcast %parallel_loop3A_131 : i32 to vector<16xi32>
        %parallel_loop3A_133 = arith.addi %iota3A, %parallel_loop3A_132 : vector<16xi32>
        %parallel_loop3A_134 = tpu.vector_load_idx %arg7[%parallel_loop3A_114, %parallel_loop3A_133] : memref<128x128xf32, #tpu.memory_space<vmem>>[vector<16xi32>, vector<16xi32>], vector<16xf32>,
        tpu.vector_store_idx %arg9[%parallel_loop3A_118, %parallel_loop3A_133], %parallel_loop3A_134 {add = true} : memref<512x128xf32, #tpu.memory_space<vmem>>[vector<16xi32>, vector<16xi32>], vector<16xf32>,
        %parallel_loop3A_135 = arith.constant 64 : i32
        %parallel_loop3A_136 = vector.broadcast %parallel_loop3A_135 : i32 to vector<16xi32>
        %parallel_loop3A_137 = arith.addi %iota3A, %parallel_loop3A_136 : vector<16xi32>
        %parallel_loop3A_138 = tpu.vector_load_idx %arg7[%parallel_loop3A_114, %parallel_loop3A_137] : memref<128x128xf32, #tpu.memory_space<vmem>>[vector<16xi32>, vector<16xi32>], vector<16xf32>,
        tpu.vector_store_idx %arg9[%parallel_loop3A_118, %parallel_loop3A_137], %parallel_loop3A_138 {add = true} : memref<512x128xf32, #tpu.memory_space<vmem>>[vector<16xi32>, vector<16xi32>], vector<16xf32>,
        %parallel_loop3A_139 = arith.constant 80 : i32
        %parallel_loop3A_140 = vector.broadcast %parallel_loop3A_139 : i32 to vector<16xi32>
        %parallel_loop3A_141 = arith.addi %iota3A, %parallel_loop3A_140 : vector<16xi32>
        %parallel_loop3A_142 = tpu.vector_load_idx %arg7[%parallel_loop3A_114, %parallel_loop3A_141] : memref<128x128xf32, #tpu.memory_space<vmem>>[vector<16xi32>, vector<16xi32>], vector<16xf32>,
        tpu.vector_store_idx %arg9[%parallel_loop3A_118, %parallel_loop3A_141], %parallel_loop3A_142 {add = true} : memref<512x128xf32, #tpu.memory_space<vmem>>[vector<16xi32>, vector<16xi32>], vector<16xf32>,
        %parallel_loop3A_143 = arith.constant 96 : i32
        %parallel_loop3A_144 = vector.broadcast %parallel_loop3A_143 : i32 to vector<16xi32>
        %parallel_loop3A_145 = arith.addi %iota3A, %parallel_loop3A_144 : vector<16xi32>
        %parallel_loop3A_146 = tpu.vector_load_idx %arg7[%parallel_loop3A_114, %parallel_loop3A_145] : memref<128x128xf32, #tpu.memory_space<vmem>>[vector<16xi32>, vector<16xi32>], vector<16xf32>,
        tpu.vector_store_idx %arg9[%parallel_loop3A_118, %parallel_loop3A_145], %parallel_loop3A_146 {add = true} : memref<512x128xf32, #tpu.memory_space<vmem>>[vector<16xi32>, vector<16xi32>], vector<16xf32>,
        %parallel_loop3A_147 = arith.constant 112 : i32
        %parallel_loop3A_148 = vector.broadcast %parallel_loop3A_147 : i32 to vector<16xi32>
        %parallel_loop3A_149 = arith.addi %iota3A, %parallel_loop3A_148 : vector<16xi32>
        %parallel_loop3A_150 = tpu.vector_load_idx %arg7[%parallel_loop3A_114, %parallel_loop3A_149] : memref<128x128xf32, #tpu.memory_space<vmem>>[vector<16xi32>, vector<16xi32>], vector<16xf32>,
        tpu.vector_store_idx %arg9[%parallel_loop3A_118, %parallel_loop3A_149], %parallel_loop3A_150 {add = true} : memref<512x128xf32, #tpu.memory_space<vmem>>[vector<16xi32>, vector<16xi32>], vector<16xf32>,
      } {sc.loop_unroll_factor = 8 : i64, sc.parallel_access}
      %dma_wait3A_56 = tpu.memref_slice %arg2[%add3A_51, %mul3A_35] : memref<8192x768xf32, #tpu.memory_space<hbm>> -> memref<128x128xf32, #tpu.memory_space<hbm>>
      %dma_wait3A_57 = tpu.memref_slice %arg2[%add3A_51, %mul3A_35] : memref<8192x768xf32, #tpu.memory_space<hbm>> -> memref<128x128xf32, #tpu.memory_space<hbm>>
      tpu.wait_dma2 semaphore(%arg11 : memref<!tpu.dma_semaphore, #tpu.memory_space<semaphore_mem>>) src(%dma_wait3A_57 : memref<128x128xf32, #tpu.memory_space<hbm>>) dst(%arg8 : memref<128x128xf32, #tpu.memory_space<vmem>>)
      %mul3A_58 = arith.constant 768 : i32
      %mul3A_59 = arith.muli %select_n3A_33, %mul3A_58 : i32
      %add3A_60 = arith.constant 0 : i32
      %add3A_61 = arith.addi %add3A_60, %mul3A_59 : i32
      %add3A_62 = arith.constant 256 : i32
      %add3A_63 = arith.addi %add3A_61, %add3A_62 : i32
      %dma_start3A_64 = tpu.memref_slice %arg2[%add3A_63, %mul3A_35] : memref<8192x768xf32, #tpu.memory_space<hbm>> -> memref<128x128xf32, #tpu.memory_space<hbm>>
      %dma_start3A_65 = tpu.memref_slice %arg2[%add3A_63, %mul3A_35] : memref<8192x768xf32, #tpu.memory_space<hbm>> -> memref<128x128xf32, #tpu.memory_space<hbm>>
      tpu.enqueue_dma source(%dma_start3A_65 : memref<128x128xf32, #tpu.memory_space<hbm>>) target(%arg7 : memref<128x128xf32, #tpu.memory_space<vmem>>) target_semaphore(%arg10 : memref<!tpu.dma_semaphore, #tpu.memory_space<semaphore_mem>>)
      %parallel_loop3A_66 = arith.constant 0 : i32
      %parallel_loop3A_67 = arith.constant 128 : i32
      %parallel_loop3A_68 = arith.constant 1 : i32
      scf.for %parallel_loop3A_113 = %parallel_loop3A_66 to %parallel_loop3A_67 step %parallel_loop3A_68  : i32 {
        %parallel_loop3A_114 = vector.broadcast %parallel_loop3A_113 : i32 to vector<16xi32>
        %parallel_loop3A_115 = arith.constant 128 : i32
        %parallel_loop3A_116 = vector.broadcast %parallel_loop3A_115 : i32 to vector<16xi32>
        %parallel_loop3A_117 = arith.addi %parallel_loop3A_114, %parallel_loop3A_116 : vector<16xi32>
        %parallel_loop3A_118 = tpu.vector_load_idx %arg6[%parallel_loop3A_117] : memref<768xi32, #tpu.memory_space<vmem>>[vector<16xi32>], vector<16xi32>,
        %parallel_loop3A_119 = arith.constant 0 : i32
        %parallel_loop3A_120 = vector.broadcast %parallel_loop3A_119 : i32 to vector<16xi32>
        %parallel_loop3A_121 = arith.addi %iota3A, %parallel_loop3A_120 : vector<16xi32>
        %parallel_loop3A_122 = tpu.vector_load_idx %arg8[%parallel_loop3A_114, %parallel_loop3A_121] : memref<128x128xf32, #tpu.memory_space<vmem>>[vector<16xi32>, vector<16xi32>], vector<16xf32>,
        tpu.vector_store_idx %arg9[%parallel_loop3A_118, %parallel_loop3A_121], %parallel_loop3A_122 {add = true} : memref<512x128xf32, #tpu.memory_space<vmem>>[vector<16xi32>, vector<16xi32>], vector<16xf32>,
        %parallel_loop3A_123 = arith.constant 16 : i32
        %parallel_loop3A_124 = vector.broadcast %parallel_loop3A_123 : i32 to vector<16xi32>
        %parallel_loop3A_125 = arith.addi %iota3A, %parallel_loop3A_124 : vector<16xi32>
        %parallel_loop3A_126 = tpu.vector_load_idx %arg8[%parallel_loop3A_114, %parallel_loop3A_125] : memref<128x128xf32, #tpu.memory_space<vmem>>[vector<16xi32>, vector<16xi32>], vector<16xf32>,
        tpu.vector_store_idx %arg9[%parallel_loop3A_118, %parallel_loop3A_125], %parallel_loop3A_126 {add = true} : memref<512x128xf32, #tpu.memory_space<vmem>>[vector<16xi32>, vector<16xi32>], vector<16xf32>,
        %parallel_loop3A_127 = arith.constant 32 : i32
        %parallel_loop3A_128 = vector.broadcast %parallel_loop3A_127 : i32 to vector<16xi32>
        %parallel_loop3A_129 = arith.addi %iota3A, %parallel_loop3A_128 : vector<16xi32>
        %parallel_loop3A_130 = tpu.vector_load_idx %arg8[%parallel_loop3A_114, %parallel_loop3A_129] : memref<128x128xf32, #tpu.memory_space<vmem>>[vector<16xi32>, vector<16xi32>], vector<16xf32>,
        tpu.vector_store_idx %arg9[%parallel_loop3A_118, %parallel_loop3A_129], %parallel_loop3A_130 {add = true} : memref<512x128xf32, #tpu.memory_space<vmem>>[vector<16xi32>, vector<16xi32>], vector<16xf32>,
        %parallel_loop3A_131 = arith.constant 48 : i32
        %parallel_loop3A_132 = vector.broadcast %parallel_loop3A_131 : i32 to vector<16xi32>
        %parallel_loop3A_133 = arith.addi %iota3A, %parallel_loop3A_132 : vector<16xi32>
        %parallel_loop3A_134 = tpu.vector_load_idx %arg8[%parallel_loop3A_114, %parallel_loop3A_133] : memref<128x128xf32, #tpu.memory_space<vmem>>[vector<16xi32>, vector<16xi32>], vector<16xf32>,
        tpu.vector_store_idx %arg9[%parallel_loop3A_118, %parallel_loop3A_133], %parallel_loop3A_134 {add = true} : memref<512x128xf32, #tpu.memory_space<vmem>>[vector<16xi32>, vector<16xi32>], vector<16xf32>,
        %parallel_loop3A_135 = arith.constant 64 : i32
        %parallel_loop3A_136 = vector.broadcast %parallel_loop3A_135 : i32 to vector<16xi32>
        %parallel_loop3A_137 = arith.addi %iota3A, %parallel_loop3A_136 : vector<16xi32>
        %parallel_loop3A_138 = tpu.vector_load_idx %arg8[%parallel_loop3A_114, %parallel_loop3A_137] : memref<128x128xf32, #tpu.memory_space<vmem>>[vector<16xi32>, vector<16xi32>], vector<16xf32>,
        tpu.vector_store_idx %arg9[%parallel_loop3A_118, %parallel_loop3A_137], %parallel_loop3A_138 {add = true} : memref<512x128xf32, #tpu.memory_space<vmem>>[vector<16xi32>, vector<16xi32>], vector<16xf32>,
        %parallel_loop3A_139 = arith.constant 80 : i32
        %parallel_loop3A_140 = vector.broadcast %parallel_loop3A_139 : i32 to vector<16xi32>
        %parallel_loop3A_141 = arith.addi %iota3A, %parallel_loop3A_140 : vector<16xi32>
        %parallel_loop3A_142 = tpu.vector_load_idx %arg8[%parallel_loop3A_114, %parallel_loop3A_141] : memref<128x128xf32, #tpu.memory_space<vmem>>[vector<16xi32>, vector<16xi32>], vector<16xf32>,
        tpu.vector_store_idx %arg9[%parallel_loop3A_118, %parallel_loop3A_141], %parallel_loop3A_142 {add = true} : memref<512x128xf32, #tpu.memory_space<vmem>>[vector<16xi32>, vector<16xi32>], vector<16xf32>,
        %parallel_loop3A_143 = arith.constant 96 : i32
        %parallel_loop3A_144 = vector.broadcast %parallel_loop3A_143 : i32 to vector<16xi32>
        %parallel_loop3A_145 = arith.addi %iota3A, %parallel_loop3A_144 : vector<16xi32>
        %parallel_loop3A_146 = tpu.vector_load_idx %arg8[%parallel_loop3A_114, %parallel_loop3A_145] : memref<128x128xf32, #tpu.memory_space<vmem>>[vector<16xi32>, vector<16xi32>], vector<16xf32>,
        tpu.vector_store_idx %arg9[%parallel_loop3A_118, %parallel_loop3A_145], %parallel_loop3A_146 {add = true} : memref<512x128xf32, #tpu.memory_space<vmem>>[vector<16xi32>, vector<16xi32>], vector<16xf32>,
        %parallel_loop3A_147 = arith.constant 112 : i32
        %parallel_loop3A_148 = vector.broadcast %parallel_loop3A_147 : i32 to vector<16xi32>
        %parallel_loop3A_149 = arith.addi %iota3A, %parallel_loop3A_148 : vector<16xi32>
        %parallel_loop3A_150 = tpu.vector_load_idx %arg8[%parallel_loop3A_114, %parallel_loop3A_149] : memref<128x128xf32, #tpu.memory_space<vmem>>[vector<16xi32>, vector<16xi32>], vector<16xf32>,
        tpu.vector_store_idx %arg9[%parallel_loop3A_118, %parallel_loop3A_149], %parallel_loop3A_150 {add = true} : memref<512x128xf32, #tpu.memory_space<vmem>>[vector<16xi32>, vector<16xi32>], vector<16xf32>,
      } {sc.loop_unroll_factor = 8 : i64, sc.parallel_access}
      %dma_wait3A_69 = tpu.memref_slice %arg2[%add3A_63, %mul3A_35] : memref<8192x768xf32, #tpu.memory_space<hbm>> -> memref<128x128xf32, #tpu.memory_space<hbm>>
      %dma_wait3A_70 = tpu.memref_slice %arg2[%add3A_63, %mul3A_35] : memref<8192x768xf32, #tpu.memory_space<hbm>> -> memref<128x128xf32, #tpu.memory_space<hbm>>
      tpu.wait_dma2 semaphore(%arg10 : memref<!tpu.dma_semaphore, #tpu.memory_space<semaphore_mem>>) src(%dma_wait3A_70 : memref<128x128xf32, #tpu.memory_space<hbm>>) dst(%arg7 : memref<128x128xf32, #tpu.memory_space<vmem>>)
      %mul3A_71 = arith.constant 768 : i32
      %mul3A_72 = arith.muli %select_n3A_33, %mul3A_71 : i32
      %add3A_73 = arith.constant 0 : i32
      %add3A_74 = arith.addi %add3A_73, %mul3A_72 : i32
      %add3A_75 = arith.constant 384 : i32
      %add3A_76 = arith.addi %add3A_74, %add3A_75 : i32
      %dma_start3A_77 = tpu.memref_slice %arg2[%add3A_76, %mul3A_35] : memref<8192x768xf32, #tpu.memory_space<hbm>> -> memref<128x128xf32, #tpu.memory_space<hbm>>
      %dma_start3A_78 = tpu.memref_slice %arg2[%add3A_76, %mul3A_35] : memref<8192x768xf32, #tpu.memory_space<hbm>> -> memref<128x128xf32, #tpu.memory_space<hbm>>
      tpu.enqueue_dma source(%dma_start3A_78 : memref<128x128xf32, #tpu.memory_space<hbm>>) target(%arg8 : memref<128x128xf32, #tpu.memory_space<vmem>>) target_semaphore(%arg11 : memref<!tpu.dma_semaphore, #tpu.memory_space<semaphore_mem>>)
      %parallel_loop3A_79 = arith.constant 0 : i32
      %parallel_loop3A_80 = arith.constant 128 : i32
      %parallel_loop3A_81 = arith.constant 1 : i32
      scf.for %parallel_loop3A_113 = %parallel_loop3A_79 to %parallel_loop3A_80 step %parallel_loop3A_81  : i32 {
        %parallel_loop3A_114 = vector.broadcast %parallel_loop3A_113 : i32 to vector<16xi32>
        %parallel_loop3A_115 = arith.constant 256 : i32
        %parallel_loop3A_116 = vector.broadcast %parallel_loop3A_115 : i32 to vector<16xi32>
        %parallel_loop3A_117 = arith.addi %parallel_loop3A_114, %parallel_loop3A_116 : vector<16xi32>
        %parallel_loop3A_118 = tpu.vector_load_idx %arg6[%parallel_loop3A_117] : memref<768xi32, #tpu.memory_space<vmem>>[vector<16xi32>], vector<16xi32>,
        %parallel_loop3A_119 = arith.constant 0 : i32
        %parallel_loop3A_120 = vector.broadcast %parallel_loop3A_119 : i32 to vector<16xi32>
        %parallel_loop3A_121 = arith.addi %iota3A, %parallel_loop3A_120 : vector<16xi32>
        %parallel_loop3A_122 = tpu.vector_load_idx %arg7[%parallel_loop3A_114, %parallel_loop3A_121] : memref<128x128xf32, #tpu.memory_space<vmem>>[vector<16xi32>, vector<16xi32>], vector<16xf32>,
        tpu.vector_store_idx %arg9[%parallel_loop3A_118, %parallel_loop3A_121], %parallel_loop3A_122 {add = true} : memref<512x128xf32, #tpu.memory_space<vmem>>[vector<16xi32>, vector<16xi32>], vector<16xf32>,
        %parallel_loop3A_123 = arith.constant 16 : i32
        %parallel_loop3A_124 = vector.broadcast %parallel_loop3A_123 : i32 to vector<16xi32>
        %parallel_loop3A_125 = arith.addi %iota3A, %parallel_loop3A_124 : vector<16xi32>
        %parallel_loop3A_126 = tpu.vector_load_idx %arg7[%parallel_loop3A_114, %parallel_loop3A_125] : memref<128x128xf32, #tpu.memory_space<vmem>>[vector<16xi32>, vector<16xi32>], vector<16xf32>,
        tpu.vector_store_idx %arg9[%parallel_loop3A_118, %parallel_loop3A_125], %parallel_loop3A_126 {add = true} : memref<512x128xf32, #tpu.memory_space<vmem>>[vector<16xi32>, vector<16xi32>], vector<16xf32>,
        %parallel_loop3A_127 = arith.constant 32 : i32
        %parallel_loop3A_128 = vector.broadcast %parallel_loop3A_127 : i32 to vector<16xi32>
        %parallel_loop3A_129 = arith.addi %iota3A, %parallel_loop3A_128 : vector<16xi32>
        %parallel_loop3A_130 = tpu.vector_load_idx %arg7[%parallel_loop3A_114, %parallel_loop3A_129] : memref<128x128xf32, #tpu.memory_space<vmem>>[vector<16xi32>, vector<16xi32>], vector<16xf32>,
        tpu.vector_store_idx %arg9[%parallel_loop3A_118, %parallel_loop3A_129], %parallel_loop3A_130 {add = true} : memref<512x128xf32, #tpu.memory_space<vmem>>[vector<16xi32>, vector<16xi32>], vector<16xf32>,
        %parallel_loop3A_131 = arith.constant 48 : i32
        %parallel_loop3A_132 = vector.broadcast %parallel_loop3A_131 : i32 to vector<16xi32>
        %parallel_loop3A_133 = arith.addi %iota3A, %parallel_loop3A_132 : vector<16xi32>
        %parallel_loop3A_134 = tpu.vector_load_idx %arg7[%parallel_loop3A_114, %parallel_loop3A_133] : memref<128x128xf32, #tpu.memory_space<vmem>>[vector<16xi32>, vector<16xi32>], vector<16xf32>,
        tpu.vector_store_idx %arg9[%parallel_loop3A_118, %parallel_loop3A_133], %parallel_loop3A_134 {add = true} : memref<512x128xf32, #tpu.memory_space<vmem>>[vector<16xi32>, vector<16xi32>], vector<16xf32>,
        %parallel_loop3A_135 = arith.constant 64 : i32
        %parallel_loop3A_136 = vector.broadcast %parallel_loop3A_135 : i32 to vector<16xi32>
        %parallel_loop3A_137 = arith.addi %iota3A, %parallel_loop3A_136 : vector<16xi32>
        %parallel_loop3A_138 = tpu.vector_load_idx %arg7[%parallel_loop3A_114, %parallel_loop3A_137] : memref<128x128xf32, #tpu.memory_space<vmem>>[vector<16xi32>, vector<16xi32>], vector<16xf32>,
        tpu.vector_store_idx %arg9[%parallel_loop3A_118, %parallel_loop3A_137], %parallel_loop3A_138 {add = true} : memref<512x128xf32, #tpu.memory_space<vmem>>[vector<16xi32>, vector<16xi32>], vector<16xf32>,
        %parallel_loop3A_139 = arith.constant 80 : i32
        %parallel_loop3A_140 = vector.broadcast %parallel_loop3A_139 : i32 to vector<16xi32>
        %parallel_loop3A_141 = arith.addi %iota3A, %parallel_loop3A_140 : vector<16xi32>
        %parallel_loop3A_142 = tpu.vector_load_idx %arg7[%parallel_loop3A_114, %parallel_loop3A_141] : memref<128x128xf32, #tpu.memory_space<vmem>>[vector<16xi32>, vector<16xi32>], vector<16xf32>,
        tpu.vector_store_idx %arg9[%parallel_loop3A_118, %parallel_loop3A_141], %parallel_loop3A_142 {add = true} : memref<512x128xf32, #tpu.memory_space<vmem>>[vector<16xi32>, vector<16xi32>], vector<16xf32>,
        %parallel_loop3A_143 = arith.constant 96 : i32
        %parallel_loop3A_144 = vector.broadcast %parallel_loop3A_143 : i32 to vector<16xi32>
        %parallel_loop3A_145 = arith.addi %iota3A, %parallel_loop3A_144 : vector<16xi32>
        %parallel_loop3A_146 = tpu.vector_load_idx %arg7[%parallel_loop3A_114, %parallel_loop3A_145] : memref<128x128xf32, #tpu.memory_space<vmem>>[vector<16xi32>, vector<16xi32>], vector<16xf32>,
        tpu.vector_store_idx %arg9[%parallel_loop3A_118, %parallel_loop3A_145], %parallel_loop3A_146 {add = true} : memref<512x128xf32, #tpu.memory_space<vmem>>[vector<16xi32>, vector<16xi32>], vector<16xf32>,
        %parallel_loop3A_147 = arith.constant 112 : i32
        %parallel_loop3A_148 = vector.broadcast %parallel_loop3A_147 : i32 to vector<16xi32>
        %parallel_loop3A_149 = arith.addi %iota3A, %parallel_loop3A_148 : vector<16xi32>
        %parallel_loop3A_150 = tpu.vector_load_idx %arg7[%parallel_loop3A_114, %parallel_loop3A_149] : memref<128x128xf32, #tpu.memory_space<vmem>>[vector<16xi32>, vector<16xi32>], vector<16xf32>,
        tpu.vector_store_idx %arg9[%parallel_loop3A_118, %parallel_loop3A_149], %parallel_loop3A_150 {add = true} : memref<512x128xf32, #tpu.memory_space<vmem>>[vector<16xi32>, vector<16xi32>], vector<16xf32>,
      } {sc.loop_unroll_factor = 8 : i64, sc.parallel_access}
      %dma_wait3A_82 = tpu.memref_slice %arg2[%add3A_76, %mul3A_35] : memref<8192x768xf32, #tpu.memory_space<hbm>> -> memref<128x128xf32, #tpu.memory_space<hbm>>
      %dma_wait3A_83 = tpu.memref_slice %arg2[%add3A_76, %mul3A_35] : memref<8192x768xf32, #tpu.memory_space<hbm>> -> memref<128x128xf32, #tpu.memory_space<hbm>>
      tpu.wait_dma2 semaphore(%arg11 : memref<!tpu.dma_semaphore, #tpu.memory_space<semaphore_mem>>) src(%dma_wait3A_83 : memref<128x128xf32, #tpu.memory_space<hbm>>) dst(%arg8 : memref<128x128xf32, #tpu.memory_space<vmem>>)
      %mul3A_84 = arith.constant 768 : i32
      %mul3A_85 = arith.muli %select_n3A_33, %mul3A_84 : i32
      %add3A_86 = arith.constant 0 : i32
      %add3A_87 = arith.addi %add3A_86, %mul3A_85 : i32
      %add3A_88 = arith.constant 512 : i32
      %add3A_89 = arith.addi %add3A_87, %add3A_88 : i32
      %dma_start3A_90 = tpu.memref_slice %arg2[%add3A_89, %mul3A_35] : memref<8192x768xf32, #tpu.memory_space<hbm>> -> memref<128x128xf32, #tpu.memory_space<hbm>>
      %dma_start3A_91 = tpu.memref_slice %arg2[%add3A_89, %mul3A_35] : memref<8192x768xf32, #tpu.memory_space<hbm>> -> memref<128x128xf32, #tpu.memory_space<hbm>>
      tpu.enqueue_dma source(%dma_start3A_91 : memref<128x128xf32, #tpu.memory_space<hbm>>) target(%arg7 : memref<128x128xf32, #tpu.memory_space<vmem>>) target_semaphore(%arg10 : memref<!tpu.dma_semaphore, #tpu.memory_space<semaphore_mem>>)
      %parallel_loop3A_92 = arith.constant 0 : i32
      %parallel_loop3A_93 = arith.constant 128 : i32
      %parallel_loop3A_94 = arith.constant 1 : i32
      scf.for %parallel_loop3A_113 = %parallel_loop3A_92 to %parallel_loop3A_93 step %parallel_loop3A_94  : i32 {
        %parallel_loop3A_114 = vector.broadcast %parallel_loop3A_113 : i32 to vector<16xi32>
        %parallel_loop3A_115 = arith.constant 384 : i32
        %parallel_loop3A_116 = vector.broadcast %parallel_loop3A_115 : i32 to vector<16xi32>
        %parallel_loop3A_117 = arith.addi %parallel_loop3A_114, %parallel_loop3A_116 : vector<16xi32>
        %parallel_loop3A_118 = tpu.vector_load_idx %arg6[%parallel_loop3A_117] : memref<768xi32, #tpu.memory_space<vmem>>[vector<16xi32>], vector<16xi32>,
        %parallel_loop3A_119 = arith.constant 0 : i32
        %parallel_loop3A_120 = vector.broadcast %parallel_loop3A_119 : i32 to vector<16xi32>
        %parallel_loop3A_121 = arith.addi %iota3A, %parallel_loop3A_120 : vector<16xi32>
        %parallel_loop3A_122 = tpu.vector_load_idx %arg8[%parallel_loop3A_114, %parallel_loop3A_121] : memref<128x128xf32, #tpu.memory_space<vmem>>[vector<16xi32>, vector<16xi32>], vector<16xf32>,
        tpu.vector_store_idx %arg9[%parallel_loop3A_118, %parallel_loop3A_121], %parallel_loop3A_122 {add = true} : memref<512x128xf32, #tpu.memory_space<vmem>>[vector<16xi32>, vector<16xi32>], vector<16xf32>,
        %parallel_loop3A_123 = arith.constant 16 : i32
        %parallel_loop3A_124 = vector.broadcast %parallel_loop3A_123 : i32 to vector<16xi32>
        %parallel_loop3A_125 = arith.addi %iota3A, %parallel_loop3A_124 : vector<16xi32>
        %parallel_loop3A_126 = tpu.vector_load_idx %arg8[%parallel_loop3A_114, %parallel_loop3A_125] : memref<128x128xf32, #tpu.memory_space<vmem>>[vector<16xi32>, vector<16xi32>], vector<16xf32>,
        tpu.vector_store_idx %arg9[%parallel_loop3A_118, %parallel_loop3A_125], %parallel_loop3A_126 {add = true} : memref<512x128xf32, #tpu.memory_space<vmem>>[vector<16xi32>, vector<16xi32>], vector<16xf32>,
        %parallel_loop3A_127 = arith.constant 32 : i32
        %parallel_loop3A_128 = vector.broadcast %parallel_loop3A_127 : i32 to vector<16xi32>
        %parallel_loop3A_129 = arith.addi %iota3A, %parallel_loop3A_128 : vector<16xi32>
        %parallel_loop3A_130 = tpu.vector_load_idx %arg8[%parallel_loop3A_114, %parallel_loop3A_129] : memref<128x128xf32, #tpu.memory_space<vmem>>[vector<16xi32>, vector<16xi32>], vector<16xf32>,
        tpu.vector_store_idx %arg9[%parallel_loop3A_118, %parallel_loop3A_129], %parallel_loop3A_130 {add = true} : memref<512x128xf32, #tpu.memory_space<vmem>>[vector<16xi32>, vector<16xi32>], vector<16xf32>,
        %parallel_loop3A_131 = arith.constant 48 : i32
        %parallel_loop3A_132 = vector.broadcast %parallel_loop3A_131 : i32 to vector<16xi32>
        %parallel_loop3A_133 = arith.addi %iota3A, %parallel_loop3A_132 : vector<16xi32>
        %parallel_loop3A_134 = tpu.vector_load_idx %arg8[%parallel_loop3A_114, %parallel_loop3A_133] : memref<128x128xf32, #tpu.memory_space<vmem>>[vector<16xi32>, vector<16xi32>], vector<16xf32>,
        tpu.vector_store_idx %arg9[%parallel_loop3A_118, %parallel_loop3A_133], %parallel_loop3A_134 {add = true} : memref<512x128xf32, #tpu.memory_space<vmem>>[vector<16xi32>, vector<16xi32>], vector<16xf32>,
        %parallel_loop3A_135 = arith.constant 64 : i32
        %parallel_loop3A_136 = vector.broadcast %parallel_loop3A_135 : i32 to vector<16xi32>
        %parallel_loop3A_137 = arith.addi %iota3A, %parallel_loop3A_136 : vector<16xi32>
        %parallel_loop3A_138 = tpu.vector_load_idx %arg8[%parallel_loop3A_114, %parallel_loop3A_137] : memref<128x128xf32, #tpu.memory_space<vmem>>[vector<16xi32>, vector<16xi32>], vector<16xf32>,
        tpu.vector_store_idx %arg9[%parallel_loop3A_118, %parallel_loop3A_137], %parallel_loop3A_138 {add = true} : memref<512x128xf32, #tpu.memory_space<vmem>>[vector<16xi32>, vector<16xi32>], vector<16xf32>,
        %parallel_loop3A_139 = arith.constant 80 : i32
        %parallel_loop3A_140 = vector.broadcast %parallel_loop3A_139 : i32 to vector<16xi32>
        %parallel_loop3A_141 = arith.addi %iota3A, %parallel_loop3A_140 : vector<16xi32>
        %parallel_loop3A_142 = tpu.vector_load_idx %arg8[%parallel_loop3A_114, %parallel_loop3A_141] : memref<128x128xf32, #tpu.memory_space<vmem>>[vector<16xi32>, vector<16xi32>], vector<16xf32>,
        tpu.vector_store_idx %arg9[%parallel_loop3A_118, %parallel_loop3A_141], %parallel_loop3A_142 {add = true} : memref<512x128xf32, #tpu.memory_space<vmem>>[vector<16xi32>, vector<16xi32>], vector<16xf32>,
        %parallel_loop3A_143 = arith.constant 96 : i32
        %parallel_loop3A_144 = vector.broadcast %parallel_loop3A_143 : i32 to vector<16xi32>
        %parallel_loop3A_145 = arith.addi %iota3A, %parallel_loop3A_144 : vector<16xi32>
        %parallel_loop3A_146 = tpu.vector_load_idx %arg8[%parallel_loop3A_114, %parallel_loop3A_145] : memref<128x128xf32, #tpu.memory_space<vmem>>[vector<16xi32>, vector<16xi32>], vector<16xf32>,
        tpu.vector_store_idx %arg9[%parallel_loop3A_118, %parallel_loop3A_145], %parallel_loop3A_146 {add = true} : memref<512x128xf32, #tpu.memory_space<vmem>>[vector<16xi32>, vector<16xi32>], vector<16xf32>,
        %parallel_loop3A_147 = arith.constant 112 : i32
        %parallel_loop3A_148 = vector.broadcast %parallel_loop3A_147 : i32 to vector<16xi32>
        %parallel_loop3A_149 = arith.addi %iota3A, %parallel_loop3A_148 : vector<16xi32>
        %parallel_loop3A_150 = tpu.vector_load_idx %arg8[%parallel_loop3A_114, %parallel_loop3A_149] : memref<128x128xf32, #tpu.memory_space<vmem>>[vector<16xi32>, vector<16xi32>], vector<16xf32>,
        tpu.vector_store_idx %arg9[%parallel_loop3A_118, %parallel_loop3A_149], %parallel_loop3A_150 {add = true} : memref<512x128xf32, #tpu.memory_space<vmem>>[vector<16xi32>, vector<16xi32>], vector<16xf32>,
      } {sc.loop_unroll_factor = 8 : i64, sc.parallel_access}
      %dma_wait3A_95 = tpu.memref_slice %arg2[%add3A_89, %mul3A_35] : memref<8192x768xf32, #tpu.memory_space<hbm>> -> memref<128x128xf32, #tpu.memory_space<hbm>>
      %dma_wait3A_96 = tpu.memref_slice %arg2[%add3A_89, %mul3A_35] : memref<8192x768xf32, #tpu.memory_space<hbm>> -> memref<128x128xf32, #tpu.memory_space<hbm>>
      tpu.wait_dma2 semaphore(%arg10 : memref<!tpu.dma_semaphore, #tpu.memory_space<semaphore_mem>>) src(%dma_wait3A_96 : memref<128x128xf32, #tpu.memory_space<hbm>>) dst(%arg7 : memref<128x128xf32, #tpu.memory_space<vmem>>)
      %mul3A_97 = arith.constant 768 : i32
      %mul3A_98 = arith.muli %select_n3A_33, %mul3A_97 : i32
      %add3A_99 = arith.constant 0 : i32
      %add3A_100 = arith.addi %add3A_99, %mul3A_98 : i32
      %add3A_101 = arith.constant 640 : i32
      %add3A_102 = arith.addi %add3A_100, %add3A_101 : i32
      %dma_start3A_103 = tpu.memref_slice %arg2[%add3A_102, %mul3A_35] : memref<8192x768xf32, #tpu.memory_space<hbm>> -> memref<128x128xf32, #tpu.memory_space<hbm>>
      %dma_start3A_104 = tpu.memref_slice %arg2[%add3A_102, %mul3A_35] : memref<8192x768xf32, #tpu.memory_space<hbm>> -> memref<128x128xf32, #tpu.memory_space<hbm>>
      tpu.enqueue_dma source(%dma_start3A_104 : memref<128x128xf32, #tpu.memory_space<hbm>>) target(%arg8 : memref<128x128xf32, #tpu.memory_space<vmem>>) target_semaphore(%arg11 : memref<!tpu.dma_semaphore, #tpu.memory_space<semaphore_mem>>)
      %parallel_loop3A_105 = arith.constant 0 : i32
      %parallel_loop3A_106 = arith.constant 128 : i32
      %parallel_loop3A_107 = arith.constant 1 : i32
      scf.for %parallel_loop3A_113 = %parallel_loop3A_105 to %parallel_loop3A_106 step %parallel_loop3A_107  : i32 {
        %parallel_loop3A_114 = vector.broadcast %parallel_loop3A_113 : i32 to vector<16xi32>
        %parallel_loop3A_115 = arith.constant 512 : i32
        %parallel_loop3A_116 = vector.broadcast %parallel_loop3A_115 : i32 to vector<16xi32>
        %parallel_loop3A_117 = arith.addi %parallel_loop3A_114, %parallel_loop3A_116 : vector<16xi32>
        %parallel_loop3A_118 = tpu.vector_load_idx %arg6[%parallel_loop3A_117] : memref<768xi32, #tpu.memory_space<vmem>>[vector<16xi32>], vector<16xi32>,
        %parallel_loop3A_119 = arith.constant 0 : i32
        %parallel_loop3A_120 = vector.broadcast %parallel_loop3A_119 : i32 to vector<16xi32>
        %parallel_loop3A_121 = arith.addi %iota3A, %parallel_loop3A_120 : vector<16xi32>
        %parallel_loop3A_122 = tpu.vector_load_idx %arg7[%parallel_loop3A_114, %parallel_loop3A_121] : memref<128x128xf32, #tpu.memory_space<vmem>>[vector<16xi32>, vector<16xi32>], vector<16xf32>,
        tpu.vector_store_idx %arg9[%parallel_loop3A_118, %parallel_loop3A_121], %parallel_loop3A_122 {add = true} : memref<512x128xf32, #tpu.memory_space<vmem>>[vector<16xi32>, vector<16xi32>], vector<16xf32>,
        %parallel_loop3A_123 = arith.constant 16 : i32
        %parallel_loop3A_124 = vector.broadcast %parallel_loop3A_123 : i32 to vector<16xi32>
        %parallel_loop3A_125 = arith.addi %iota3A, %parallel_loop3A_124 : vector<16xi32>
        %parallel_loop3A_126 = tpu.vector_load_idx %arg7[%parallel_loop3A_114, %parallel_loop3A_125] : memref<128x128xf32, #tpu.memory_space<vmem>>[vector<16xi32>, vector<16xi32>], vector<16xf32>,
        tpu.vector_store_idx %arg9[%parallel_loop3A_118, %parallel_loop3A_125], %parallel_loop3A_126 {add = true} : memref<512x128xf32, #tpu.memory_space<vmem>>[vector<16xi32>, vector<16xi32>], vector<16xf32>,
        %parallel_loop3A_127 = arith.constant 32 : i32
        %parallel_loop3A_128 = vector.broadcast %parallel_loop3A_127 : i32 to vector<16xi32>
        %parallel_loop3A_129 = arith.addi %iota3A, %parallel_loop3A_128 : vector<16xi32>
        %parallel_loop3A_130 = tpu.vector_load_idx %arg7[%parallel_loop3A_114, %parallel_loop3A_129] : memref<128x128xf32, #tpu.memory_space<vmem>>[vector<16xi32>, vector<16xi32>], vector<16xf32>,
        tpu.vector_store_idx %arg9[%parallel_loop3A_118, %parallel_loop3A_129], %parallel_loop3A_130 {add = true} : memref<512x128xf32, #tpu.memory_space<vmem>>[vector<16xi32>, vector<16xi32>], vector<16xf32>,
        %parallel_loop3A_131 = arith.constant 48 : i32
        %parallel_loop3A_132 = vector.broadcast %parallel_loop3A_131 : i32 to vector<16xi32>
        %parallel_loop3A_133 = arith.addi %iota3A, %parallel_loop3A_132 : vector<16xi32>
        %parallel_loop3A_134 = tpu.vector_load_idx %arg7[%parallel_loop3A_114, %parallel_loop3A_133] : memref<128x128xf32, #tpu.memory_space<vmem>>[vector<16xi32>, vector<16xi32>], vector<16xf32>,
        tpu.vector_store_idx %arg9[%parallel_loop3A_118, %parallel_loop3A_133], %parallel_loop3A_134 {add = true} : memref<512x128xf32, #tpu.memory_space<vmem>>[vector<16xi32>, vector<16xi32>], vector<16xf32>,
        %parallel_loop3A_135 = arith.constant 64 : i32
        %parallel_loop3A_136 = vector.broadcast %parallel_loop3A_135 : i32 to vector<16xi32>
        %parallel_loop3A_137 = arith.addi %iota3A, %parallel_loop3A_136 : vector<16xi32>
        %parallel_loop3A_138 = tpu.vector_load_idx %arg7[%parallel_loop3A_114, %parallel_loop3A_137] : memref<128x128xf32, #tpu.memory_space<vmem>>[vector<16xi32>, vector<16xi32>], vector<16xf32>,
        tpu.vector_store_idx %arg9[%parallel_loop3A_118, %parallel_loop3A_137], %parallel_loop3A_138 {add = true} : memref<512x128xf32, #tpu.memory_space<vmem>>[vector<16xi32>, vector<16xi32>], vector<16xf32>,
        %parallel_loop3A_139 = arith.constant 80 : i32
        %parallel_loop3A_140 = vector.broadcast %parallel_loop3A_139 : i32 to vector<16xi32>
        %parallel_loop3A_141 = arith.addi %iota3A, %parallel_loop3A_140 : vector<16xi32>
        %parallel_loop3A_142 = tpu.vector_load_idx %arg7[%parallel_loop3A_114, %parallel_loop3A_141] : memref<128x128xf32, #tpu.memory_space<vmem>>[vector<16xi32>, vector<16xi32>], vector<16xf32>,
        tpu.vector_store_idx %arg9[%parallel_loop3A_118, %parallel_loop3A_141], %parallel_loop3A_142 {add = true} : memref<512x128xf32, #tpu.memory_space<vmem>>[vector<16xi32>, vector<16xi32>], vector<16xf32>,
        %parallel_loop3A_143 = arith.constant 96 : i32
        %parallel_loop3A_144 = vector.broadcast %parallel_loop3A_143 : i32 to vector<16xi32>
        %parallel_loop3A_145 = arith.addi %iota3A, %parallel_loop3A_144 : vector<16xi32>
        %parallel_loop3A_146 = tpu.vector_load_idx %arg7[%parallel_loop3A_114, %parallel_loop3A_145] : memref<128x128xf32, #tpu.memory_space<vmem>>[vector<16xi32>, vector<16xi32>], vector<16xf32>,
        tpu.vector_store_idx %arg9[%parallel_loop3A_118, %parallel_loop3A_145], %parallel_loop3A_146 {add = true} : memref<512x128xf32, #tpu.memory_space<vmem>>[vector<16xi32>, vector<16xi32>], vector<16xf32>,
        %parallel_loop3A_147 = arith.constant 112 : i32
        %parallel_loop3A_148 = vector.broadcast %parallel_loop3A_147 : i32 to vector<16xi32>
        %parallel_loop3A_149 = arith.addi %iota3A, %parallel_loop3A_148 : vector<16xi32>
        %parallel_loop3A_150 = tpu.vector_load_idx %arg7[%parallel_loop3A_114, %parallel_loop3A_149] : memref<128x128xf32, #tpu.memory_space<vmem>>[vector<16xi32>, vector<16xi32>], vector<16xf32>,
        tpu.vector_store_idx %arg9[%parallel_loop3A_118, %parallel_loop3A_149], %parallel_loop3A_150 {add = true} : memref<512x128xf32, #tpu.memory_space<vmem>>[vector<16xi32>, vector<16xi32>], vector<16xf32>,
      } {sc.loop_unroll_factor = 8 : i64, sc.parallel_access}
      %dma_wait3A_108 = tpu.memref_slice %arg2[%add3A_102, %mul3A_35] : memref<8192x768xf32, #tpu.memory_space<hbm>> -> memref<128x128xf32, #tpu.memory_space<hbm>>
      %dma_wait3A_109 = tpu.memref_slice %arg2[%add3A_102, %mul3A_35] : memref<8192x768xf32, #tpu.memory_space<hbm>> -> memref<128x128xf32, #tpu.memory_space<hbm>>
      tpu.wait_dma2 semaphore(%arg11 : memref<!tpu.dma_semaphore, #tpu.memory_space<semaphore_mem>>) src(%dma_wait3A_109 : memref<128x128xf32, #tpu.memory_space<hbm>>) dst(%arg8 : memref<128x128xf32, #tpu.memory_space<vmem>>)
      %parallel_loop3A_110 = arith.constant 0 : i32
      %parallel_loop3A_111 = arith.constant 128 : i32
      %parallel_loop3A_112 = arith.constant 1 : i32
      scf.for %parallel_loop3A_113 = %parallel_loop3A_110 to %parallel_loop3A_111 step %parallel_loop3A_112  : i32 {
        %parallel_loop3A_114 = vector.broadcast %parallel_loop3A_113 : i32 to vector<16xi32>
        %parallel_loop3A_115 = arith.constant 640 : i32
        %parallel_loop3A_116 = vector.broadcast %parallel_loop3A_115 : i32 to vector<16xi32>
        %parallel_loop3A_117 = arith.addi %parallel_loop3A_114, %parallel_loop3A_116 : vector<16xi32>
        %parallel_loop3A_118 = tpu.vector_load_idx %arg6[%parallel_loop3A_117] : memref<768xi32, #tpu.memory_space<vmem>>[vector<16xi32>], vector<16xi32>,
        %parallel_loop3A_119 = arith.constant 0 : i32
        %parallel_loop3A_120 = vector.broadcast %parallel_loop3A_119 : i32 to vector<16xi32>
        %parallel_loop3A_121 = arith.addi %iota3A, %parallel_loop3A_120 : vector<16xi32>
        %parallel_loop3A_122 = tpu.vector_load_idx %arg8[%parallel_loop3A_114, %parallel_loop3A_121] : memref<128x128xf32, #tpu.memory_space<vmem>>[vector<16xi32>, vector<16xi32>], vector<16xf32>,
        tpu.vector_store_idx %arg9[%parallel_loop3A_118, %parallel_loop3A_121], %parallel_loop3A_122 {add = true} : memref<512x128xf32, #tpu.memory_space<vmem>>[vector<16xi32>, vector<16xi32>], vector<16xf32>,
        %parallel_loop3A_123 = arith.constant 16 : i32
        %parallel_loop3A_124 = vector.broadcast %parallel_loop3A_123 : i32 to vector<16xi32>
        %parallel_loop3A_125 = arith.addi %iota3A, %parallel_loop3A_124 : vector<16xi32>
        %parallel_loop3A_126 = tpu.vector_load_idx %arg8[%parallel_loop3A_114, %parallel_loop3A_125] : memref<128x128xf32, #tpu.memory_space<vmem>>[vector<16xi32>, vector<16xi32>], vector<16xf32>,
        tpu.vector_store_idx %arg9[%parallel_loop3A_118, %parallel_loop3A_125], %parallel_loop3A_126 {add = true} : memref<512x128xf32, #tpu.memory_space<vmem>>[vector<16xi32>, vector<16xi32>], vector<16xf32>,
        %parallel_loop3A_127 = arith.constant 32 : i32
        %parallel_loop3A_128 = vector.broadcast %parallel_loop3A_127 : i32 to vector<16xi32>
        %parallel_loop3A_129 = arith.addi %iota3A, %parallel_loop3A_128 : vector<16xi32>
        %parallel_loop3A_130 = tpu.vector_load_idx %arg8[%parallel_loop3A_114, %parallel_loop3A_129] : memref<128x128xf32, #tpu.memory_space<vmem>>[vector<16xi32>, vector<16xi32>], vector<16xf32>,
        tpu.vector_store_idx %arg9[%parallel_loop3A_118, %parallel_loop3A_129], %parallel_loop3A_130 {add = true} : memref<512x128xf32, #tpu.memory_space<vmem>>[vector<16xi32>, vector<16xi32>], vector<16xf32>,
        %parallel_loop3A_131 = arith.constant 48 : i32
        %parallel_loop3A_132 = vector.broadcast %parallel_loop3A_131 : i32 to vector<16xi32>
        %parallel_loop3A_133 = arith.addi %iota3A, %parallel_loop3A_132 : vector<16xi32>
        %parallel_loop3A_134 = tpu.vector_load_idx %arg8[%parallel_loop3A_114, %parallel_loop3A_133] : memref<128x128xf32, #tpu.memory_space<vmem>>[vector<16xi32>, vector<16xi32>], vector<16xf32>,
        tpu.vector_store_idx %arg9[%parallel_loop3A_118, %parallel_loop3A_133], %parallel_loop3A_134 {add = true} : memref<512x128xf32, #tpu.memory_space<vmem>>[vector<16xi32>, vector<16xi32>], vector<16xf32>,
        %parallel_loop3A_135 = arith.constant 64 : i32
        %parallel_loop3A_136 = vector.broadcast %parallel_loop3A_135 : i32 to vector<16xi32>
        %parallel_loop3A_137 = arith.addi %iota3A, %parallel_loop3A_136 : vector<16xi32>
        %parallel_loop3A_138 = tpu.vector_load_idx %arg8[%parallel_loop3A_114, %parallel_loop3A_137] : memref<128x128xf32, #tpu.memory_space<vmem>>[vector<16xi32>, vector<16xi32>], vector<16xf32>,
        tpu.vector_store_idx %arg9[%parallel_loop3A_118, %parallel_loop3A_137], %parallel_loop3A_138 {add = true} : memref<512x128xf32, #tpu.memory_space<vmem>>[vector<16xi32>, vector<16xi32>], vector<16xf32>,
        %parallel_loop3A_139 = arith.constant 80 : i32
        %parallel_loop3A_140 = vector.broadcast %parallel_loop3A_139 : i32 to vector<16xi32>
        %parallel_loop3A_141 = arith.addi %iota3A, %parallel_loop3A_140 : vector<16xi32>
        %parallel_loop3A_142 = tpu.vector_load_idx %arg8[%parallel_loop3A_114, %parallel_loop3A_141] : memref<128x128xf32, #tpu.memory_space<vmem>>[vector<16xi32>, vector<16xi32>], vector<16xf32>,
        tpu.vector_store_idx %arg9[%parallel_loop3A_118, %parallel_loop3A_141], %parallel_loop3A_142 {add = true} : memref<512x128xf32, #tpu.memory_space<vmem>>[vector<16xi32>, vector<16xi32>], vector<16xf32>,
        %parallel_loop3A_143 = arith.constant 96 : i32
        %parallel_loop3A_144 = vector.broadcast %parallel_loop3A_143 : i32 to vector<16xi32>
        %parallel_loop3A_145 = arith.addi %iota3A, %parallel_loop3A_144 : vector<16xi32>
        %parallel_loop3A_146 = tpu.vector_load_idx %arg8[%parallel_loop3A_114, %parallel_loop3A_145] : memref<128x128xf32, #tpu.memory_space<vmem>>[vector<16xi32>, vector<16xi32>], vector<16xf32>,
        tpu.vector_store_idx %arg9[%parallel_loop3A_118, %parallel_loop3A_145], %parallel_loop3A_146 {add = true} : memref<512x128xf32, #tpu.memory_space<vmem>>[vector<16xi32>, vector<16xi32>], vector<16xf32>,
        %parallel_loop3A_147 = arith.constant 112 : i32
        %parallel_loop3A_148 = vector.broadcast %parallel_loop3A_147 : i32 to vector<16xi32>
        %parallel_loop3A_149 = arith.addi %iota3A, %parallel_loop3A_148 : vector<16xi32>
        %parallel_loop3A_150 = tpu.vector_load_idx %arg8[%parallel_loop3A_114, %parallel_loop3A_149] : memref<128x128xf32, #tpu.memory_space<vmem>>[vector<16xi32>, vector<16xi32>], vector<16xf32>,
        tpu.vector_store_idx %arg9[%parallel_loop3A_118, %parallel_loop3A_149], %parallel_loop3A_150 {add = true} : memref<512x128xf32, #tpu.memory_space<vmem>>[vector<16xi32>, vector<16xi32>], vector<16xf32>,
      } {sc.loop_unroll_factor = 8 : i64, sc.parallel_access}
      "tpu.region"() ({
        %run_scoped3A = tpu.sem_alloc : memref<!tpu.dma_semaphore, #tpu.memory_space<semaphore_mem>>
        %dma_start3A_113 = arith.constant 0 : i32
        %dma_start3A_114 = tpu.memref_slice %arg5[%select_n3A_33, %dma_start3A_113, %mul3A_35] : memref<4x512x768xf32, #tpu.memory_space<hbm>> -> memref<1x512x128xf32, #tpu.memory_space<hbm>>
        %dma_start3A_115 = tpu.memref_squeeze %dma_start3A_114 : memref<1x512x128xf32, #tpu.memory_space<hbm>> -> memref<512x128xf32, #tpu.memory_space<hbm>>
        %dma_start3A_116 = arith.constant 0 : i32
        %dma_start3A_117 = tpu.memref_slice %arg5[%select_n3A_33, %dma_start3A_116, %mul3A_35] : memref<4x512x768xf32, #tpu.memory_space<hbm>> -> memref<1x512x128xf32, #tpu.memory_space<hbm>>
        %dma_start3A_118 = tpu.memref_squeeze %dma_start3A_117 : memref<1x512x128xf32, #tpu.memory_space<hbm>> -> memref<512x128xf32, #tpu.memory_space<hbm>>
        tpu.enqueue_dma source(%arg9 : memref<512x128xf32, #tpu.memory_space<vmem>>) target(%dma_start3A_118 : memref<512x128xf32, #tpu.memory_space<hbm>>) target_semaphore(%run_scoped3A : memref<!tpu.dma_semaphore, #tpu.memory_space<semaphore_mem>>)
        %dma_wait3A_119 = arith.constant 0 : i32
        %dma_wait3A_120 = tpu.memref_slice %arg5[%select_n3A_33, %dma_wait3A_119, %mul3A_35] : memref<4x512x768xf32, #tpu.memory_space<hbm>> -> memref<1x512x128xf32, #tpu.memory_space<hbm>>
        %dma_wait3A_121 = tpu.memref_squeeze %dma_wait3A_120 : memref<1x512x128xf32, #tpu.memory_space<hbm>> -> memref<512x128xf32, #tpu.memory_space<hbm>>
        %dma_wait3A_122 = arith.constant 0 : i32
        %dma_wait3A_123 = tpu.memref_slice %arg5[%select_n3A_33, %dma_wait3A_122, %mul3A_35] : memref<4x512x768xf32, #tpu.memory_space<hbm>> -> memref<1x512x128xf32, #tpu.memory_space<hbm>>
        %dma_wait3A_124 = tpu.memref_squeeze %dma_wait3A_123 : memref<1x512x128xf32, #tpu.memory_space<hbm>> -> memref<512x128xf32, #tpu.memory_space<hbm>>
        tpu.wait_dma2 semaphore(%run_scoped3A : memref<!tpu.dma_semaphore, #tpu.memory_space<semaphore_mem>>) src(%arg9 : memref<512x128xf32, #tpu.memory_space<vmem>>) dst(%dma_wait3A_124 : memref<512x128xf32, #tpu.memory_space<hbm>>)
        tpu.yield
      }) : () -> ()
    } else {
    }
    return
  }
}

module attributes {stable_mosaic.version = 14 : i64} {
  func.func @_assign_kernel(%arg0: i32, %arg1: memref<1024x768xf32, #tpu.memory_space<vmem>>, %arg2: memref<512x768xf32, #tpu.memory_space<vmem>>, %arg3: memref<1x1x1024xi32, #tpu.memory_space<vmem>>, %arg4: memref<1x512xf32, #tpu.memory_space<vmem>>, %arg5: memref<1024x512xbf16, #tpu.memory_space<vmem>>) attributes {dimension_semantics = [#tpu.dimension_semantics<arbitrary>], iteration_bounds = array<i64: 3>, scalar_prefetch = 0 : i64, scratch_operands = 0 : i64, tpu.core_type = #tpu.core_type<tc>, window_params = [{transform_indices = @transform_0, window_bounds = array<i64: 1024, 768>}, {pipeline_mode = #tpu.pipeline_mode<synchronous>, transform_indices = @transform_1, window_bounds = array<i64: 512, 768>}, {transform_indices = @transform_2, window_bounds = array<i64: 1, 1, 1024>}, {pipeline_mode = #tpu.pipeline_mode<synchronous>, transform_indices = @transform_3, window_bounds = array<i64: 1, 512>}, {transform_indices = @transform_4, window_bounds = array<i64: 1024, 512>}]} {
    %get3A = arith.constant 0 : index
    %get3A_0 = arith.constant 0 : index
    %get3A_1 = vector.load %arg1[%get3A, %get3A_0] : memref<1024x768xf32, #tpu.memory_space<vmem>>, vector<1024x768xf32>
    %get3A_2 = arith.constant 0 : index
    %get3A_3 = arith.constant 0 : index
    %get3A_4 = vector.load %arg2[%get3A_2, %get3A_3] : memref<512x768xf32, #tpu.memory_space<vmem>>, vector<512x768xf32>
    %mul3A = arith.mulf %get3A_4, %get3A_4 : vector<512x768xf32>
    %reduce_sum3A = arith.constant dense<0.000000e+00> : vector<512xf32>
    %reduce_sum3A_5 = vector.multi_reduction <add>, %mul3A, %reduce_sum3A [1] : vector<512x768xf32> to vector<512xf32>
    %broadcast_in_dim3A = vector.shape_cast %reduce_sum3A_5 : vector<512xf32> to vector<512x1xf32>
    %sqrt3A = math.sqrt %broadcast_in_dim3A : vector<512x1xf32>
    %max3A = arith.constant 9.99999996E-13 : f32
    %max3A_6 = vector.broadcast %max3A : f32 to vector<512x1xf32>
    %max3A_7 = arith.maximumf %sqrt3A, %max3A_6 : vector<512x1xf32>
    %div3A = vector.broadcast %max3A_7 : vector<512x1xf32> to vector<512x768xf32>
    %div3A_8 = arith.divf %get3A_4, %div3A : vector<512x768xf32>
    %dot_general3A = arith.constant dense<0.000000e+00> : vector<1024x512xf32>
    %dot_general3A_9 = tpu.matmul %get3A_1, %div3A_8, %dot_general3A {dimension_numbers = #tpu.dot_dimension_numbers<[1], [1], [0], [0], [0, 0, 1, 0], [], []>, transpose_lhs_hint = false} : vector<1024x768xf32>, vector<512x768xf32>, vector<1024x512xf32> -> vector<1024x512xf32>
    %convert_element_type3A = arith.truncf %dot_general3A_9 : vector<1024x512xf32> to vector<1024x512xbf16>
    %swap3A = arith.constant 0 : index
    %swap3A_10 = arith.constant 0 : index
    %swap3A_11 = vector.load %arg5[%swap3A, %swap3A_10] : memref<1024x512xbf16, #tpu.memory_space<vmem>>, vector<1024x512xbf16>
    tpu.vector_store %arg5[%swap3A, %swap3A_10], %convert_element_type3A {strides = array<i32>} : memref<1024x512xbf16, #tpu.memory_space<vmem>>, vector<1024x512xbf16>,
    %argmax3A = tpu.reduce_index %dot_general3A_9 {axis = 1 : i32, kind = #tpu.reduction_kind<arg_max>} : vector<1024x512xf32> -> vector<1024xi32>
    %reshape3A = vector.shape_cast %argmax3A : vector<1024xi32> to vector<1x1x1024xi32>
    %swap3A_12 = arith.constant 0 : index
    %swap3A_13 = arith.constant 0 : index
    %swap3A_14 = arith.constant 0 : index
    %swap3A_15 = vector.load %arg3[%swap3A_12, %swap3A_13, %swap3A_14] : memref<1x1x1024xi32, #tpu.memory_space<vmem>>, vector<1x1x1024xi32>
    tpu.vector_store %arg3[%swap3A_12, %swap3A_13, %swap3A_14], %reshape3A {strides = array<i32>} : memref<1x1x1024xi32, #tpu.memory_space<vmem>>, vector<1x1x1024xi32>,
    %iota3A = tpu.iota {dimensions = array<i32: 1>} : vector<1024x512xi32>
    %broadcast_in_dim3A_16 = vector.shape_cast %argmax3A : vector<1024xi32> to vector<1024x1xi32>
    %eq3A = vector.broadcast %broadcast_in_dim3A_16 : vector<1024x1xi32> to vector<1024x512xi32>
    %eq3A_17 = arith.cmpi eq, %iota3A, %eq3A : vector<1024x512xi32>
    %convert_element_type3A_18 = arith.extui %eq3A_17 : vector<1024x512xi1> to vector<1024x512xi32>
    %convert_element_type3A_19 = arith.sitofp %convert_element_type3A_18 : vector<1024x512xi32> to vector<1024x512xf32>
    %reduce_sum3A_20 = arith.constant dense<0.000000e+00> : vector<512xf32>
    %reduce_sum3A_21 = vector.multi_reduction <add>, %convert_element_type3A_19, %reduce_sum3A_20 [0] : vector<1024x512xf32> to vector<512xf32>
    %reshape3A_22 = vector.shape_cast %reduce_sum3A_21 : vector<512xf32> to vector<1x512xf32>
    %eq3A_23 = arith.constant 0 : i32
    %eq3A_24 = arith.cmpi eq, %arg0, %eq3A_23 : i32
    %convert_element_type3A_25 = arith.extui %eq3A_24 : i1 to i32
    %cond3A = arith.constant 0 : i32
    %cond3A_26 = arith.cmpi ne, %convert_element_type3A_25, %cond3A : i32
    scf.if %cond3A_26 {
      %swap3A_31 = arith.constant 0 : index
      %swap3A_32 = arith.constant 0 : index
      %swap3A_33 = vector.load %arg4[%swap3A_31, %swap3A_32] : memref<1x512xf32, #tpu.memory_space<vmem>>, vector<1x512xf32>
      tpu.vector_store %arg4[%swap3A_31, %swap3A_32], %reshape3A_22 {strides = array<i32>} : memref<1x512xf32, #tpu.memory_space<vmem>>, vector<1x512xf32>,
    } else {
    }
    %ne3A = arith.constant 0 : i32
    %ne3A_27 = arith.cmpi ne, %arg0, %ne3A : i32
    %convert_element_type3A_28 = arith.extui %ne3A_27 : i1 to i32
    %cond3A_29 = arith.constant 0 : i32
    %cond3A_30 = arith.cmpi ne, %convert_element_type3A_28, %cond3A_29 : i32
    scf.if %cond3A_30 {
      %get3A_31 = arith.constant 0 : index
      %get3A_32 = arith.constant 0 : index
      %get3A_33 = vector.load %arg4[%get3A_31, %get3A_32] : memref<1x512xf32, #tpu.memory_space<vmem>>, vector<1x512xf32>
      %add3A = arith.addf %get3A_33, %reshape3A_22 : vector<1x512xf32>
      %swap3A_34 = arith.constant 0 : index
      %swap3A_35 = arith.constant 0 : index
      %swap3A_36 = vector.load %arg4[%swap3A_34, %swap3A_35] : memref<1x512xf32, #tpu.memory_space<vmem>>, vector<1x512xf32>
      tpu.vector_store %arg4[%swap3A_34, %swap3A_35], %add3A {strides = array<i32>} : memref<1x512xf32, #tpu.memory_space<vmem>>, vector<1x512xf32>,
    } else {
    }
    return
  }
  func.func @transform_0(%arg0: i32) -> (i32, i32) {
    %add3A = arith.constant 0 : i32
    %add3A_0 = arith.addi %arg0, %add3A : i32
    %c0_i32 = arith.constant 0 : i32
    %c0_i32_1 = arith.constant 0 : i32
    return %add3A_0, %c0_i32 : i32, i32
  }
  func.func @transform_1(%arg0: i32) -> (i32, i32) {
    %c0_i32 = arith.constant 0 : i32
    %c0_i32_0 = arith.constant 0 : i32
    %c0_i32_1 = arith.constant 0 : i32
    return %c0_i32, %c0_i32_0 : i32, i32
  }
  func.func @transform_2(%arg0: i32) -> (i32, i32, i32) {
    %c0_i32 = arith.constant 0 : i32
    %c0_i32_0 = arith.constant 0 : i32
    %c0_i32_1 = arith.constant 0 : i32
    return %arg0, %c0_i32, %c0_i32_0 : i32, i32, i32
  }
  func.func @transform_3(%arg0: i32) -> (i32, i32) {
    %c0_i32 = arith.constant 0 : i32
    %c0_i32_0 = arith.constant 0 : i32
    %c0_i32_1 = arith.constant 0 : i32
    return %c0_i32, %c0_i32_0 : i32, i32
  }
  func.func @transform_4(%arg0: i32) -> (i32, i32) {
    %c0_i32 = arith.constant 0 : i32
    %c0_i32_0 = arith.constant 0 : i32
    return %arg0, %c0_i32 : i32, i32
  }
}

module attributes {stable_mosaic.version = 14 : i64} {
  func.func @_update_kernel(%arg0: memref<512x768xf32, #tpu.memory_space<vmem>>, %arg1: memref<4x512x768xf32, #tpu.memory_space<vmem>>, %arg2: memref<512x768xf32, #tpu.memory_space<vmem>>, %arg3: memref<1x512xf32, #tpu.memory_space<vmem>>, %arg4: memref<1x512xf32, #tpu.memory_space<vmem>>, %arg5: memref<1x512xf32, #tpu.memory_space<vmem>>) attributes {dimension_semantics = [], scalar_prefetch = 0 : i64, scratch_operands = 0 : i64, tpu.core_type = #tpu.core_type<tc>} {
    %get3A = arith.constant 0 : index
    %get3A_0 = arith.constant 0 : index
    %get3A_1 = vector.load %arg0[%get3A, %get3A_0] : memref<512x768xf32, #tpu.memory_space<vmem>>, vector<512x768xf32>
    %get3A_2 = arith.constant 0 : index
    %get3A_3 = arith.constant 0 : index
    %get3A_4 = arith.constant 0 : index
    %get3A_5 = vector.load %arg1[%get3A_2, %get3A_3, %get3A_4] : memref<4x512x768xf32, #tpu.memory_space<vmem>>, vector<1x512x768xf32>
    %get3A_6 = vector.shape_cast %get3A_5 : vector<1x512x768xf32> to vector<512x768xf32>
    %get3A_7 = arith.constant 1 : index
    %get3A_8 = arith.constant 0 : index
    %get3A_9 = arith.constant 0 : index
    %get3A_10 = vector.load %arg1[%get3A_7, %get3A_8, %get3A_9] : memref<4x512x768xf32, #tpu.memory_space<vmem>>, vector<1x512x768xf32>
    %get3A_11 = vector.shape_cast %get3A_10 : vector<1x512x768xf32> to vector<512x768xf32>
    %add3A = arith.addf %get3A_6, %get3A_11 : vector<512x768xf32>
    %get3A_12 = arith.constant 2 : index
    %get3A_13 = arith.constant 0 : index
    %get3A_14 = arith.constant 0 : index
    %get3A_15 = vector.load %arg1[%get3A_12, %get3A_13, %get3A_14] : memref<4x512x768xf32, #tpu.memory_space<vmem>>, vector<1x512x768xf32>
    %get3A_16 = vector.shape_cast %get3A_15 : vector<1x512x768xf32> to vector<512x768xf32>
    %get3A_17 = arith.constant 3 : index
    %get3A_18 = arith.constant 0 : index
    %get3A_19 = arith.constant 0 : index
    %get3A_20 = vector.load %arg1[%get3A_17, %get3A_18, %get3A_19] : memref<4x512x768xf32, #tpu.memory_space<vmem>>, vector<1x512x768xf32>
    %get3A_21 = vector.shape_cast %get3A_20 : vector<1x512x768xf32> to vector<512x768xf32>
    %add3A_22 = arith.addf %get3A_16, %get3A_21 : vector<512x768xf32>
    %add3A_23 = arith.addf %add3A, %add3A_22 : vector<512x768xf32>
    %get3A_24 = arith.constant 0 : index
    %get3A_25 = arith.constant 0 : index
    %get3A_26 = vector.load %arg2[%get3A_24, %get3A_25] : memref<512x768xf32, #tpu.memory_space<vmem>>, vector<512x768xf32>
    %add3A_27 = arith.addf %add3A_23, %get3A_26 : vector<512x768xf32>
    %get3A_28 = arith.constant 0 : index
    %get3A_29 = arith.constant 0 : index
    %get3A_30 = vector.load %arg3[%get3A_28, %get3A_29] : memref<1x512xf32, #tpu.memory_space<vmem>>, vector<1x512xf32>
    %get3A_31 = arith.constant 0 : index
    %get3A_32 = arith.constant 0 : index
    %get3A_33 = vector.load %arg4[%get3A_31, %get3A_32] : memref<1x512xf32, #tpu.memory_space<vmem>>, vector<1x512xf32>
    %add3A_34 = arith.addf %get3A_30, %get3A_33 : vector<1x512xf32>
    %reshape3A = vector.shape_cast %add3A_34 : vector<1x512xf32> to vector<512x1xf32>
    %gt3A = arith.constant 0.000000e+00 : f32
    %gt3A_35 = vector.broadcast %gt3A : f32 to vector<512x1xf32>
    %gt3A_36 = arith.cmpf ogt, %reshape3A, %gt3A_35 : vector<512x1xf32>
    %max3A = arith.constant 1.000000e+00 : f32
    %max3A_37 = vector.broadcast %max3A : f32 to vector<512x1xf32>
    %max3A_38 = arith.maximumf %reshape3A, %max3A_37 : vector<512x1xf32>
    %div3A = vector.broadcast %max3A_38 : vector<512x1xf32> to vector<512x768xf32>
    %div3A_39 = arith.divf %add3A_27, %div3A : vector<512x768xf32>
    %broadcast_in_dim3A = vector.shape_cast %gt3A_36 : vector<512x1xi1> to vector<512x1xi1>
    %broadcast_in_dim3A_40 = vector.broadcast %broadcast_in_dim3A : vector<512x1xi1> to vector<512x768xi1>
    %select_n3A = arith.select %broadcast_in_dim3A_40, %div3A_39, %get3A_1 : vector<512x768xi1>, vector<512x768xf32>
    %mul3A = arith.mulf %select_n3A, %select_n3A : vector<512x768xf32>
    %reduce_sum3A = arith.constant dense<0.000000e+00> : vector<512xf32>
    %reduce_sum3A_41 = vector.multi_reduction <add>, %mul3A, %reduce_sum3A [1] : vector<512x768xf32> to vector<512xf32>
    %broadcast_in_dim3A_42 = vector.shape_cast %reduce_sum3A_41 : vector<512xf32> to vector<512x1xf32>
    %sqrt3A = math.sqrt %broadcast_in_dim3A_42 : vector<512x1xf32>
    %max3A_43 = arith.constant 9.99999996E-13 : f32
    %max3A_44 = vector.broadcast %max3A_43 : f32 to vector<512x1xf32>
    %max3A_45 = arith.maximumf %sqrt3A, %max3A_44 : vector<512x1xf32>
    %div3A_46 = vector.broadcast %max3A_45 : vector<512x1xf32> to vector<512x768xf32>
    %div3A_47 = arith.divf %select_n3A, %div3A_46 : vector<512x768xf32>
    %mul3A_48 = arith.constant 9.990000e-01 : f32
    %mul3A_49 = vector.broadcast %mul3A_48 : f32 to vector<512x768xf32>
    %mul3A_50 = arith.mulf %mul3A_49, %get3A_1 : vector<512x768xf32>
    %mul3A_51 = arith.constant 1.000000e-03 : f32
    %mul3A_52 = vector.broadcast %mul3A_51 : f32 to vector<512x768xf32>
    %mul3A_53 = arith.mulf %mul3A_52, %div3A_47 : vector<512x768xf32>
    %add3A_54 = arith.addf %mul3A_50, %mul3A_53 : vector<512x768xf32>
    %mul3A_55 = arith.mulf %get3A_1, %get3A_1 : vector<512x768xf32>
    %reduce_sum3A_56 = arith.constant dense<0.000000e+00> : vector<512xf32>
    %reduce_sum3A_57 = vector.multi_reduction <add>, %mul3A_55, %reduce_sum3A_56 [1] : vector<512x768xf32> to vector<512xf32>
    %sqrt3A_58 = math.sqrt %reduce_sum3A_57 : vector<512xf32>
    %max3A_59 = arith.constant 9.99999996E-13 : f32
    %max3A_60 = vector.broadcast %max3A_59 : f32 to vector<512xf32>
    %max3A_61 = arith.maximumf %sqrt3A_58, %max3A_60 : vector<512xf32>
    %mul3A_62 = arith.mulf %add3A_54, %add3A_54 : vector<512x768xf32>
    %reduce_sum3A_63 = arith.constant dense<0.000000e+00> : vector<512xf32>
    %reduce_sum3A_64 = vector.multi_reduction <add>, %mul3A_62, %reduce_sum3A_63 [1] : vector<512x768xf32> to vector<512xf32>
    %sqrt3A_65 = math.sqrt %reduce_sum3A_64 : vector<512xf32>
    %max3A_66 = arith.constant 9.99999993E-9 : f32
    %max3A_67 = vector.broadcast %max3A_66 : f32 to vector<512xf32>
    %max3A_68 = arith.maximumf %sqrt3A_65, %max3A_67 : vector<512xf32>
    %mul3A_69 = arith.constant 9.990000e-01 : f32
    %mul3A_70 = vector.broadcast %mul3A_69 : f32 to vector<512xf32>
    %mul3A_71 = arith.mulf %mul3A_70, %max3A_61 : vector<512xf32>
    %div3A_72 = arith.divf %mul3A_71, %max3A_68 : vector<512xf32>
    %reshape3A_73 = vector.shape_cast %div3A_72 : vector<512xf32> to vector<1x512xf32>
    %swap3A = arith.constant 0 : index
    %swap3A_74 = arith.constant 0 : index
    %swap3A_75 = vector.load %arg5[%swap3A, %swap3A_74] : memref<1x512xf32, #tpu.memory_space<vmem>>, vector<1x512xf32>
    tpu.vector_store %arg5[%swap3A, %swap3A_74], %reshape3A_73 {strides = array<i32>} : memref<1x512xf32, #tpu.memory_space<vmem>>, vector<1x512xf32>,
    return
  }
}

module attributes {stable_mosaic.version = 14 : i64} {
  func.func @_assign_oh_kernel(%arg0: i32, %arg1: memref<1024x768xf32, #tpu.memory_space<vmem>>, %arg2: memref<512x768xf32, #tpu.memory_space<vmem>>, %arg3: memref<1x512xf32, #tpu.memory_space<vmem>>, %arg4: memref<512x768xf32, #tpu.memory_space<vmem>>, %arg5: memref<1024x512xbf16, #tpu.memory_space<vmem>>) attributes {dimension_semantics = [#tpu.dimension_semantics<arbitrary>], iteration_bounds = array<i64: 5>, scalar_prefetch = 0 : i64, scratch_operands = 0 : i64, tpu.core_type = #tpu.core_type<tc>, window_params = [{transform_indices = @transform_0, window_bounds = array<i64: 1024, 768>}, {pipeline_mode = #tpu.pipeline_mode<synchronous>, transform_indices = @transform_1, window_bounds = array<i64: 512, 768>}, {pipeline_mode = #tpu.pipeline_mode<synchronous>, transform_indices = @transform_2, window_bounds = array<i64: 1, 512>}, {pipeline_mode = #tpu.pipeline_mode<synchronous>, transform_indices = @transform_3, window_bounds = array<i64: 512, 768>}, {transform_indices = @transform_4, window_bounds = array<i64: 1024, 512>}]} {
    %get3A = arith.constant 0 : index
    %get3A_0 = arith.constant 0 : index
    %get3A_1 = vector.load %arg1[%get3A, %get3A_0] : memref<1024x768xf32, #tpu.memory_space<vmem>>, vector<1024x768xf32>
    %get3A_2 = arith.constant 0 : index
    %get3A_3 = arith.constant 0 : index
    %get3A_4 = vector.load %arg2[%get3A_2, %get3A_3] : memref<512x768xf32, #tpu.memory_space<vmem>>, vector<512x768xf32>
    %mul3A = arith.mulf %get3A_4, %get3A_4 : vector<512x768xf32>
    %reduce_sum3A = arith.constant dense<0.000000e+00> : vector<512xf32>
    %reduce_sum3A_5 = vector.multi_reduction <add>, %mul3A, %reduce_sum3A [1] : vector<512x768xf32> to vector<512xf32>
    %broadcast_in_dim3A = vector.shape_cast %reduce_sum3A_5 : vector<512xf32> to vector<512x1xf32>
    %sqrt3A = math.sqrt %broadcast_in_dim3A : vector<512x1xf32>
    %max3A = arith.constant 9.99999996E-13 : f32
    %max3A_6 = vector.broadcast %max3A : f32 to vector<512x1xf32>
    %max3A_7 = arith.maximumf %sqrt3A, %max3A_6 : vector<512x1xf32>
    %div3A = vector.broadcast %max3A_7 : vector<512x1xf32> to vector<512x768xf32>
    %div3A_8 = arith.divf %get3A_4, %div3A : vector<512x768xf32>
    %dot_general3A = arith.constant dense<0.000000e+00> : vector<1024x512xf32>
    %dot_general3A_9 = tpu.matmul %get3A_1, %div3A_8, %dot_general3A {dimension_numbers = #tpu.dot_dimension_numbers<[1], [1], [0], [0], [0, 0, 1, 0], [], []>, transpose_lhs_hint = false} : vector<1024x768xf32>, vector<512x768xf32>, vector<1024x512xf32> -> vector<1024x512xf32>
    %convert_element_type3A = arith.truncf %dot_general3A_9 : vector<1024x512xf32> to vector<1024x512xbf16>
    %swap3A = arith.constant 0 : index
    %swap3A_10 = arith.constant 0 : index
    %swap3A_11 = vector.load %arg5[%swap3A, %swap3A_10] : memref<1024x512xbf16, #tpu.memory_space<vmem>>, vector<1024x512xbf16>
    tpu.vector_store %arg5[%swap3A, %swap3A_10], %convert_element_type3A {strides = array<i32>} : memref<1024x512xbf16, #tpu.memory_space<vmem>>, vector<1024x512xbf16>,
    %argmax3A = tpu.reduce_index %dot_general3A_9 {axis = 1 : i32, kind = #tpu.reduction_kind<arg_max>} : vector<1024x512xf32> -> vector<1024xi32>
    %iota3A = tpu.iota {dimensions = array<i32: 0>} : vector<512x1024xi32>
    %broadcast_in_dim3A_12 = vector.shape_cast %argmax3A : vector<1024xi32> to vector<1x1024xi32>
    %eq3A = vector.broadcast %broadcast_in_dim3A_12 : vector<1x1024xi32> to vector<512x1024xi32>
    %eq3A_13 = arith.cmpi eq, %iota3A, %eq3A : vector<512x1024xi32>
    %convert_element_type3A_14 = arith.extui %eq3A_13 : vector<512x1024xi1> to vector<512x1024xi32>
    %convert_element_type3A_15 = arith.sitofp %convert_element_type3A_14 : vector<512x1024xi32> to vector<512x1024xf32>
    %dot_general3A_16 = arith.constant dense<0.000000e+00> : vector<512x768xf32>
    %dot_general3A_17 = tpu.matmul %convert_element_type3A_15, %get3A_1, %dot_general3A_16 {dimension_numbers = #tpu.dot_dimension_numbers<[1], [0], [0], [1], [0, 0, 1, 1], [], []>, transpose_lhs_hint = false} : vector<512x1024xf32>, vector<1024x768xf32>, vector<512x768xf32> -> vector<512x768xf32>
    %reduce_sum3A_18 = arith.constant dense<0.000000e+00> : vector<512xf32>
    %reduce_sum3A_19 = vector.multi_reduction <add>, %convert_element_type3A_15, %reduce_sum3A_18 [1] : vector<512x1024xf32> to vector<512xf32>
    %reshape3A = vector.shape_cast %reduce_sum3A_19 : vector<512xf32> to vector<1x512xf32>
    %eq3A_20 = arith.constant 0 : i32
    %eq3A_21 = arith.cmpi eq, %arg0, %eq3A_20 : i32
    %convert_element_type3A_22 = arith.extui %eq3A_21 : i1 to i32
    %cond3A = arith.constant 0 : i32
    %cond3A_23 = arith.cmpi ne, %convert_element_type3A_22, %cond3A : i32
    scf.if %cond3A_23 {
      %swap3A_28 = arith.constant 0 : index
      %swap3A_29 = arith.constant 0 : index
      %swap3A_30 = vector.load %arg3[%swap3A_28, %swap3A_29] : memref<1x512xf32, #tpu.memory_space<vmem>>, vector<1x512xf32>
      tpu.vector_store %arg3[%swap3A_28, %swap3A_29], %reshape3A {strides = array<i32>} : memref<1x512xf32, #tpu.memory_space<vmem>>, vector<1x512xf32>,
      %swap3A_31 = arith.constant 0 : index
      %swap3A_32 = arith.constant 0 : index
      %swap3A_33 = vector.load %arg4[%swap3A_31, %swap3A_32] : memref<512x768xf32, #tpu.memory_space<vmem>>, vector<512x768xf32>
      tpu.vector_store %arg4[%swap3A_31, %swap3A_32], %dot_general3A_17 {strides = array<i32>} : memref<512x768xf32, #tpu.memory_space<vmem>>, vector<512x768xf32>,
    } else {
    }
    %ne3A = arith.constant 0 : i32
    %ne3A_24 = arith.cmpi ne, %arg0, %ne3A : i32
    %convert_element_type3A_25 = arith.extui %ne3A_24 : i1 to i32
    %cond3A_26 = arith.constant 0 : i32
    %cond3A_27 = arith.cmpi ne, %convert_element_type3A_25, %cond3A_26 : i32
    scf.if %cond3A_27 {
      %get3A_28 = arith.constant 0 : index
      %get3A_29 = arith.constant 0 : index
      %get3A_30 = vector.load %arg3[%get3A_28, %get3A_29] : memref<1x512xf32, #tpu.memory_space<vmem>>, vector<1x512xf32>
      %add3A = arith.addf %get3A_30, %reshape3A : vector<1x512xf32>
      %swap3A_31 = arith.constant 0 : index
      %swap3A_32 = arith.constant 0 : index
      %swap3A_33 = vector.load %arg3[%swap3A_31, %swap3A_32] : memref<1x512xf32, #tpu.memory_space<vmem>>, vector<1x512xf32>
      tpu.vector_store %arg3[%swap3A_31, %swap3A_32], %add3A {strides = array<i32>} : memref<1x512xf32, #tpu.memory_space<vmem>>, vector<1x512xf32>,
      %get3A_34 = arith.constant 0 : index
      %get3A_35 = arith.constant 0 : index
      %get3A_36 = vector.load %arg4[%get3A_34, %get3A_35] : memref<512x768xf32, #tpu.memory_space<vmem>>, vector<512x768xf32>
      %add3A_37 = arith.addf %get3A_36, %dot_general3A_17 : vector<512x768xf32>
      %swap3A_38 = arith.constant 0 : index
      %swap3A_39 = arith.constant 0 : index
      %swap3A_40 = vector.load %arg4[%swap3A_38, %swap3A_39] : memref<512x768xf32, #tpu.memory_space<vmem>>, vector<512x768xf32>
      tpu.vector_store %arg4[%swap3A_38, %swap3A_39], %add3A_37 {strides = array<i32>} : memref<512x768xf32, #tpu.memory_space<vmem>>, vector<512x768xf32>,
    } else {
    }
    return
  }
  func.func @transform_0(%arg0: i32) -> (i32, i32) {
    %add3A = arith.constant 3 : i32
    %add3A_0 = arith.addi %arg0, %add3A : i32
    %c0_i32 = arith.constant 0 : i32
    %c0_i32_1 = arith.constant 0 : i32
    return %add3A_0, %c0_i32 : i32, i32
  }
  func.func @transform_1(%arg0: i32) -> (i32, i32) {
    %c0_i32 = arith.constant 0 : i32
    %c0_i32_0 = arith.constant 0 : i32
    %c0_i32_1 = arith.constant 0 : i32
    return %c0_i32, %c0_i32_0 : i32, i32
  }
  func.func @transform_2(%arg0: i32) -> (i32, i32) {
    %c0_i32 = arith.constant 0 : i32
    %c0_i32_0 = arith.constant 0 : i32
    %c0_i32_1 = arith.constant 0 : i32
    return %c0_i32, %c0_i32_0 : i32, i32
  }
  func.func @transform_3(%arg0: i32) -> (i32, i32) {
    %c0_i32 = arith.constant 0 : i32
    %c0_i32_0 = arith.constant 0 : i32
    %c0_i32_1 = arith.constant 0 : i32
    return %c0_i32, %c0_i32_0 : i32, i32
  }
  func.func @transform_4(%arg0: i32) -> (i32, i32) {
    %c0_i32 = arith.constant 0 : i32
    %c0_i32_0 = arith.constant 0 : i32
    return %arg0, %c0_i32 : i32, i32
  }
}

module attributes {stable_mosaic.version = 14 : i64} {
  func.func @_out_kernel(%arg0: i32, %arg1: memref<1024x768xf32, #tpu.memory_space<vmem>>, %arg2: memref<1024x512xbf16, #tpu.memory_space<vmem>>, %arg3: memref<1024x512xbf16, #tpu.memory_space<vmem>>, %arg4: memref<1x512xf32, #tpu.memory_space<vmem>>, %arg5: memref<1x1xf32, #tpu.memory_space<smem>>, %arg6: memref<1x1xf32, #tpu.memory_space<smem>>, %arg7: memref<1024x768xf32, #tpu.memory_space<vmem>>) attributes {dimension_semantics = [#tpu.dimension_semantics<arbitrary>], iteration_bounds = array<i64: 8>, scalar_prefetch = 0 : i64, scratch_operands = 0 : i64, tpu.core_type = #tpu.core_type<tc>, window_params = [{transform_indices = @transform_0, window_bounds = array<i64: 1024, 768>}, {transform_indices = @transform_1, window_bounds = array<i64: 1024, 512>}, {transform_indices = @transform_2, window_bounds = array<i64: 1024, 512>}, {pipeline_mode = #tpu.pipeline_mode<synchronous>, transform_indices = @transform_3, window_bounds = array<i64: 1, 512>}, {transform_indices = @transform_4, window_bounds = array<i64: 1, 1>}, {transform_indices = @transform_5, window_bounds = array<i64: 1, 1>}, {transform_indices = @transform_6, window_bounds = array<i64: 1024, 768>}]} {
    %get3A = arith.constant 0 : index
    %get3A_0 = arith.constant 0 : index
    %get3A_1 = vector.load %arg1[%get3A, %get3A_0] : memref<1024x768xf32, #tpu.memory_space<vmem>>, vector<1024x768xf32>
    %lt3A = arith.constant 3 : i32
    %lt3A_2 = arith.cmpi slt, %arg0, %lt3A : i32
    %get3A_3 = arith.constant 0 : index
    %get3A_4 = arith.constant 0 : index
    %get3A_5 = vector.load %arg2[%get3A_3, %get3A_4] : memref<1024x512xbf16, #tpu.memory_space<vmem>>, vector<1024x512xbf16>
    %get3A_6 = arith.constant 0 : index
    %get3A_7 = arith.constant 0 : index
    %get3A_8 = vector.load %arg3[%get3A_6, %get3A_7] : memref<1024x512xbf16, #tpu.memory_space<vmem>>, vector<1024x512xbf16>
    %select_n3A = arith.select %lt3A_2, %get3A_5, %get3A_8 : vector<1024x512xbf16>
    %convert_element_type3A = arith.extf %select_n3A : vector<1024x512xbf16> to vector<1024x512xf32>
    %get3A_9 = arith.constant 0 : index
    %get3A_10 = arith.constant 0 : index
    %get3A_11 = vector.load %arg4[%get3A_9, %get3A_10] : memref<1x512xf32, #tpu.memory_space<vmem>>, vector<1x512xf32>
    %mul3A = vector.broadcast %get3A_11 : vector<1x512xf32> to vector<1024x512xf32>
    %mul3A_12 = arith.mulf %convert_element_type3A, %mul3A : vector<1024x512xf32>
    %reduce_max3A = arith.constant dense<0xFF800000> : vector<1024xf32>
    %reduce_max3A_13 = vector.multi_reduction <maximumf>, %mul3A_12, %reduce_max3A [1] : vector<1024x512xf32> to vector<1024xf32>
    %mul3A_14 = arith.mulf %get3A_1, %get3A_1 : vector<1024x768xf32>
    %reduce_sum3A = arith.constant dense<0.000000e+00> : vector<1024xf32>
    %reduce_sum3A_15 = vector.multi_reduction <add>, %mul3A_14, %reduce_sum3A [1] : vector<1024x768xf32> to vector<1024xf32>
    %sqrt3A = math.sqrt %reduce_sum3A_15 : vector<1024xf32>
    %max3A = arith.constant 9.99999993E-9 : f32
    %max3A_16 = vector.broadcast %max3A : f32 to vector<1024xf32>
    %max3A_17 = arith.maximumf %sqrt3A, %max3A_16 : vector<1024xf32>
    %div3A = arith.divf %reduce_max3A_13, %max3A_17 : vector<1024xf32>
    %jit3A = arith.constant -1.000000e+00 : f32
    %jit3A_18 = arith.constant 1.000000e+00 : f32
    %max3A_19 = vector.broadcast %jit3A : f32 to vector<1024xf32>
    %max3A_20 = arith.maximumf %max3A_19, %div3A : vector<1024xf32>
    %min3A = vector.broadcast %jit3A_18 : f32 to vector<1024xf32>
    %min3A_21 = arith.minimumf %min3A, %max3A_20 : vector<1024xf32>
    %sub3A = arith.constant 1.000000e+00 : f32
    %sub3A_22 = vector.broadcast %sub3A : f32 to vector<1024xf32>
    %sub3A_23 = arith.subf %sub3A_22, %min3A_21 : vector<1024xf32>
    %jit3A_24 = arith.constant 0.000000e+00 : f32
    %jit3A_25 = arith.constant 2.000000e+00 : f32
    %max3A_26 = vector.broadcast %jit3A_24 : f32 to vector<1024xf32>
    %max3A_27 = arith.maximumf %max3A_26, %sub3A_23 : vector<1024xf32>
    %min3A_28 = vector.broadcast %jit3A_25 : f32 to vector<1024xf32>
    %min3A_29 = arith.minimumf %min3A_28, %max3A_27 : vector<1024xf32>
    %get3A_30 = arith.constant 0 : index
    %get3A_31 = arith.constant 0 : index
    %get3A_32 = memref.load %arg5[%get3A_30, %get3A_31] : memref<1x1xf32, #tpu.memory_space<smem>>
    %exp3A = math.exp %get3A_32 : f32
    %get3A_33 = arith.constant 0 : index
    %get3A_34 = arith.constant 0 : index
    %get3A_35 = memref.load %arg6[%get3A_33, %get3A_34] : memref<1x1xf32, #tpu.memory_space<smem>>
    %logistic3A = arith.negf %get3A_35 : f32
    %logistic3A_36 = math.exp %logistic3A : f32
    %logistic3A_37 = arith.constant 1.000000e+00 : f32
    %logistic3A_38 = arith.addf %logistic3A_37, %logistic3A_36 : f32
    %logistic3A_39 = arith.divf %logistic3A_37, %logistic3A_38 : f32
    %neg3A = arith.constant 0.000000e+00 : f32
    %neg3A_40 = arith.subf %neg3A, %exp3A : f32
    %mul3A_41 = vector.broadcast %neg3A_40 : f32 to vector<1024xf32>
    %mul3A_42 = arith.mulf %mul3A_41, %min3A_29 : vector<1024xf32>
    %exp3A_43 = math.exp %mul3A_42 : vector<1024xf32>
    %sub3A_44 = arith.constant 1.000000e+00 : f32
    %sub3A_45 = vector.broadcast %sub3A_44 : f32 to vector<1024xf32>
    %sub3A_46 = arith.subf %sub3A_45, %exp3A_43 : vector<1024xf32>
    %sub3A_47 = arith.constant 1.000000e+00 : f32
    %sub3A_48 = arith.subf %sub3A_47, %logistic3A_39 : f32
    %mul3A_49 = vector.broadcast %logistic3A_39 : f32 to vector<1024xf32>
    %mul3A_50 = arith.mulf %mul3A_49, %sub3A_46 : vector<1024xf32>
    %add3A = vector.broadcast %sub3A_48 : f32 to vector<1024xf32>
    %add3A_51 = arith.addf %add3A, %mul3A_50 : vector<1024xf32>
    %jit3A_52 = arith.constant 1.000000e-01 : f32
    %jit3A_53 = arith.constant 1.000000e+01 : f32
    %max3A_54 = vector.broadcast %jit3A_52 : f32 to vector<1024xf32>
    %max3A_55 = arith.maximumf %max3A_54, %add3A_51 : vector<1024xf32>
    %min3A_56 = vector.broadcast %jit3A_53 : f32 to vector<1024xf32>
    %min3A_57 = arith.minimumf %min3A_56, %max3A_55 : vector<1024xf32>
    %broadcast_in_dim3A = vector.shape_cast %min3A_57 : vector<1024xf32> to vector<1024x1xf32>
    %mul3A_58 = vector.broadcast %broadcast_in_dim3A : vector<1024x1xf32> to vector<1024x768xf32>
    %mul3A_59 = arith.mulf %get3A_1, %mul3A_58 : vector<1024x768xf32>
    %mul3A_60 = arith.constant 5.000000e-01 : f32
    %mul3A_61 = vector.broadcast %mul3A_60 : f32 to vector<1024x768xf32>
    %mul3A_62 = arith.mulf %mul3A_61, %mul3A_59 : vector<1024x768xf32>
    %integer_pow3A = arith.mulf %mul3A_59, %mul3A_59 : vector<1024x768xf32>
    %integer_pow3A_63 = arith.mulf %mul3A_59, %integer_pow3A : vector<1024x768xf32>
    %mul3A_64 = arith.constant 4.471500e-02 : f32
    %mul3A_65 = vector.broadcast %mul3A_64 : f32 to vector<1024x768xf32>
    %mul3A_66 = arith.mulf %mul3A_65, %integer_pow3A_63 : vector<1024x768xf32>
    %add3A_67 = arith.addf %mul3A_59, %mul3A_66 : vector<1024x768xf32>
    %mul3A_68 = arith.constant 0.797884583 : f32
    %mul3A_69 = vector.broadcast %mul3A_68 : f32 to vector<1024x768xf32>
    %mul3A_70 = arith.mulf %mul3A_69, %add3A_67 : vector<1024x768xf32>
    %tanh3A = math.tanh %mul3A_70 : vector<1024x768xf32>
    %add3A_71 = arith.constant 1.000000e+00 : f32
    %add3A_72 = vector.broadcast %add3A_71 : f32 to vector<1024x768xf32>
    %add3A_73 = arith.addf %add3A_72, %tanh3A : vector<1024x768xf32>
    %mul3A_74 = arith.mulf %mul3A_62, %add3A_73 : vector<1024x768xf32>
    %swap3A = arith.constant 0 : index
    %swap3A_75 = arith.constant 0 : index
    %swap3A_76 = vector.load %arg7[%swap3A, %swap3A_75] : memref<1024x768xf32, #tpu.memory_space<vmem>>, vector<1024x768xf32>
    tpu.vector_store %arg7[%swap3A, %swap3A_75], %mul3A_74 {strides = array<i32>} : memref<1024x768xf32, #tpu.memory_space<vmem>>, vector<1024x768xf32>,
    return
  }
  func.func @transform_0(%arg0: i32) -> (i32, i32) {
    %c0_i32 = arith.constant 0 : i32
    %c0_i32_0 = arith.constant 0 : i32
    return %arg0, %c0_i32 : i32, i32
  }
  func.func @transform_1(%arg0: i32) -> (i32, i32) {
    %min3A = arith.constant 2 : i32
    %min3A_0 = arith.minsi %arg0, %min3A : i32
    %c0_i32 = arith.constant 0 : i32
    %c0_i32_1 = arith.constant 0 : i32
    return %min3A_0, %c0_i32 : i32, i32
  }
  func.func @transform_2(%arg0: i32) -> (i32, i32) {
    %sub3A = arith.constant 3 : i32
    %sub3A_0 = arith.subi %arg0, %sub3A : i32
    %max3A = arith.constant 0 : i32
    %max3A_1 = arith.maxsi %sub3A_0, %max3A : i32
    %c0_i32 = arith.constant 0 : i32
    %c0_i32_2 = arith.constant 0 : i32
    return %max3A_1, %c0_i32 : i32, i32
  }
  func.func @transform_3(%arg0: i32) -> (i32, i32) {
    %c0_i32 = arith.constant 0 : i32
    %c0_i32_0 = arith.constant 0 : i32
    %c0_i32_1 = arith.constant 0 : i32
    return %c0_i32, %c0_i32_0 : i32, i32
  }
  func.func @transform_4(%arg0: i32) -> (i32, i32) {
    %c0_i32 = arith.constant 0 : i32
    %c0_i32_0 = arith.constant 0 : i32
    %c0_i32_1 = arith.constant 0 : i32
    return %c0_i32, %c0_i32_0 : i32, i32
  }
  func.func @transform_5(%arg0: i32) -> (i32, i32) {
    %c0_i32 = arith.constant 0 : i32
    %c0_i32_0 = arith.constant 0 : i32
    %c0_i32_1 = arith.constant 0 : i32
    return %c0_i32, %c0_i32_0 : i32, i32
  }
  func.func @transform_6(%arg0: i32) -> (i32, i32) {
    %c0_i32 = arith.constant 0 : i32
    %c0_i32_0 = arith.constant 0 : i32
    return %arg0, %c0_i32 : i32, i32
  }
}

</mosaic_0001>

<sc_bundles>
// kernel: _run.7.cloned.1.call-start
scs
__scs_entry_jumppad:
0x0: {  	(pc) =	sbr.rel $0x88, $3  }
0x1: {  	(tag) =	ssettag $0x0;
	lr =	simm.s32 $0x1  }
0x2: {  	[smem:$0x3F9D] =	sst lr;
	_ =	strace $0xD0000000  }
0x3: {  	_ = 	snop  }
0x4: {  	_ = 	snop  }
0x5: {  	_ = 	snop  }
0x6: {  	_ = 	snop  }
0x7: {  	_ = 	snop  }
__scs_overlays_trampoline_lowered:
0x8: {  	[smem:$0x3FAC] =	sst s0  }
0x9: {  	[smem:$0x3FAD] =	sst s1  }
0xa: {  	[smem:$0x3FAE] =	sst s2  }
0xb: {  	[smem:$0x3FAF] =	sst s3  }
0xc: {  	[smem:$0x3FB0] =	sst s4  }
0xd: {  	[smem:$0x3FB1] =	sst s5  }
0xe: {  	[smem:$0x3FB2] =	sst s6  }
0xf: {  	[smem:$0x3FB3] =	sst s7  }
0x10: {  	[smem:$0x3FB4] =	sst s8  }
0x11: {  	[smem:$0x3FB5] =	sst s9;
	s0 =	simm.s32 @!p0 $0x0  }
0x12: {  	s1 =	sld [smem:$0x3F9B];
	s0 =	simm.s32 @p0 $0x1  }
0x13: {  	[smem:$0x3FB6] =	sst s0;
	s0 =	simm.s32 @!p1 $0x0  }
0x14: {  	s2 =	sld [smem:$0x3F9A];
	s0 =	simm.s32 @p1 $0x1  }
0x15: {  	[smem:$0x3FB7] =	sst s0;
	s0 =	simm.s32 @!p2 $0x0  }
0x16: {  	s3 =	sld [smem:$0x3FDB];
	s0 =	simm.s32 @p2 $0x1  }
0x17: {  	s4 =	simm.s32 $0x1BF5;
	[smem:$0x3FB9] =	sst s0  }
0x18: {  	s0 =	sld [smem:$0x3F9C];
	_ =	swait.ge [sflag:s4], $0x0  }
0x19: {  	s7 =	sld [smem:$0x3F9D]  }
0x1a: {  	s8 =	sadd.s32 $0xFFFFE003, lr  }
0x1b: {  	s9 =	sadd.s32 $0xFFFFFEF7, lr;
	s5 =	simm.s32 $0xFFFFFFFF;
	p2 =	slt.u32 s8, $0xFFFFF086  }
0x1c: {  	p1 =	slt.u32 s9, $0xF7A;
	s5 =	simm.s32 @!p2 $0x0  }
0x1d: {  	s5 =	simm.s32 @p1 $0x1;
	p0 =	seq.s32 s7, s2  }
0x1e: {  	s7 =	smul.u32 @!p0 $0xF7A, s2;
	p2 =	seq.s32 @!p0 s5, $0x0  }
0x1f: {  	s9 =	smul.u32 $0xF7A, s1;
	s8 =	simm.s32 @!p0 $0x1BF5;
	p2 =	por !p2, p0  }
0x20: {  	[sflag:s8] =	ssyncset.s32 @!p0 $0xFFFFF086;
	s6 =	sadd.s32 @!p0 s3, s7;
	s7 =	simm.s32 @!p0 $0x108  }
0x21: {  	s3 =	sadd.s32 s3, s9;
	s6 =	sadd.s32 @!p0 $0x88, s6;
	s7 =	simm.s32 @p2 $0x1082  }
0x22: {  	[simem:s7], [sflag:s8] =	dma.local @!p0 [hbm:s6], $0xF7A  }
0x23: {  	s9 =	sor.u32 $0xD0000000, s2;
	s6 =	simm.s32 $0x108;
	_ =	swait.ge @!p0 [sflag:s8], $0x0  }
0x24: {  	s3 =	sadd.s32 $0x88, s3;
	s6 =	simm.s32 @!p1 $0x1082;
	[sflag:s4] =	ssyncset.s32 $0xFFFFF086  }
0x25: {  	[simem:s6], [sflag:s4] =	dma.local [hbm:s3], $0xF7A  }
0x26: {  	[smem:$0x3F9D] =	sst s1;
	(tag) =	ssettag s2;
	_ =	strace s9  }
0x27: {  	s1 =	sld [smem:$0x3FAD]  }
0x28: {  	s2 =	sld [smem:$0x3FAE]  }
0x29: {  	s4 =	sld [smem:$0x3FB0]  }
0x2a: {  	p0 =	seq.s32 s5, $0x0;
	s5 =	sld [smem:$0x3FB1]  }
0x2b: {  	s6 =	sld [smem:$0x3FB2]  }
0x2c: {  	s7 =	sld [smem:$0x3FB3]  }
0x2d: {  	s3 =	simm.s32 $0x108;
	s8 =	sld [smem:$0x3FB4]  }
0x2e: {  	s3 =	simm.s32 @!p0 $0x1082;
	s9 =	sld [smem:$0x3FB5]  }
0x2f: {  	lr =	sadd.s32 s0, s3;
	s0 =	sld [smem:$0x3FAC]  }
0x30: {  	s3 =	sld [smem:$0x3FAF]  }
0x31: {  	[smem:$0x3FB8] =	sst s10  }
0x32: {  	s10 =	sld [smem:$0x3FB6];
	_ =	sdelay $0x3  }
0x33: {  	p0 =	seq.s32 s10, $0x1;
	s10 =	sld [smem:$0x3FB8];
	_ =	sdelay $0x3  }
0x34: {  	[smem:$0x3FB8] =	sst s10  }
0x35: {  	s10 =	sld [smem:$0x3FB7];
	_ =	sdelay $0x3  }
0x36: {  	p1 =	seq.s32 s10, $0x1;
	s10 =	sld [smem:$0x3FB8];
	_ =	sdelay $0x3  }
0x37: {  	[smem:$0x3FB8] =	sst s10  }
0x38: {  	s10 =	sld [smem:$0x3FB9]  }
0x39: {  	_ = 	snop;
	(pc) =	sbr.ind lr, $3  }
0x3a: {  	_ = 	snop  }
0x3b: {  	_ = 	snop  }
0x3c: {  	p2 =	seq.s32 s10, $0x1;
	s10 =	sld [smem:$0x3FB8]  }
0x3d: {  	_ =	shalt  }
0x3e: {  	_ =	shalt  }
0x3f: {  	_ =	shalt  }
0x40: {  	_ =	shalt  }
0x41: {  	_ =	shalt  }
0x42: {  	_ =	shalt  }
0x43: {  	_ =	shalt  }
0x44: {  	_ =	shalt  }
0x45: {  	_ =	shalt  }
0x46: {  	_ =	shalt  }
0x47: {  	_ =	shalt  }
0x48: {  	_ =	shalt  }
0x49: {  	_ =	shalt  }
0x4a: {  	_ =	shalt  }
0x4b: {  	_ =	shalt  }
0x4c: {  	_ =	shalt  }
0x4d: {  	_ =	shalt  }
0x4e: {  	_ =	shalt  }
0x4f: {  	_ =	shalt  }
0x50: {  	_ =	shalt  }
0x51: {  	_ =	shalt  }
0x52: {  	_ =	shalt  }
0x53: {  	_ =	shalt  }
0x54: {  	_ =	shalt  }
0x55: {  	_ =	shalt  }
0x56: {  	_ =	shalt  }
0x57: {  	_ =	shalt  }
0x58: {  	_ =	shalt  }
0x59: {  	_ =	shalt  }
0x5a: {  	_ =	shalt  }
0x5b: {  	_ =	shalt  }
0x5c: {  	_ =	shalt  }
0x5d: {  	_ =	shalt  }
0x5e: {  	_ =	shalt  }
0x5f: {  	_ =	shalt  }
0x60: {  	_ =	shalt  }
0x61: {  	_ =	shalt  }
0x62: {  	_ =	shalt  }
0x63: {  	_ =	shalt  }
0x64: {  	_ =	shalt  }
0x65: {  	_ =	shalt  }
0x66: {  	_ =	shalt  }
0x67: {  	_ =	shalt  }
0x68: {  	_ =	shalt  }
0x69: {  	_ =	shalt  }
0x6a: {  	_ =	shalt  }
0x6b: {  	_ =	shalt  }
0x6c: {  	_ =	shalt  }
0x6d: {  	_ =	shalt  }
0x6e: {  	_ =	shalt  }
0x6f: {  	_ =	shalt  }
0x70: {  	_ =	shalt  }
0x71: {  	_ =	shalt  }
0x72: {  	_ =	shalt  }
0x73: {  	_ =	shalt  }
0x74: {  	_ =	shalt  }
0x75: {  	_ =	shalt  }
0x76: {  	_ =	shalt  }
0x77: {  	_ =	shalt  }
0x78: {  	_ =	shalt  }
0x79: {  	_ =	shalt  }
0x7a: {  	_ =	shalt  }
0x7b: {  	_ =	shalt  }
0x7c: {  	_ =	shalt  }
0x7d: {  	_ =	shalt  }
0x7e: {  	_ =	shalt  }
0x7f: {  	_ =	shalt  }
0x80: {  	_ =	shalt  }
0x81: {  	_ =	shalt  }
0x82: {  	_ =	shalt  }
0x83: {  	_ =	shalt  }
0x84: {  	_ =	shalt  }
0x85: {  	_ =	shalt  }
0x86: {  	_ =	shalt  }
0x87: {  	_ =	shalt  }
.Lfunc_end0:
.L_simem_size_0:
called_computation_lowered:
.L_overlay_start_0:
0x88: {  	s2 =	sld [smem:$0x3FD9]  }
0x89: {  	s3 =	sld [smem:$0x3FFE];
	_ =	sdelay $0x1  }
0x8a: {  	s1 =	srdreg.scid  }
0x8b: {  	s0 =	sand.u32 $0x1, s1  }
0x8c: {  	s17 =	sshll.u32 s0, $0xA;
	s2 =	sadd.s32 s3, s2  }
0x8d: {  	s2 =	sadd.s32 s2, s17  }
0x8e: {  	[smem:$0x3FC4] =	sst s2  }
0x8f: {  	_ = 	snop  }
0x90: {  	s2 =	sld [smem:$0x3FC9]  }
0x91: {  	s18 =	sld [smem:$0x3FD0];
	(tm) =	ssettm $0x1  }
0x92: {  	s4 =	sld [smem:$0x3FFB];
	_ =	sdelay $0x3  }
0x93: {  	_ =	strace s4  }
0x94: {  	s4 =	sld [smem:$0x3FFC];
	_ =	sdelay $0x3  }
0x95: {  	_ =	strace s4  }
0x96: {  	s4 =	sld [smem:$0x3FFD];
	_ =	sdelay $0x3  }
0x97: {  	_ =	strace s4  }
0x98: {  	_ =	strace $0x8FFFFFFF  }
0x99: {  	s19 =	sld [smem:$0x3FDB];
	_ =	sdelay $0x1  }
0x9a: {  	s5 =	simm.s32 $_scs_section_size  }
0x9b: {  	s6 =	simm.s32 $_size__tile_overlayer_lowered;
	s7 =	simm.s32 $_tile_overlayer_lowered  }
0x9c: {  	s22 =	simm.s32 $0x1BFF;
	s21 =	sshll.u32 s7, $0x1;
	s4 =	sadd.s32 s5, s19  }
0x9d: {  	s8 =	simm.s32 $0x0;
	s20 =	sshll.u32 s6, $0x1;
	s6 =	sadd.s32 s21, s4  }
0x9e: {  	[timem:s8], [sflag:s22] =	dma.local [hbm:s6], s20  }
0x9f: {  	_ =	swait.ge [sflag:s22], s20  }
0xa0: {  	s5 =	ssub.s32 $0x0, s20;
	[sflag:s22] =	ssyncset.done $0x0  }
0xa1: {  	[sflag:s22] =	ssyncadd.s32 s5;
	_ =	sdelay $0x1  }
0xa2: {  	s23 =	simm.s32 $0x1B8B  }
0xa3: {  	_ =	swait.ge [sflag:s23], $0x1  }
0xa4: {  	[sflag:s23] =	ssyncset.done $0x0  }
0xa5: {  	s25 =	simm.s32 $0x1B8E;
	s24 =	sld [smem:$0x3FFE];
	[sflag:s23] =	ssyncadd.s32 $0xFFFFFFFF  }
0xa6: {  	s26 =	simm.s32 $execute0_lowered;
	[smem:$0x3FD2] =	sst s25  }
0xa7: {  	s6 =	sshll.u32 s26, $0x1;
	_ =	strace $0x80000046;
	[dreg:$0x1] =	wrdreg $0xFFFFFFFF  }
0xa8: {  	s28 =	simm.s32 $_size_execute0_lowered;
	s4 =	sadd.s32 s4, s6;
	[dreg:$0x0] =	wrdreg $0x0  }
0xa9: {  	s6 =	sshll.u32 s28, $0x1;
	[dreg:$0x2] =	wrdreg s4  }
0xaa: {  	[dreg:$0x3] =	wrdreg s6  }
0xab: {  	[dreg:$0x4] =	wrdreg $0xC0  }
0xac: {  	_ =	task [dreg:s8], $0x5FFFF  }
0xad: {  	[dreg:$0x1] =	wrdreg $0xFFFFFFFF  }
0xae: {  	[dreg:$0x0] =	wrdreg $0x60  }
0xaf: {  	[dreg:$0x2] =	wrdreg s2  }
0xb0: {  	[dreg:$0x3] =	wrdreg s24  }
0xb1: {  	[dreg:$0x4] =	wrdreg s18  }
0xb2: {  	[dreg:$0x5] =	wrdreg $0x9  }
0xb3: {  	_ =	task.clear_ibuf [dreg:s8], $0x6FFFF;
	_ =	strace $0x90000046  }
0xb4: {  	s29 =	simm.s32 $0x9;
	_ =	strace $0x80000048  }
0xb5: {  	_ =	swait.ge [sflag:s29], $0x1  }
0xb6: {  	[sflag:s29] =	ssyncadd.s32 $0xFFFFFFFF  }
0xb7: {  	_ =	strace $0x90000048  }
0xb8: {  	_ =	sfence  }
0xb9: {  	s30 =	sld [smem:$0x0];
	_ =	sdelay $0x2  }
0xba: {  	s31 =	sshll.u32 s1, $0xD;
	s1 =	sshrl.u32 s1, $0x2  }
0xbb: {  	s3 =	sand.u32 $0x4000, s31;
	s1 =	sadd.s32 s1, s30  }
0xbc: {  	s0 =	sor.u32 s3, s0;
	s1 =	sshll.u32 s1, $0x11  }
0xbd: {  	s0 =	sor.u32 s1, s0  }
0xbe: {  	s0 =	sadd.s32 $0x8F2B, s0  }
0xbf: {  	[sflag:s0] =	ssyncadd.remote.s32 $0x1  }
0xc0: {  	_ =	sfence.sel $0xFFFF  }
0xc1: {  	[dreg:$0x0] =	wrdreg $0xFFFFFFFF;
	(pc) =	sbr.abs _section_cstart, $3  }
0xc2: {  	[dreg:$0x1] =	wrdreg $0xFFFFFFFF  }
0xc3: {  	_ =	task.clear_ibuf [dreg:s8], $0x2FFFF;
	_ =	strace $0x9FFFFFFF  }
0xc4: {  	(tm) =	ssettm $0x7FFFFFFF  }
0xc5: {  	_ =	shalt  }
tec
execute0_lowered:
.L_overlay_start_1:
0x0: {  	(tag) =	ssettag $0x1  }
0x1: {  	s1 =	stileid.u32  }
0x2: {  	p0 =	sgt.u32 s1, $0xB  }
.Ltmp0:
0x3: {  	s9 =	rddreg [dreg:$0x0];
	(pc) =	sbr.rel @p0 .LBB2_15-.Ltmp0, $4  }
0x4: {  	s3 =	rddreg [dreg:$0x1]  }
0x5: {  	s10 =	rddreg [dreg:$0x2];
	s2 =	simm.s32 $0x0  }
0x6: {  	[smem:$0x7FF] =	sst s2  }
0x7: {  	s0 =	rddreg [dreg:$0x3];
	_ =	strace $0x80000047  }
0x8: {  	s4 =	srdreg.scid;
	s5 =	sshll.u32 s1, $0x1  }
0x9: {  	s11 =	sand.u32 $0x1, s4;
	s24 =	sand.u32 $0x2, s5  }
0xa: {  	s25 =	sshll.u32 s1, $0x9;
	s12 =	sor.u32 s11, s24  }
0xb: {  	s14 =	sadd.s32 $0x1000, s3;
	s3 =	sadd.s32 $0x1200, s3;
	s4 =	smul.u32 $0x300, s12  }
0xc: {  	s18 =	simm.s32 $0x1;
	s19 =	simm.s32 $0x4300;
	s6 =	smul.u32 $0x90000, s12  }
0xd: {  	s20 =	simm.s32 $0x2;
	s11 =	ssub.s32 $0x2, s11;
	s17 =	smul.u32 $0x60000, s12  }
0xe: {  	s21 =	simm.s32 $0x0;
	s30 =	sshrl.u32 s11, $0x1;
	s12 =	smul.u32 $0x60, s12  }
0xf: {  	s13 =	sand.u32 $0x1C00, s25;
	s31 =	ssub.s32 s11, s30;
	s4 =	sshrl.u32 s4, $0x3  }
0x10: {  	s5 =	sor.u32 s13, s6;
	s11 =	sadd.s32 s14, s12;
	s4 =	smul.u32 $0x1800, s4  }
0x11: {  	s12 =	smax.u32 s31, $0x1;
	s14 =	simm.s32 $0x8300;
	s5 =	sshrl.u32 s5, $0x3  }
0x12: {  	s8 =	sor.u32 s13, s4;
	s4 =	sadd.s32 s9, s5;
	s13 =	sor.u32 s13, s17  }
0x13: {  	s17 =	simm.s32 $0x300;
	s26 =	sadd.s32 $0x18000, s8;
	s28 =	sadd.s32 $0x30000, s8  }
0x14: {  	s7 =	sadd.s32 $0x48000, s8;
	s15 =	sadd.s32 $0x60000, s8;
	s16 =	sadd.s32 $0x78000, s8  }
0x15: {  	s13 =	sshrl.u32 s13, $0x3;
	s5 =	sshrl.u32 s26, $0x3;
	s6 =	sshrl.u32 s28, $0x3  }
0x16: {  	v0 =	vlaneseq.u32;
	s7 =	sshrl.u32 s7, $0x3;
	s15 =	sshrl.u32 s15, $0x3;
	s29 =	sshrl.u32 s16, $0x3  }
0x17: {  	v1 =	vor.u32 $0x10, v0;
	s10 =	sadd.s32 s10, s13;
	s13 =	simm.s32 $0x3;
	s16 =	simm.s32 $0x1800  }
0x18: {  	v2 =	vor.u32 $0x20, v0;
	v3 =	vor.u32 $0x30, v0;
	v4 =	vor.u32 $0x40, v0;
	s5 =	sadd.s32 s9, s5;
	s6 =	sadd.s32 s9, s6;
	s7 =	sadd.s32 s9, s7  }
0x19: {  	v5 =	vor.u32 $0x50, v0;
	v6 =	vor.u32 $0x60, v0;
	v7 =	vor.u32 $0x70, v0;
	s8 =	sadd.s32 s9, s15;
	s9 =	sadd.s32 s9, s29;
	s15 =	simm.s32 $0x400  }
.LBB2_2:
0x1a: {  	s22 =	simm.s32 $0x0  }
0x1b: {  	[tilespmem:s22], [sflag:$0x3] =	stream.linear.gather [hbm4b:s11+s22], $0x300, $0x38;
	[tilespmem:$0x18300] =	vst v63  }
0x1c: {  	_ =	swait.ge [sflag:s13], $0x300  }
0x1d: {  	[sflag:s13] =	ssyncset.done $0x0  }
0x1e: {  	[sflag:s13] =	ssyncadd.s32 $0xFFFFFD00  }
0x1f: {  	[tilespmem:s14], [sflag:$0x3] =	stream.linear.gather [hbm4b:s3+s22], $0x10000, $0x38;
	[tilespmem:$0x18300] =	vst v63  }
0x20: {  	_ =	swait.ge [sflag:s13], $0x10000  }
0x21: {  	[sflag:s13] =	ssyncset.done $0x0  }
0x22: {  	s25 =	simm.s32 $0x4;
	s23 =	simm.s32 $0x6;
	[sflag:s13] =	ssyncadd.s32 $0xFFFF0000  }
0x23: {  	v9 =	vmov s22;
	[tilespmem:s17], [sflag:$0x1] =	stream.strided.gather [hbm4b:s4+s15], $0x4000, s16, s15, $0x38;
	[tilespmem:$0x18300] =	vst v63  }
0x24: {  	s26 =	simm.s32 $0x5;
	v11 =	vmov s25;
	v10 =	vmov s23;
	_ =	swait.ge [sflag:s18], $0x4000  }
0x25: {  	v12 =	vmov s26;
	v8 =	vshll.u32 v11, $0x7;
	[sflag:s18] =	ssyncset.done $0x0  }
0x26: {  	s28 =	simm.s32 $0x3;
	v14 =	vshll.u32 v10, $0x7;
	v13 =	vor.u32 v0, v8;
	[sflag:s18] =	ssyncadd.s32 $0xFFFFC000  }
0x27: {  	v15 =	vor.u32 v0, v14;
	[tilespmem:s19], [sflag:$0x2] =	stream.strided.gather [hbm4b:s5+s15], $0x4000, s16, s15, $0x38;
	[tilespmem:$0x18300] =	vst v63  }
0x28: {  	s29 =	simm.s32 $0x7;
	v16 =	vmov s28;
	v18 =	vld.idx.msk [tilespmem:v9+s2+$0x0], $0xffff  }
0x29: {  	v21 =	vmov s29;
	v22 =	vshll.u32 v12, $0x7;
	v10 =	vld.idx.msk [tilespmem:v10+s2+$0x0], $0xffff  }
0x2a: {  	v24 =	vor.u32 v0, v22;
	v12 =	vld.idx.msk [tilespmem:v12+s2+$0x0], $0xffff  }
0x2b: {  	v9 =	vshll.u32 v9, $0x7;
	v13 =	vld.idx.msk [tilespmem:v13+s17+$0x0], $0xffff  }
0x2c: {  	v19 =	vshll.u32 v21, $0x7;
	v15 =	vld.idx.msk [tilespmem:v15+s17+$0x0], $0xffff;
	v23 =	vor.u32 v0, v9  }
0x2d: {  	v20 =	vshll.u32 v16, $0x7;
	v26 =	vor.u32 v0, v19;
	v16 =	vld.idx.msk [tilespmem:v16+s2+$0x0], $0xffff  }
0x2e: {  	s30 =	simm.s32 $0x1;
	v25 =	vor.u32 v0, v20;
	v21 =	vld.idx.msk [tilespmem:v21+s2+$0x0], $0xffff  }
0x2f: {  	v56 =	vmov s30;
	v24 =	vld.idx.msk [tilespmem:v24+s17+$0x0], $0xffff;
	v17 =	vshll.u32 v10, $0x7  }
0x30: {  	v30 =	vld.idx.msk [tilespmem:v11+s2+$0x0], $0xffff;
	v10 =	vshll.u32 v18, $0x7;
	v27 =	vor.u32 v0, v17  }
0x31: {  	v18 =	vshll.u32 v12, $0x7;
	v23 =	vld.idx.msk [tilespmem:v23+s17+$0x0], $0xffff;
	v28 =	vor.u32 v0, v10  }
0x32: {  	v26 =	vld.idx.msk [tilespmem:v26+s17+$0x0], $0xffff;
	v53 =	vor.u32 v0, v18  }
0x33: {  	v29 =	vor.u32 v1, v9;
	v12 =	vld.idx.msk [tilespmem:v25+s17+$0x0], $0xffff  }
0x34: {  	v11 =	vor.u32 v1, v22;
	v21 =	vshll.u32 v21, $0x7;
	v25 =	vld.idx.msk [tilespmem:v56+s2+$0x0], $0xffff  }
0x35: {  	[tilespmem:v27+s14+$0x0] =	vst.idx.add.f32.msk $0xffff, v15;
	v15 =	vor.u32 v0, v21  }
0x36: {  	[tilespmem:v28+s14+$0x0] =	vst.idx.add.f32.msk $0xffff, v23;
	v23 =	vor.u32 v1, v14  }
0x37: {  	v54 =	vor.u32 v1, v19;
	v28 =	vshll.u32 v16, $0x7;
	[tilespmem:v53+s14+$0x0] =	vst.idx.add.f32.msk $0xffff, v24  }
0x38: {  	v16 =	vor.u32 v0, v28;
	v55 =	vld.idx.msk [tilespmem:v29+s17+$0x0], $0xffff  }
0x39: {  	v57 =	vor.u32 v1, v10;
	v31 =	vld.idx.msk [tilespmem:v11+s17+$0x0], $0xffff  }
0x3a: {  	v59 =	vor.u32 v1, v18;
	[tilespmem:v15+s14+$0x0] =	vst.idx.add.f32.msk $0xffff, v26  }
0x3b: {  	v32 =	vor.u32 v2, v9;
	v23 =	vld.idx.msk [tilespmem:v23+s17+$0x0], $0xffff  }
0x3c: {  	v60 =	vor.u32 v2, v22;
	v11 =	vshll.u32 v56, $0x7;
	v26 =	vld.idx.msk [tilespmem:v54+s17+$0x0], $0xffff  }
0x3d: {  	v15 =	vor.u32 v0, v11;
	[tilespmem:v16+s14+$0x0] =	vst.idx.add.f32.msk $0xffff, v12  }
0x3e: {  	v58 =	vor.u32 v1, v20;
	[tilespmem:v57+s14+$0x0] =	vst.idx.add.f32.msk $0xffff, v55  }
0x3f: {  	v61 =	vor.u32 v1, v17;
	[tilespmem:v59+s14+$0x0] =	vst.idx.add.f32.msk $0xffff, v31  }
0x40: {  	v16 =	vor.u32 v1, v21;
	v32 =	vld.idx.msk [tilespmem:v32+s17+$0x0], $0xffff  }
0x41: {  	v35 =	vor.u32 v2, v14;
	v63 =	vld.idx.msk [tilespmem:v60+s17+$0x0], $0xffff  }
0x42: {  	v33 =	vor.u32 v2, v19;
	v34 =	vld.idx.msk [tilespmem:v15+s17+$0x0], $0xffff  }
0x43: {  	v36 =	vor.u32 v1, v28;
	v15 =	vld.idx.msk [tilespmem:v58+s17+$0x0], $0xffff  }
0x44: {  	v12 =	vshll.u32 v30, $0x7;
	[tilespmem:v61+s14+$0x0] =	vst.idx.add.f32.msk $0xffff, v23;
	v23 =	vor.u32 v2, v18  }
0x45: {  	[tilespmem:v16+s14+$0x0] =	vst.idx.add.f32.msk $0xffff, v26;
	v16 =	vor.u32 v0, v12  }
0x46: {  	v38 =	vor.u32 v2, v20;
	v27 =	vld.idx.msk [tilespmem:v35+s17+$0x0], $0xffff  }
0x47: {  	v39 =	vor.u32 v3, v22;
	v37 =	vld.idx.msk [tilespmem:v33+s17+$0x0], $0xffff  }
0x48: {  	v40 =	vor.u32 v2, v17;
	[tilespmem:v36+s14+$0x0] =	vst.idx.add.f32.msk $0xffff, v15  }
0x49: {  	v62 =	vor.u32 v1, v8;
	[tilespmem:v23+s14+$0x0] =	vst.idx.add.f32.msk $0xffff, v63  }
0x4a: {  	[tilespmem:v16+s14+$0x0] =	vst.idx.add.f32.msk $0xffff, v13;
	v13 =	vor.u32 v2, v21  }
0x4b: {  	v41 =	vor.u32 v2, v28;
	v15 =	vld.idx.msk [tilespmem:v38+s17+$0x0], $0xffff  }
0x4c: {  	v42 =	vor.u32 v3, v18;
	v26 =	vld.idx.msk [tilespmem:v39+s17+$0x0], $0xffff  }
0x4d: {  	v16 =	vor.u32 v3, v19;
	[tilespmem:v40+s14+$0x0] =	vst.idx.add.f32.msk $0xffff, v27  }
0x4e: {  	v23 =	vor.u32 v3, v20;
	v24 =	vld.idx.msk [tilespmem:v62+s17+$0x0], $0xffff  }
0x4f: {  	s31 =	simm.s32 $0x2;
	[tilespmem:v13+s14+$0x0] =	vst.idx.add.f32.msk $0xffff, v37;
	v13 =	vor.u32 v4, v22  }
0x50: {  	[tilespmem:v41+s14+$0x0] =	vst.idx.add.f32.msk $0xffff, v15;
	v15 =	vmov s31  }
0x51: {  	[tilespmem:v42+s14+$0x0] =	vst.idx.add.f32.msk $0xffff, v26;
	v37 =	vor.u32 v3, v14  }
0x52: {  	v42 =	vor.u32 v2, v10;
	v16 =	vld.idx.msk [tilespmem:v16+s17+$0x0], $0xffff  }
0x53: {  	v43 =	vor.u32 v3, v21;
	v23 =	vld.idx.msk [tilespmem:v23+s17+$0x0], $0xffff  }
0x54: {  	v45 =	vor.u32 v3, v28;
	v47 =	vld.idx.msk [tilespmem:v13+s17+$0x0], $0xffff  }
0x55: {  	v44 =	vor.u32 v4, v19;
	v49 =	vld.idx.msk [tilespmem:v15+s2+$0x0], $0xffff  }
0x56: {  	v46 =	vor.u32 v4, v20;
	v62 =	vld.idx.msk [tilespmem:v37+s17+$0x0], $0xffff  }
0x57: {  	v48 =	vor.u32 v4, v18;
	[tilespmem:v42+s14+$0x0] =	vst.idx.add.f32.msk $0xffff, v32  }
0x58: {  	v50 =	vor.u32 v5, v22;
	v13 =	vshll.u32 v15, $0x7;
	[tilespmem:v43+s14+$0x0] =	vst.idx.add.f32.msk $0xffff, v16  }
0x59: {  	[tilespmem:v45+s14+$0x0] =	vst.idx.add.f32.msk $0xffff, v23;
	v23 =	vor.u32 v0, v13  }
0x5a: {  	v15 =	vor.u32 v4, v21;
	v16 =	vld.idx.msk [tilespmem:v44+s17+$0x0], $0xffff  }
0x5b: {  	v51 =	vor.u32 v4, v28;
	v26 =	vld.idx.msk [tilespmem:v46+s17+$0x0], $0xffff  }
0x5c: {  	v43 =	vor.u32 v3, v9;
	[tilespmem:v48+s14+$0x0] =	vst.idx.add.f32.msk $0xffff, v47  }
0x5d: {  	v52 =	vor.u32 v5, v20;
	v29 =	vld.idx.msk [tilespmem:v50+s17+$0x0], $0xffff  }
0x5e: {  	v53 =	vor.u32 v5, v19;
	v23 =	vld.idx.msk [tilespmem:v23+s17+$0x0], $0xffff  }
0x5f: {  	v54 =	vor.u32 v5, v18;
	[tilespmem:v15+s14+$0x0] =	vst.idx.add.f32.msk $0xffff, v16  }
0x60: {  	v36 =	vor.u32 v6, v22;
	v15 =	vshll.u32 v49, $0x7;
	[tilespmem:v51+s14+$0x0] =	vst.idx.add.f32.msk $0xffff, v26  }
0x61: {  	v16 =	vshll.u32 v25, $0x7;
	v25 =	vld.idx.msk [tilespmem:v43+s17+$0x0], $0xffff;
	v55 =	vor.u32 v0, v15  }
0x62: {  	v57 =	vor.u32 v5, v28;
	v56 =	vld.idx.msk [tilespmem:v52+s17+$0x0], $0xffff  }
0x63: {  	v58 =	vld.idx.msk [tilespmem:v53+s17+$0x0], $0xffff;
	v59 =	vor.u32 v0, v16  }
0x64: {  	v63 =	vor.u32 v5, v21;
	[tilespmem:v54+s14+$0x0] =	vst.idx.add.f32.msk $0xffff, v29  }
0x65: {  	v60 =	vor.u32 v6, v20;
	v61 =	vld.idx.msk [tilespmem:v36+s17+$0x0], $0xffff  }
0x66: {  	v37 =	vor.u32 v6, v19;
	[tilespmem:v55+s14+$0x0] =	vst.idx.add.f32.msk $0xffff, v23  }
0x67: {  	v38 =	vor.u32 v1, v13;
	[tilespmem:v57+s14+$0x0] =	vst.idx.add.f32.msk $0xffff, v56  }
0x68: {  	v39 =	vor.u32 v1, v11;
	[tilespmem:v59+s14+$0x0] =	vst.idx.add.f32.msk $0xffff, v34  }
0x69: {  	v23 =	vor.u32 v6, v18;
	[tilespmem:v63+s14+$0x0] =	vst.idx.add.f32.msk $0xffff, v58  }
0x6a: {  	v22 =	vor.u32 v7, v22;
	v29 =	vld.idx.msk [tilespmem:v60+s17+$0x0], $0xffff  }
0x6b: {  	v40 =	vor.u32 v6, v28;
	v26 =	vld.idx.msk [tilespmem:v37+s17+$0x0], $0xffff  }
0x6c: {  	v41 =	vor.u32 v6, v21;
	v27 =	vld.idx.msk [tilespmem:v38+s17+$0x0], $0xffff  }
0x6d: {  	v20 =	vor.u32 v7, v20;
	v30 =	vld.idx.msk [tilespmem:v39+s17+$0x0], $0xffff  }
0x6e: {  	v19 =	vor.u32 v7, v19;
	[tilespmem:v23+s14+$0x0] =	vst.idx.add.f32.msk $0xffff, v61  }
0x6f: {  	v23 =	vor.u32 v3, v17;
	v22 =	vld.idx.msk [tilespmem:v22+s17+$0x0], $0xffff  }
0x70: {  	v46 =	vor.u32 v1, v16;
	[tilespmem:v40+s14+$0x0] =	vst.idx.add.f32.msk $0xffff, v29  }
0x71: {  	v45 =	vor.u32 v4, v14;
	[tilespmem:v41+s14+$0x0] =	vst.idx.add.f32.msk $0xffff, v26  }
0x72: {  	v28 =	vor.u32 v7, v28;
	v20 =	vld.idx.msk [tilespmem:v20+s17+$0x0], $0xffff  }
0x73: {  	v21 =	vor.u32 v7, v21;
	v19 =	vld.idx.msk [tilespmem:v19+s17+$0x0], $0xffff  }
0x74: {  	[tilespmem:v23+s14+$0x0] =	vst.idx.add.f32.msk $0xffff, v62;
	v23 =	vor.u32 v1, v15  }
0x75: {  	v44 =	vor.u32 v2, v13;
	[tilespmem:v46+s14+$0x0] =	vst.idx.add.f32.msk $0xffff, v30  }
0x76: {  	v18 =	vor.u32 v7, v18;
	v29 =	vld.idx.msk [tilespmem:v45+s17+$0x0], $0xffff  }
0x77: {  	[tilespmem:v28+s14+$0x0] =	vst.idx.add.f32.msk $0xffff, v20;
	v20 =	vor.u32 v2, v11  }
0x78: {  	[tilespmem:v21+s14+$0x0] =	vst.idx.add.f32.msk $0xffff, v19;
	v19 =	vor.u32 v4, v17  }
0x79: {  	[tilespmem:v23+s14+$0x0] =	vst.idx.add.f32.msk $0xffff, v27;
	v23 =	vor.u32 v1, v12  }
0x7a: {  	v47 =	vor.u32 v2, v15;
	v26 =	vld.idx.msk [tilespmem:v44+s17+$0x0], $0xffff  }
0x7b: {  	v50 =	vor.u32 v2, v8;
	[tilespmem:v18+s14+$0x0] =	vst.idx.add.f32.msk $0xffff, v22  }
0x7c: {  	v48 =	vor.u32 v3, v13;
	v20 =	vld.idx.msk [tilespmem:v20+s17+$0x0], $0xffff  }
0x7d: {  	v21 =	vor.u32 v5, v14;
	[tilespmem:v19+s14+$0x0] =	vst.idx.add.f32.msk $0xffff, v29  }
0x7e: {  	v49 =	vor.u32 v2, v16;
	[tilespmem:v23+s14+$0x0] =	vst.idx.add.f32.msk $0xffff, v24  }
0x7f: {  	v23 =	vor.u32 v3, v10;
	[tilespmem:v47+s14+$0x0] =	vst.idx.add.f32.msk $0xffff, v26  }
0x80: {  	v54 =	vor.u32 v2, v12;
	v53 =	vld.idx.msk [tilespmem:v50+s17+$0x0], $0xffff  }
0x81: {  	v51 =	vor.u32 v3, v15;
	v26 =	vld.idx.msk [tilespmem:v48+s17+$0x0], $0xffff  }
0x82: {  	v55 =	vor.u32 v3, v8;
	v21 =	vld.idx.msk [tilespmem:v21+s17+$0x0], $0xffff  }
0x83: {  	v19 =	vor.u32 v4, v13;
	[tilespmem:v49+s14+$0x0] =	vst.idx.add.f32.msk $0xffff, v20  }
0x84: {  	[tilespmem:v23+s14+$0x0] =	vst.idx.add.f32.msk $0xffff, v25;
	v23 =	vor.u32 v5, v17  }
0x85: {  	v52 =	vor.u32 v3, v11;
	[tilespmem:v54+s14+$0x0] =	vst.idx.add.f32.msk $0xffff, v53  }
0x86: {  	v56 =	vor.u32 v4, v9;
	[tilespmem:v51+s14+$0x0] =	vst.idx.add.f32.msk $0xffff, v26  }
0x87: {  	v20 =	vor.u32 v6, v14;
	v26 =	vld.idx.msk [tilespmem:v55+s17+$0x0], $0xffff  }
0x88: {  	v18 =	vor.u32 v3, v12;
	v19 =	vld.idx.msk [tilespmem:v19+s17+$0x0], $0xffff  }
0x89: {  	[tilespmem:v23+s14+$0x0] =	vst.idx.add.f32.msk $0xffff, v21;
	v23 =	vor.u32 v4, v15  }
0x8a: {  	v57 =	vor.u32 v3, v16;
	v21 =	vld.idx.msk [tilespmem:v52+s17+$0x0], $0xffff  }
0x8b: {  	v58 =	vor.u32 v4, v11;
	v59 =	vld.idx.msk [tilespmem:v56+s17+$0x0], $0xffff  }
0x8c: {  	v60 =	vor.u32 v6, v17;
	v20 =	vld.idx.msk [tilespmem:v20+s17+$0x0], $0xffff  }
0x8d: {  	v14 =	vor.u32 v7, v14;
	[tilespmem:v18+s14+$0x0] =	vst.idx.add.f32.msk $0xffff, v26  }
0x8e: {  	[tilespmem:v23+s14+$0x0] =	vst.idx.add.f32.msk $0xffff, v19;
	v19 =	vor.u32 v4, v8  }
0x8f: {  	[tilespmem:v57+s14+$0x0] =	vst.idx.add.f32.msk $0xffff, v21;
	v21 =	vor.u32 v4, v10  }
0x90: {  	v23 =	vor.u32 v5, v13;
	v22 =	vld.idx.msk [tilespmem:v58+s17+$0x0], $0xffff  }
0x91: {  	[tilespmem:v60+s14+$0x0] =	vst.idx.add.f32.msk $0xffff, v20;
	v20 =	vor.u32 v4, v16  }
0x92: {  	v18 =	vor.u32 v5, v9;
	v14 =	vld.idx.msk [tilespmem:v14+s17+$0x0], $0xffff  }
0x93: {  	v61 =	vor.u32 v5, v11;
	v19 =	vld.idx.msk [tilespmem:v19+s17+$0x0], $0xffff  }
0x94: {  	v17 =	vor.u32 v7, v17;
	[tilespmem:v21+s14+$0x0] =	vst.idx.add.f32.msk $0xffff, v59  }
0x95: {  	v21 =	vld.idx.msk [tilespmem:v23+s17+$0x0], $0xffff;
	v23 =	vor.u32 v4, v12  }
0x96: {  	[tilespmem:v20+s14+$0x0] =	vst.idx.add.f32.msk $0xffff, v22;
	v20 =	vor.u32 v5, v15  }
0x97: {  	v22 =	vor.u32 v5, v8;
	v18 =	vld.idx.msk [tilespmem:v18+s17+$0x0], $0xffff  }
0x98: {  	v62 =	vor.u32 v5, v16;
	v24 =	vld.idx.msk [tilespmem:v61+s17+$0x0], $0xffff  }
0x99: {  	v63 =	vor.u32 v6, v11;
	[tilespmem:v17+s14+$0x0] =	vst.idx.add.f32.msk $0xffff, v14  }
0x9a: {  	[tilespmem:v23+s14+$0x0] =	vst.idx.add.f32.msk $0xffff, v19  }
0x9b: {  	v23 =	vor.u32 v6, v13;
	[tilespmem:v20+s14+$0x0] =	vst.idx.add.f32.msk $0xffff, v21  }
0x9c: {  	v20 =	vld.idx.msk [tilespmem:v22+s17+$0x0], $0xffff  }
0x9d: {  	v22 =	vor.u32 v5, v10;
	[tilespmem:v62+s14+$0x0] =	vst.idx.add.f32.msk $0xffff, v24  }
0x9e: {  	s23 =	simm.s32 $0x8;
	v14 =	vor.u32 v6, v8;
	v19 =	vor.u32 v6, v9;
	v21 =	vor.u32 v5, v12;
	v17 =	vld.idx.msk [tilespmem:v63+s17+$0x0], $0xffff  }
.LBB2_3:
0x9f: {  	s24 =	sadd.s32 $0x1, s23  }
0xa0: {  	v25 =	vmov s23;
	s25 =	sadd.s32 $0x4, s23;
	v26 =	vor.u32 v6, v16;
	v27 =	vor.u32 v7, v11;
	v30 =	vld.idx.msk [tilespmem:v23+s17+$0x0], $0xffff;
	s26 =	smov.u32 s23;
	s22 =	sadd.s32 $0x8, s23  }
0xa1: {  	p0 =	slt.u32 s23, $0x78;
	v23 =	vshll.u32 v25, $0x7;
	v24 =	vmov s24;
	s24 =	sadd.s32 $0x2, s26;
	v31 =	vmov s25  }
0xa2: {  	s23 =	sadd.s32 $0x3, s26;
	v32 =	vor.u32 v0, v23;
	v28 =	vmov s24;
	v33 =	vshll.u32 v31, $0x7;
	[tilespmem:v22+s14+$0x0] =	vst.idx.add.f32.msk $0xffff, v18  }
0xa3: {  	v11 =	vshll.u32 v24, $0x7;
	v18 =	vmov s23;
	v22 =	vor.u32 v6, v33;
	v34 =	vld.idx.msk [tilespmem:v19+s17+$0x0], $0xffff  }
0xa4: {  	v35 =	vor.u32 v7, v9;
	v36 =	vor.u32 v6, v15;
	s23 =	sadd.s32 $0x5, s26;
	v19 =	vshll.u32 v18, $0x7;
	[tilespmem:v21+s14+$0x0] =	vst.idx.add.f32.msk $0xffff, v20  }
0xa5: {  	v38 =	vor.u32 v6, v10;
	v9 =	vmovc v23;
	v37 =	vor.u32 v0, v19;
	v20 =	vmov s23;
	s23 =	sadd.s32 $0x6, s26;
	v39 =	vld.idx.msk [tilespmem:v14+s17+$0x0], $0xffff;
	v14 =	vmovc v22  }
0xa6: {  	v23 =	vshll.u32 v20, $0x7;
	v22 =	vmov s23;
	s23 =	sadd.s32 $0x7, s26;
	[tilespmem:v26+s14+$0x0] =	vst.idx.add.f32.msk $0xffff, v17;
	v26 =	vor.u32 v6, v12  }
0xa7: {  	v40 =	vshll.u32 v28, $0x7;
	v17 =	vshll.u32 v22, $0x7;
	v41 =	vmov s23;
	v27 =	vld.idx.msk [tilespmem:v27+s17+$0x0], $0xffff  }
0xa8: {  	v29 =	vor.u32 v0, v40;
	v21 =	vshll.u32 v41, $0x7;
	v42 =	vld.idx.msk [tilespmem:v25+s2+$0x0], $0xffff  }
0xa9: {  	v16 =	vor.u32 v7, v16;
	v43 =	vor.u32 v0, v21;
	[tilespmem:v36+s14+$0x0] =	vst.idx.add.f32.msk $0xffff, v30  }
0xaa: {  	v25 =	vor.u32 v0, v33;
	[tilespmem:v38+s14+$0x0] =	vst.idx.add.f32.msk $0xffff, v34  }
0xab: {  	v30 =	vor.u32 v0, v23;
	[tilespmem:v26+s14+$0x0] =	vst.idx.add.f32.msk $0xffff, v39;
	v26 =	vor.u32 v7, v8;
	v8 =	vmov v33  }
0xac: {  	v34 =	vor.u32 v7, v13;
	v13 =	vmov v40;
	v33 =	vld.idx.msk [tilespmem:v35+s17+$0x0], $0xffff  }
0xad: {  	v35 =	vor.u32 v0, v17;
	v20 =	vld.idx.msk [tilespmem:v20+s2+$0x0], $0xffff  }
0xae: {  	[tilespmem:v16+s14+$0x0] =	vst.idx.add.f32.msk $0xffff, v27  }
0xaf: {  	v10 =	vor.u32 v7, v10;
	v27 =	vor.u32 v1, v13;
	v16 =	vld.idx.msk [tilespmem:v22+s2+$0x0], $0xffff  }
0xb0: {  	v22 =	vld.idx.msk [tilespmem:v26+s17+$0x0], $0xffff  }
0xb1: {  	v26 =	vld.idx.msk [tilespmem:v34+s17+$0x0], $0xffff  }
0xb2: {  	v34 =	vor.u32 v1, v23;
	v38 =	vld.idx.msk [tilespmem:v25+s17+$0x0], $0xffff  }
0xb3: {  	v15 =	vor.u32 v7, v15;
	v12 =	vor.u32 v7, v12;
	v35 =	vld.idx.msk [tilespmem:v35+s17+$0x0], $0xffff  }
0xb4: {  	v36 =	vor.u32 v1, v17;
	[tilespmem:v10+s14+$0x0] =	vst.idx.add.f32.msk $0xffff, v33  }
0xb5: {  	v33 =	vld.idx.msk [tilespmem:v18+s2+$0x0], $0xffff  }
0xb6: {  	v25 =	vor.u32 v2, v13;
	v32 =	vld.idx.msk [tilespmem:v32+s17+$0x0], $0xffff  }
0xb7: {  	v39 =	vor.u32 v1, v8;
	v18 =	vshll.u32 v16, $0x7;
	v16 =	vld.idx.msk [tilespmem:v41+s2+$0x0], $0xffff  }
0xb8: {  	v40 =	vor.u32 v1, v21;
	[tilespmem:v12+s14+$0x0] =	vst.idx.add.f32.msk $0xffff, v22  }
0xb9: {  	v10 =	vshll.u32 v42, $0x7;
	v12 =	vor.u32 v0, v18;
	[tilespmem:v15+s14+$0x0] =	vst.idx.add.f32.msk $0xffff, v26  }
0xba: {  	v20 =	vshll.u32 v20, $0x7;
	v15 =	vor.u32 v0, v10;
	v22 =	vld.idx.msk [tilespmem:v30+s17+$0x0], $0xffff  }
0xbb: {  	v41 =	vor.u32 v2, v17;
	v30 =	vld.idx.msk [tilespmem:v37+s17+$0x0], $0xffff;
	v37 =	vor.u32 v0, v20  }
0xbc: {  	v42 =	vor.u32 v1, v9;
	v44 =	vld.idx.msk [tilespmem:v31+s2+$0x0], $0xffff  }
0xbd: {  	v26 =	vor.u32 v3, v13;
	v31 =	vshll.u32 v16, $0x7;
	v43 =	vld.idx.msk [tilespmem:v43+s17+$0x0], $0xffff  }
0xbe: {  	v16 =	vor.u32 v0, v31;
	[tilespmem:v12+s14+$0x0] =	vst.idx.add.f32.msk $0xffff, v35  }
0xbf: {  	[tilespmem:v15+s14+$0x0] =	vst.idx.add.f32.msk $0xffff, v32;
	v32 =	vshll.u32 v33, $0x7;
	v15 =	vor.u32 v2, v21  }
0xc0: {  	v33 =	vor.u32 v0, v32;
	[tilespmem:v37+s14+$0x0] =	vst.idx.add.f32.msk $0xffff, v22;
	v22 =	vor.u32 v2, v23  }
0xc1: {  	v37 =	vor.u32 v1, v19;
	v35 =	vld.idx.msk [tilespmem:v42+s17+$0x0], $0xffff  }
0xc2: {  	v42 =	vor.u32 v1, v10;
	v12 =	vshll.u32 v44, $0x7;
	v44 =	vld.idx.msk [tilespmem:v34+s17+$0x0], $0xffff  }
0xc3: {  	v45 =	vor.u32 v3, v17;
	v34 =	vor.u32 v2, v9;
	[tilespmem:v16+s14+$0x0] =	vst.idx.add.f32.msk $0xffff, v43  }
0xc4: {  	v16 =	vor.u32 v0, v11;
	v40 =	vld.idx.msk [tilespmem:v40+s17+$0x0], $0xffff  }
0xc5: {  	v43 =	vld.idx.msk [tilespmem:v36+s17+$0x0], $0xffff  }
0xc6: {  	v46 =	vor.u32 v3, v21;
	[tilespmem:v33+s14+$0x0] =	vst.idx.add.f32.msk $0xffff, v30;
	v30 =	vor.u32 v1, v31  }
0xc7: {  	v33 =	vor.u32 v1, v20;
	[tilespmem:v42+s14+$0x0] =	vst.idx.add.f32.msk $0xffff, v35;
	v42 =	vor.u32 v1, v32  }
0xc8: {  	v47 =	vor.u32 v2, v19;
	v48 =	vor.u32 v3, v23;
	v35 =	vld.idx.msk [tilespmem:v34+s17+$0x0], $0xffff  }
0xc9: {  	v49 =	vld.idx.msk [tilespmem:v16+s17+$0x0], $0xffff  }
0xca: {  	v50 =	vor.u32 v1, v18;
	v36 =	vor.u32 v2, v10;
	v34 =	vor.u32 v4, v17;
	v16 =	vld.idx.msk [tilespmem:v37+s17+$0x0], $0xffff  }
0xcb: {  	v37 =	vor.u32 v3, v9;
	[tilespmem:v30+s14+$0x0] =	vst.idx.add.f32.msk $0xffff, v40  }
0xcc: {  	v30 =	vor.u32 v0, v12;
	[tilespmem:v33+s14+$0x0] =	vst.idx.add.f32.msk $0xffff, v44  }
0xcd: {  	v40 =	vor.u32 v4, v21;
	v22 =	vld.idx.msk [tilespmem:v22+s17+$0x0], $0xffff  }
0xce: {  	v44 =	vor.u32 v2, v32;
	v15 =	vld.idx.msk [tilespmem:v15+s17+$0x0], $0xffff  }
0xcf: {  	[tilespmem:v50+s14+$0x0] =	vst.idx.add.f32.msk $0xffff, v43  }
0xd0: {  	v43 =	vor.u32 v2, v20;
	v41 =	vld.idx.msk [tilespmem:v41+s17+$0x0], $0xffff  }
0xd1: {  	[tilespmem:v30+s14+$0x0] =	vst.idx.add.f32.msk $0xffff, v38  }
0xd2: {  	v33 =	vor.u32 v3, v10;
	v30 =	vor.u32 v2, v31;
	v38 =	vld.idx.msk [tilespmem:v39+s17+$0x0], $0xffff  }
0xd3: {  	[tilespmem:v42+s14+$0x0] =	vst.idx.add.f32.msk $0xffff, v16  }
0xd4: {  	v39 =	vor.u32 v2, v18;
	v16 =	vld.idx.msk [tilespmem:v47+s17+$0x0], $0xffff  }
0xd5: {  	v42 =	vor.u32 v3, v32;
	[tilespmem:v43+s14+$0x0] =	vst.idx.add.f32.msk $0xffff, v22  }
0xd6: {  	v22 =	vor.u32 v3, v19;
	v43 =	vld.idx.msk [tilespmem:v48+s17+$0x0], $0xffff  }
0xd7: {  	v47 =	vor.u32 v3, v20;
	[tilespmem:v30+s14+$0x0] =	vst.idx.add.f32.msk $0xffff, v15  }
0xd8: {  	v15 =	vor.u32 v4, v23;
	v46 =	vld.idx.msk [tilespmem:v46+s17+$0x0], $0xffff  }
0xd9: {  	v30 =	vor.u32 v4, v10;
	[tilespmem:v39+s14+$0x0] =	vst.idx.add.f32.msk $0xffff, v41;
	v39 =	vor.u32 v3, v31  }
0xda: {  	[tilespmem:v44+s14+$0x0] =	vst.idx.add.f32.msk $0xffff, v16  }
0xdb: {  	v16 =	vld.idx.msk [tilespmem:v22+s17+$0x0], $0xffff  }
0xdc: {  	v41 =	vor.u32 v4, v32;
	[tilespmem:v47+s14+$0x0] =	vst.idx.add.f32.msk $0xffff, v43  }
0xdd: {  	v43 =	vor.u32 v4, v19;
	v15 =	vld.idx.msk [tilespmem:v15+s17+$0x0], $0xffff  }
0xde: {  	v44 =	vor.u32 v4, v20;
	[tilespmem:v39+s14+$0x0] =	vst.idx.add.f32.msk $0xffff, v46  }
0xdf: {  	v39 =	vld.idx.msk [tilespmem:v40+s17+$0x0], $0xffff  }
0xe0: {  	v40 =	vor.u32 v5, v23;
	v28 =	vld.idx.msk [tilespmem:v28+s2+$0x0], $0xffff  }
0xe1: {  	v22 =	vor.u32 v5, v10;
	[tilespmem:v42+s14+$0x0] =	vst.idx.add.f32.msk $0xffff, v16;
	v16 =	vor.u32 v4, v31  }
0xe2: {  	v42 =	vld.idx.msk [tilespmem:v43+s17+$0x0], $0xffff  }
0xe3: {  	v43 =	vor.u32 v5, v32;
	[tilespmem:v44+s14+$0x0] =	vst.idx.add.f32.msk $0xffff, v15  }
0xe4: {  	v44 =	vor.u32 v5, v19;
	v24 =	vld.idx.msk [tilespmem:v24+s2+$0x0], $0xffff  }
0xe5: {  	v46 =	vor.u32 v5, v21;
	v40 =	vld.idx.msk [tilespmem:v40+s17+$0x0], $0xffff  }
0xe6: {  	v47 =	vor.u32 v5, v20;
	[tilespmem:v16+s14+$0x0] =	vst.idx.add.f32.msk $0xffff, v39  }
0xe7: {  	v39 =	vor.u32 v6, v23;
	v29 =	vld.idx.msk [tilespmem:v29+s17+$0x0], $0xffff  }
0xe8: {  	v15 =	vshll.u32 v28, $0x7;
	[tilespmem:v41+s14+$0x0] =	vst.idx.add.f32.msk $0xffff, v42  }
0xe9: {  	v28 =	vor.u32 v0, v15;
	v41 =	vld.idx.msk [tilespmem:v44+s17+$0x0], $0xffff  }
0xea: {  	v16 =	vshll.u32 v24, $0x7;
	v24 =	vld.idx.msk [tilespmem:v46+s17+$0x0], $0xffff  }
0xeb: {  	v42 =	vor.u32 v0, v16;
	[tilespmem:v47+s14+$0x0] =	vst.idx.add.f32.msk $0xffff, v40  }
0xec: {  	v40 =	vor.u32 v6, v19;
	v39 =	vld.idx.msk [tilespmem:v39+s17+$0x0], $0xffff  }
0xed: {  	v44 =	vld.idx.msk [tilespmem:v45+s17+$0x0], $0xffff;
	v45 =	vor.u32 v5, v31  }
0xee: {  	[tilespmem:v28+s14+$0x0] =	vst.idx.add.f32.msk $0xffff, v29;
	v28 =	vor.u32 v6, v20  }
0xef: {  	v23 =	vor.u32 v7, v23;
	[tilespmem:v43+s14+$0x0] =	vst.idx.add.f32.msk $0xffff, v41  }
0xf0: {  	v29 =	vor.u32 v6, v21;
	[tilespmem:v42+s14+$0x0] =	vst.idx.add.f32.msk $0xffff, v49  }
0xf1: {  	v40 =	vld.idx.msk [tilespmem:v40+s17+$0x0], $0xffff  }
0xf2: {  	v41 =	vor.u32 v1, v11;
	[tilespmem:v45+s14+$0x0] =	vst.idx.add.f32.msk $0xffff, v24  }
0xf3: {  	v24 =	vor.u32 v6, v32;
	[tilespmem:v28+s14+$0x0] =	vst.idx.add.f32.msk $0xffff, v39  }
0xf4: {  	v28 =	vor.u32 v3, v18;
	v23 =	vld.idx.msk [tilespmem:v23+s17+$0x0], $0xffff  }
0xf5: {  	v19 =	vor.u32 v7, v19;
	v29 =	vld.idx.msk [tilespmem:v29+s17+$0x0], $0xffff  }
0xf6: {  	v39 =	vor.u32 v6, v31;
	v27 =	vld.idx.msk [tilespmem:v27+s17+$0x0], $0xffff  }
0xf7: {  	v41 =	vld.idx.msk [tilespmem:v41+s17+$0x0], $0xffff  }
0xf8: {  	v21 =	vor.u32 v7, v21;
	[tilespmem:v24+s14+$0x0] =	vst.idx.add.f32.msk $0xffff, v40  }
0xf9: {  	[tilespmem:v28+s14+$0x0] =	vst.idx.add.f32.msk $0xffff, v44  }
0xfa: {  	v24 =	vor.u32 v1, v15;
	v19 =	vld.idx.msk [tilespmem:v19+s17+$0x0], $0xffff  }
0xfb: {  	v28 =	vor.u32 v7, v32;
	[tilespmem:v39+s14+$0x0] =	vst.idx.add.f32.msk $0xffff, v29  }
0xfc: {  	[tilespmem:v36+s14+$0x0] =	vst.idx.add.f32.msk $0xffff, v35  }
0xfd: {  	v21 =	vld.idx.msk [tilespmem:v21+s17+$0x0], $0xffff  }
0xfe: {  	v31 =	vor.u32 v7, v31;
	v29 =	vld.idx.msk [tilespmem:v37+s17+$0x0], $0xffff  }
0xff: {  	v32 =	vor.u32 v1, v16;
	[tilespmem:v24+s14+$0x0] =	vst.idx.add.f32.msk $0xffff, v27;
	v24 =	vor.u32 v1, v12  }
0x100: {  	[tilespmem:v28+s14+$0x0] =	vst.idx.add.f32.msk $0xffff, v19  }
0x101: {  	v27 =	vor.u32 v2, v16;
	v19 =	vor.u32 v2, v11;
	v25 =	vld.idx.msk [tilespmem:v25+s17+$0x0], $0xffff  }
0x102: {  	v28 =	vor.u32 v2, v15;
	v34 =	vld.idx.msk [tilespmem:v34+s17+$0x0], $0xffff  }
0x103: {  	[tilespmem:v31+s14+$0x0] =	vst.idx.add.f32.msk $0xffff, v21  }
0x104: {  	v21 =	vor.u32 v4, v18;
	[tilespmem:v24+s14+$0x0] =	vst.idx.add.f32.msk $0xffff, v38  }
0x105: {  	v24 =	vor.u32 v5, v17;
	[tilespmem:v32+s14+$0x0] =	vst.idx.add.f32.msk $0xffff, v41  }
0x106: {  	v19 =	vld.idx.msk [tilespmem:v19+s17+$0x0], $0xffff  }
0x107: {  	[tilespmem:v28+s14+$0x0] =	vst.idx.add.f32.msk $0xffff, v25  }
0x108: {  	v25 =	vld.idx.msk [tilespmem:v26+s17+$0x0], $0xffff;
	v26 =	vor.u32 v2, v8  }
0x109: {  	v28 =	vor.u32 v3, v15;
	[tilespmem:v21+s14+$0x0] =	vst.idx.add.f32.msk $0xffff, v34  }
0x10a: {  	v21 =	vor.u32 v4, v13;
	v24 =	vld.idx.msk [tilespmem:v24+s17+$0x0], $0xffff  }
0x10b: {  	[tilespmem:v33+s14+$0x0] =	vst.idx.add.f32.msk $0xffff, v29;
	v29 =	vor.u32 v5, v18  }
0x10c: {  	[tilespmem:v27+s14+$0x0] =	vst.idx.add.f32.msk $0xffff, v19;
	v19 =	vor.u32 v6, v17  }
0x10d: {  	v31 =	vor.u32 v3, v16;
	v27 =	vor.u32 v3, v11;
	v26 =	vld.idx.msk [tilespmem:v26+s17+$0x0], $0xffff  }
0x10e: {  	[tilespmem:v28+s14+$0x0] =	vst.idx.add.f32.msk $0xffff, v25;
	v25 =	vor.u32 v2, v12  }
0x10f: {  	v28 =	vor.u32 v3, v8;
	v21 =	vld.idx.msk [tilespmem:v21+s17+$0x0], $0xffff  }
0x110: {  	v32 =	vor.u32 v4, v9;
	[tilespmem:v29+s14+$0x0] =	vst.idx.add.f32.msk $0xffff, v24  }
0x111: {  	v20 =	vor.u32 v7, v20;
	v19 =	vld.idx.msk [tilespmem:v19+s17+$0x0], $0xffff  }
0x112: {  	v24 =	vld.idx.msk [tilespmem:v27+s17+$0x0], $0xffff;
	v27 =	vor.u32 v4, v15  }
0x113: {  	[tilespmem:v25+s14+$0x0] =	vst.idx.add.f32.msk $0xffff, v26  }
0x114: {  	v25 =	vor.u32 v4, v11;
	v26 =	vld.idx.msk [tilespmem:v28+s17+$0x0], $0xffff  }
0x115: {  	v29 =	vor.u32 v6, v18;
	v28 =	vld.idx.msk [tilespmem:v32+s17+$0x0], $0xffff  }
0x116: {  	v17 =	vor.u32 v7, v17;
	[tilespmem:v20+s14+$0x0] =	vst.idx.add.f32.msk $0xffff, v23  }
0x117: {  	v20 =	vor.u32 v3, v12;
	[tilespmem:v27+s14+$0x0] =	vst.idx.add.f32.msk $0xffff, v21  }
0x118: {  	v21 =	vor.u32 v4, v8;
	[tilespmem:v31+s14+$0x0] =	vst.idx.add.f32.msk $0xffff, v24  }
0x119: {  	v23 =	vld.idx.msk [tilespmem:v25+s17+$0x0], $0xffff  }
0x11a: {  	v24 =	vor.u32 v5, v13;
	[tilespmem:v29+s14+$0x0] =	vst.idx.add.f32.msk $0xffff, v19  }
0x11b: {  	v19 =	vor.u32 v4, v16;
	v17 =	vld.idx.msk [tilespmem:v17+s17+$0x0], $0xffff  }
0x11c: {  	v25 =	vor.u32 v5, v11;
	[tilespmem:v20+s14+$0x0] =	vst.idx.add.f32.msk $0xffff, v26  }
0x11d: {  	v20 =	vor.u32 v5, v9;
	v21 =	vld.idx.msk [tilespmem:v21+s17+$0x0], $0xffff  }
0x11e: {  	v26 =	vor.u32 v7, v18;
	[tilespmem:v30+s14+$0x0] =	vst.idx.add.f32.msk $0xffff, v28  }
0x11f: {  	v27 =	vor.u32 v4, v12;
	v24 =	vld.idx.msk [tilespmem:v24+s17+$0x0], $0xffff  }
0x120: {  	[tilespmem:v19+s14+$0x0] =	vst.idx.add.f32.msk $0xffff, v23;
	v19 =	vor.u32 v5, v15  }
0x121: {  	v28 =	vor.u32 v5, v8;
	v25 =	vld.idx.msk [tilespmem:v25+s17+$0x0], $0xffff  }
0x122: {  	v29 =	vor.u32 v5, v16;
	v18 =	vld.idx.msk [tilespmem:v20+s17+$0x0], $0xffff  }
0x123: {  	v30 =	vor.u32 v6, v11;
	[tilespmem:v26+s14+$0x0] =	vst.idx.add.f32.msk $0xffff, v17  }
.Ltmp1:
0x124: {  	v23 =	vor.u32 v6, v13;
	[tilespmem:v27+s14+$0x0] =	vst.idx.add.f32.msk $0xffff, v21;
	(pc) =	sbr.rel @p0 .LBB2_3-.Ltmp1, $4  }
0x125: {  	[tilespmem:v19+s14+$0x0] =	vst.idx.add.f32.msk $0xffff, v24  }
0x126: {  	v20 =	vld.idx.msk [tilespmem:v28+s17+$0x0], $0xffff  }
0x127: {  	v19 =	vor.u32 v6, v9;
	[tilespmem:v29+s14+$0x0] =	vst.idx.add.f32.msk $0xffff, v25  }
0x128: {  	s23 =	smov.u32 s22;
	v21 =	vor.u32 v5, v12;
	v17 =	vld.idx.msk [tilespmem:v30+s17+$0x0], $0xffff  }
0x129: {  	_ =	sdelay $0x3  }
0x12a: {  	v24 =	vor.u32 v6, v16;
	v23 =	vld.idx.msk [tilespmem:v23+s17+$0x0], $0xffff  }
0x12b: {  	v11 =	vor.u32 v7, v11;
	[tilespmem:v22+s14+$0x0] =	vst.idx.add.f32.msk $0xffff, v18  }
0x12c: {  	v18 =	vld.idx.msk [tilespmem:v19+s17+$0x0], $0xffff;
	v19 =	vor.u32 v6, v15  }
0x12d: {  	[tilespmem:v21+s14+$0x0] =	vst.idx.add.f32.msk $0xffff, v20;
	v20 =	vor.u32 v6, v10  }
0x12e: {  	v13 =	vor.u32 v7, v13;
	v14 =	vld.idx.msk [tilespmem:v14+s17+$0x0], $0xffff  }
0x12f: {  	v9 =	vor.u32 v7, v9;
	[tilespmem:v24+s14+$0x0] =	vst.idx.add.f32.msk $0xffff, v17  }
0x130: {  	v21 =	vor.u32 v6, v12;
	v11 =	vld.idx.msk [tilespmem:v11+s17+$0x0], $0xffff  }
0x131: {  	v8 =	vor.u32 v7, v8;
	[tilespmem:v19+s14+$0x0] =	vst.idx.add.f32.msk $0xffff, v23  }
0x132: {  	[tilespmem:v20+s14+$0x0] =	vst.idx.add.f32.msk $0xffff, v18  }
0x133: {  	v16 =	vor.u32 v7, v16;
	v13 =	vld.idx.msk [tilespmem:v13+s17+$0x0], $0xffff  }
0x134: {  	v10 =	vor.u32 v7, v10;
	v9 =	vld.idx.msk [tilespmem:v9+s17+$0x0], $0xffff  }
0x135: {  	[tilespmem:v21+s14+$0x0] =	vst.idx.add.f32.msk $0xffff, v14;
	v14 =	vor.u32 v7, v15  }
0x136: {  	v12 =	vor.u32 v7, v12;
	v8 =	vld.idx.msk [tilespmem:v8+s17+$0x0], $0xffff;
	_ =	sdelay $0x1  }
0x137: {  	[tilespmem:v16+s14+$0x0] =	vst.idx.add.f32.msk $0xffff, v11  }
0x138: {  	s25 =	simm.s32 $0x4;
	[tilespmem:v10+s14+$0x0] =	vst.idx.add.f32.msk $0xffff, v9  }
0x139: {  	s23 =	simm.s32 $0x1;
	[tilespmem:v14+s14+$0x0] =	vst.idx.add.f32.msk $0xffff, v13;
	v10 =	vmov s25  }
0x13a: {  	s22 =	simm.s32 $0x0;
	v11 =	vmov s23;
	[tilespmem:v12+s14+$0x0] =	vst.idx.add.f32.msk $0xffff, v8;
	v12 =	vor.u32 $0x80, v10  }
0x13b: {  	s29 =	simm.s32 $0x5;
	v14 =	vor.u32 $0x80, v11;
	v8 =	vmov s22;
	_ =	swait.ge [sflag:s20], $0x4000  }
0x13c: {  	v19 =	vmov s29;
	v17 =	vshll.u32 v11, $0x7;
	v9 =	vor.u32 $0x80, v8;
	[sflag:s20] =	ssyncset.done $0x0  }
0x13d: {  	s26 =	simm.s32 $0x7;
	v22 =	vor.u32 $0x80, v19;
	v24 =	vor.u32 v0, v17;
	[sflag:s20] =	ssyncadd.s32 $0xFFFFC000  }
0x13e: {  	v21 =	vshll.u32 v10, $0x7;
	v13 =	vshll.u32 v8, $0x7;
	v8 =	vmov s26;
	[tilespmem:s17], [sflag:$0x1] =	stream.strided.gather [hbm4b:s6+s15], $0x4000, s16, s15, $0x38;
	[tilespmem:$0x18300] =	vst v63  }
0x13f: {  	v18 =	vor.u32 v0, v21;
	v16 =	vor.u32 $0x80, v8;
	v8 =	vshll.u32 v8, $0x7;
	v12 =	vld.idx.msk [tilespmem:v12+s2+$0x0], $0xffff  }
0x140: {  	v11 =	vor.u32 v0, v8;
	v23 =	vld.idx.msk [tilespmem:v14+s2+$0x0], $0xffff  }
0x141: {  	s28 =	simm.s32 $0x6;
	v9 =	vld.idx.msk [tilespmem:v9+s2+$0x0], $0xffff  }
0x142: {  	v10 =	vmov s28;
	v15 =	vor.u32 v0, v13;
	v30 =	vld.idx.msk [tilespmem:v22+s2+$0x0], $0xffff  }
0x143: {  	v20 =	vor.u32 $0x80, v10;
	v24 =	vld.idx.msk [tilespmem:v24+s19+$0x0], $0xffff  }
0x144: {  	v27 =	vld.idx.msk [tilespmem:v18+s19+$0x0], $0xffff;
	v22 =	vshll.u32 v12, $0x7  }
0x145: {  	v32 =	vld.idx.msk [tilespmem:v11+s19+$0x0], $0xffff;
	v18 =	vshll.u32 v23, $0x7;
	v11 =	vor.u32 v0, v22  }
0x146: {  	s30 =	simm.s32 $0x3;
	v16 =	vld.idx.msk [tilespmem:v16+s2+$0x0], $0xffff;
	v9 =	vshll.u32 v9, $0x7;
	v23 =	vor.u32 v0, v18  }
0x147: {  	v25 =	vmov s30;
	v15 =	vld.idx.msk [tilespmem:v15+s19+$0x0], $0xffff;
	v26 =	vor.u32 v0, v9  }
0x148: {  	v28 =	vor.u32 $0x80, v25;
	v14 =	vshll.u32 v19, $0x7;
	v19 =	vld.idx.msk [tilespmem:v20+s2+$0x0], $0xffff;
	v20 =	vshll.u32 v10, $0x7  }
0x149: {  	v31 =	vor.u32 v0, v20  }
0x14a: {  	v29 =	vor.u32 v0, v14;
	[tilespmem:v11+s14+$0x0] =	vst.idx.add.f32.msk $0xffff, v27  }
0x14b: {  	v12 =	vshll.u32 v25, $0x7;
	v25 =	vor.u32 v1, v17;
	v10 =	vshll.u32 v16, $0x7;
	[tilespmem:v23+s14+$0x0] =	vst.idx.add.f32.msk $0xffff, v24  }
0x14c: {  	v16 =	vor.u32 v0, v10;
	[tilespmem:v26+s14+$0x0] =	vst.idx.add.f32.msk $0xffff, v15  }
0x14d: {  	v33 =	vor.u32 v1, v13;
	v19 =	vshll.u32 v19, $0x7;
	v15 =	vld.idx.msk [tilespmem:v28+s2+$0x0], $0xffff  }
0x14e: {  	v28 =	vld.idx.msk [tilespmem:v31+s19+$0x0], $0xffff;
	v31 =	vor.u32 v0, v19  }
0x14f: {  	v52 =	vor.u32 v1, v21;
	v26 =	vld.idx.msk [tilespmem:v29+s19+$0x0], $0xffff  }
0x150: {  	v11 =	vshll.u32 v30, $0x7;
	v29 =	vor.u32 v0, v12;
	v24 =	vld.idx.msk [tilespmem:v25+s19+$0x0], $0xffff  }
0x151: {  	[tilespmem:v16+s14+$0x0] =	vst.idx.add.f32.msk $0xffff, v32;
	v16 =	vor.u32 v0, v11  }
0x152: {  	v25 =	vor.u32 v1, v18;
	v27 =	vld.idx.msk [tilespmem:v33+s19+$0x0], $0xffff  }
0x153: {  	v23 =	vor.u32 v1, v14;
	[tilespmem:v31+s14+$0x0] =	vst.idx.add.f32.msk $0xffff, v28  }
0x154: {  	v53 =	vor.u32 v1, v22;
	v15 =	vshll.u32 v15, $0x7;
	v31 =	vld.idx.msk [tilespmem:v52+s19+$0x0], $0xffff  }
0x155: {  	v29 =	vld.idx.msk [tilespmem:v29+s19+$0x0], $0xffff;
	v30 =	vor.u32 v0, v15  }
0x156: {  	[tilespmem:v16+s14+$0x0] =	vst.idx.add.f32.msk $0xffff, v26;
	v16 =	vor.u32 v1, v20  }
0x157: {  	v28 =	vor.u32 v1, v12;
	[tilespmem:v25+s14+$0x0] =	vst.idx.add.f32.msk $0xffff, v24  }
0x158: {  	v26 =	vor.u32 v1, v8;
	v23 =	vld.idx.msk [tilespmem:v23+s19+$0x0], $0xffff  }
0x159: {  	v24 =	vor.u32 v2, v21;
	[tilespmem:v53+s14+$0x0] =	vst.idx.add.f32.msk $0xffff, v31  }
0x15a: {  	[tilespmem:v30+s14+$0x0] =	vst.idx.add.f32.msk $0xffff, v29;
	v30 =	vor.u32 v1, v9  }
0x15b: {  	v54 =	vor.u32 v1, v19;
	v16 =	vld.idx.msk [tilespmem:v16+s19+$0x0], $0xffff  }
0x15c: {  	v25 =	vld.idx.msk [tilespmem:v28+s19+$0x0], $0xffff;
	v28 =	vor.u32 v1, v11  }
0x15d: {  	v29 =	vor.u32 v2, v17;
	v26 =	vld.idx.msk [tilespmem:v26+s19+$0x0], $0xffff  }
0x15e: {  	v55 =	vor.u32 v2, v20;
	v24 =	vld.idx.msk [tilespmem:v24+s19+$0x0], $0xffff  }
0x15f: {  	v31 =	vor.u32 v2, v14;
	[tilespmem:v30+s14+$0x0] =	vst.idx.add.f32.msk $0xffff, v27  }
0x160: {  	v59 =	vor.u32 v1, v15;
	[tilespmem:v54+s14+$0x0] =	vst.idx.add.f32.msk $0xffff, v16  }
0x161: {  	[tilespmem:v28+s14+$0x0] =	vst.idx.add.f32.msk $0xffff, v23;
	v28 =	vor.u32 v2, v22  }
0x162: {  	v23 =	vld.idx.msk [tilespmem:v29+s19+$0x0], $0xffff;
	v29 =	vor.u32 v2, v18  }
0x163: {  	v27 =	vor.u32 v1, v10;
	v32 =	vld.idx.msk [tilespmem:v55+s19+$0x0], $0xffff  }
0x164: {  	v30 =	vld.idx.msk [tilespmem:v31+s19+$0x0], $0xffff;
	v31 =	vor.u32 v3, v17  }
0x165: {  	v16 =	vor.u32 v3, v21;
	[tilespmem:v59+s14+$0x0] =	vst.idx.add.f32.msk $0xffff, v25  }
0x166: {  	[tilespmem:v28+s14+$0x0] =	vst.idx.add.f32.msk $0xffff, v24;
	v24 =	vor.u32 v2, v11  }
0x167: {  	[tilespmem:v29+s14+$0x0] =	vst.idx.add.f32.msk $0xffff, v23;
	v23 =	vor.u32 v2, v19  }
0x168: {  	[tilespmem:v27+s14+$0x0] =	vst.idx.add.f32.msk $0xffff, v26;
	v28 =	vor.u32 v3, v14  }
0x169: {  	v26 =	vor.u32 v3, v20;
	v27 =	vld.idx.msk [tilespmem:v31+s19+$0x0], $0xffff  }
0x16a: {  	v29 =	vor.u32 v3, v18;
	v16 =	vld.idx.msk [tilespmem:v16+s19+$0x0], $0xffff  }
0x16b: {  	v31 =	vor.u32 v4, v17;
	[tilespmem:v24+s14+$0x0] =	vst.idx.add.f32.msk $0xffff, v30  }
0x16c: {  	v24 =	vor.u32 v3, v22;
	[tilespmem:v23+s14+$0x0] =	vst.idx.add.f32.msk $0xffff, v32  }
0x16d: {  	v30 =	vor.u32 v4, v21;
	v28 =	vld.idx.msk [tilespmem:v28+s19+$0x0], $0xffff  }
0x16e: {  	v23 =	vor.u32 v3, v11;
	v26 =	vld.idx.msk [tilespmem:v26+s19+$0x0], $0xffff  }
0x16f: {  	[tilespmem:v29+s14+$0x0] =	vst.idx.add.f32.msk $0xffff, v27;
	v27 =	vor.u32 v3, v19  }
0x170: {  	v29 =	vld.idx.msk [tilespmem:v31+s19+$0x0], $0xffff;
	v31 =	vor.u32 v4, v20  }
0x171: {  	v56 =	vor.u32 v4, v18;
	[tilespmem:v24+s14+$0x0] =	vst.idx.add.f32.msk $0xffff, v16  }
0x172: {  	s31 =	simm.s32 $0x2;
	v16 =	vor.u32 v5, v17;
	v24 =	vld.idx.msk [tilespmem:v30+s19+$0x0], $0xffff  }
0x173: {  	v57 =	vor.u32 v4, v22;
	v30 =	vmov s31;
	[tilespmem:v23+s14+$0x0] =	vst.idx.add.f32.msk $0xffff, v28  }
0x174: {  	[tilespmem:v27+s14+$0x0] =	vst.idx.add.f32.msk $0xffff, v26;
	v23 =	vor.u32 $0x80, v30  }
0x175: {  	v26 =	vor.u32 v5, v21;
	v27 =	vld.idx.msk [tilespmem:v31+s19+$0x0], $0xffff  }
0x176: {  	[tilespmem:v56+s14+$0x0] =	vst.idx.add.f32.msk $0xffff, v29;
	v29 =	vor.u32 v4, v19;
	v30 =	vshll.u32 v30, $0x7  }
0x177: {  	v31 =	vor.u32 v0, v30;
	v16 =	vld.idx.msk [tilespmem:v16+s19+$0x0], $0xffff  }
0x178: {  	[tilespmem:v57+s14+$0x0] =	vst.idx.add.f32.msk $0xffff, v24;
	v24 =	vor.u32 v5, v20  }
0x179: {  	v58 =	vor.u32 v5, v18;
	v23 =	vld.idx.msk [tilespmem:v23+s2+$0x0], $0xffff  }
0x17a: {  	v34 =	vor.u32 v5, v22;
	v26 =	vld.idx.msk [tilespmem:v26+s19+$0x0], $0xffff  }
0x17b: {  	v28 =	vor.u32 v4, v14;
	[tilespmem:v29+s14+$0x0] =	vst.idx.add.f32.msk $0xffff, v27  }
0x17c: {  	v27 =	vor.u32 v6, v21;
	v29 =	vld.idx.msk [tilespmem:v31+s19+$0x0], $0xffff  }
0x17d: {  	v31 =	vor.u32 v5, v19;
	v24 =	vld.idx.msk [tilespmem:v24+s19+$0x0], $0xffff  }
0x17e: {  	[tilespmem:v58+s14+$0x0] =	vst.idx.add.f32.msk $0xffff, v16;
	v16 =	vshll.u32 v23, $0x7;
	v23 =	vor.u32 v6, v20  }
0x17f: {  	[tilespmem:v34+s14+$0x0] =	vst.idx.add.f32.msk $0xffff, v26;
	v26 =	vor.u32 v2, v12  }
0x180: {  	v28 =	vld.idx.msk [tilespmem:v28+s19+$0x0], $0xffff;
	v60 =	vor.u32 v0, v16  }
0x181: {  	v61 =	vor.u32 v6, v22;
	v27 =	vld.idx.msk [tilespmem:v27+s19+$0x0], $0xffff  }
0x182: {  	v25 =	vor.u32 v1, v30;
	[tilespmem:v31+s14+$0x0] =	vst.idx.add.f32.msk $0xffff, v24  }
0x183: {  	v21 =	vor.u32 v7, v21;
	v23 =	vld.idx.msk [tilespmem:v23+s19+$0x0], $0xffff  }
0x184: {  	v24 =	vor.u32 v6, v19;
	v26 =	vld.idx.msk [tilespmem:v26+s19+$0x0], $0xffff  }
0x185: {  	v62 =	vor.u32 v2, v15;
	[tilespmem:v60+s14+$0x0] =	vst.idx.add.f32.msk $0xffff, v29  }
0x186: {  	v29 =	vor.u32 v4, v11;
	[tilespmem:v61+s14+$0x0] =	vst.idx.add.f32.msk $0xffff, v27  }
0x187: {  	v27 =	vor.u32 v3, v12;
	v25 =	vld.idx.msk [tilespmem:v25+s19+$0x0], $0xffff  }
0x188: {  	v20 =	vor.u32 v7, v20;
	v21 =	vld.idx.msk [tilespmem:v21+s19+$0x0], $0xffff  }
0x189: {  	v31 =	vor.u32 v1, v16;
	[tilespmem:v24+s14+$0x0] =	vst.idx.add.f32.msk $0xffff, v23  }
0x18a: {  	v22 =	vor.u32 v7, v22;
	[tilespmem:v62+s14+$0x0] =	vst.idx.add.f32.msk $0xffff, v26  }
0x18b: {  	v23 =	vor.u32 v2, v30;
	[tilespmem:v29+s14+$0x0] =	vst.idx.add.f32.msk $0xffff, v28  }
0x18c: {  	v24 =	vor.u32 v6, v17;
	v26 =	vld.idx.msk [tilespmem:v27+s19+$0x0], $0xffff  }
0x18d: {  	v27 =	vor.u32 v5, v14;
	v20 =	vld.idx.msk [tilespmem:v20+s19+$0x0], $0xffff  }
0x18e: {  	v19 =	vor.u32 v7, v19;
	[tilespmem:v31+s14+$0x0] =	vst.idx.add.f32.msk $0xffff, v25  }
0x18f: {  	v25 =	vor.u32 v2, v13;
	[tilespmem:v22+s14+$0x0] =	vst.idx.add.f32.msk $0xffff, v21  }
0x190: {  	v22 =	vor.u32 v2, v8;
	v21 =	vld.idx.msk [tilespmem:v23+s19+$0x0], $0xffff  }
0x191: {  	v23 =	vld.idx.msk [tilespmem:v24+s19+$0x0], $0xffff;
	v24 =	vor.u32 v3, v15  }
0x192: {  	v28 =	vor.u32 v2, v16;
	v27 =	vld.idx.msk [tilespmem:v27+s19+$0x0], $0xffff  }
0x193: {  	v63 =	vor.u32 v6, v18;
	[tilespmem:v19+s14+$0x0] =	vst.idx.add.f32.msk $0xffff, v20  }
0x194: {  	v29 =	vor.u32 v3, v30;
	v25 =	vld.idx.msk [tilespmem:v25+s19+$0x0], $0xffff  }
0x195: {  	v31 =	vor.u32 v4, v12;
	v22 =	vld.idx.msk [tilespmem:v22+s19+$0x0], $0xffff  }
0x196: {  	v17 =	vor.u32 v7, v17;
	[tilespmem:v24+s14+$0x0] =	vst.idx.add.f32.msk $0xffff, v26  }
0x197: {  	v24 =	vor.u32 v2, v9;
	[tilespmem:v28+s14+$0x0] =	vst.idx.add.f32.msk $0xffff, v21  }
0x198: {  	v21 =	vor.u32 v3, v13;
	[tilespmem:v63+s14+$0x0] =	vst.idx.add.f32.msk $0xffff, v23  }
0x199: {  	v26 =	vld.idx.msk [tilespmem:v29+s19+$0x0], $0xffff;
	v29 =	vor.u32 v5, v11  }
0x19a: {  	v23 =	vor.u32 v4, v15;
	v28 =	vld.idx.msk [tilespmem:v31+s19+$0x0], $0xffff  }
0x19b: {  	v18 =	vor.u32 v7, v18;
	v17 =	vld.idx.msk [tilespmem:v17+s19+$0x0], $0xffff  }
0x19c: {  	[tilespmem:v24+s14+$0x0] =	vst.idx.add.f32.msk $0xffff, v25;
	v24 =	vor.u32 v5, v12  }
0x19d: {  	v25 =	vor.u32 v3, v16;
	v21 =	vld.idx.msk [tilespmem:v21+s19+$0x0], $0xffff  }
0x19e: {  	[tilespmem:v29+s14+$0x0] =	vst.idx.add.f32.msk $0xffff, v27;
	v27 =	vor.u32 v4, v30  }
0x19f: {  	v19 =	vor.u32 v3, v9;
	[tilespmem:v23+s14+$0x0] =	vst.idx.add.f32.msk $0xffff, v28  }
0x1a0: {  	v20 =	vor.u32 v4, v13;
	[tilespmem:v18+s14+$0x0] =	vst.idx.add.f32.msk $0xffff, v17  }
0x1a1: {  	v17 =	vor.u32 v5, v15;
	v23 =	vld.idx.msk [tilespmem:v24+s19+$0x0], $0xffff  }
0x1a2: {  	[tilespmem:v25+s14+$0x0] =	vst.idx.add.f32.msk $0xffff, v26;
	v25 =	vor.u32 v2, v10  }
0x1a3: {  	v18 =	vor.u32 v6, v12;
	v24 =	vld.idx.msk [tilespmem:v27+s19+$0x0], $0xffff  }
0x1a4: {  	[tilespmem:v19+s14+$0x0] =	vst.idx.add.f32.msk $0xffff, v21;
	v19 =	vor.u32 v3, v8  }
0x1a5: {  	v21 =	vor.u32 v4, v16;
	v20 =	vld.idx.msk [tilespmem:v20+s19+$0x0], $0xffff  }
0x1a6: {  	[tilespmem:v17+s14+$0x0] =	vst.idx.add.f32.msk $0xffff, v23  }
0x1a7: {  	v26 =	vor.u32 v5, v30;
	[tilespmem:v25+s14+$0x0] =	vst.idx.add.f32.msk $0xffff, v22  }
0x1a8: {  	v17 =	vor.u32 v4, v9;
	v18 =	vld.idx.msk [tilespmem:v18+s19+$0x0], $0xffff  }
0x1a9: {  	v23 =	vor.u32 v6, v15;
	v19 =	vld.idx.msk [tilespmem:v19+s19+$0x0], $0xffff  }
0x1aa: {  	[tilespmem:v21+s14+$0x0] =	vst.idx.add.f32.msk $0xffff, v24;
	v21 =	vor.u32 v3, v10  }
0x1ab: {  	v22 =	vor.u32 v5, v13  }
0x1ac: {  	v12 =	vor.u32 v7, v12;
	v24 =	vld.idx.msk [tilespmem:v26+s19+$0x0], $0xffff  }
0x1ad: {  	[tilespmem:v17+s14+$0x0] =	vst.idx.add.f32.msk $0xffff, v20;
	v17 =	vor.u32 v5, v16  }
0x1ae: {  	[tilespmem:v23+s14+$0x0] =	vst.idx.add.f32.msk $0xffff, v18;
	v18 =	vor.u32 v4, v8  }
0x1af: {  	v23 =	vor.u32 v6, v30;
	[tilespmem:v21+s14+$0x0] =	vst.idx.add.f32.msk $0xffff, v19  }
0x1b0: {  	v25 =	vld.idx.msk [tilespmem:v22+s19+$0x0], $0xffff;
	v19 =	vor.u32 v6, v14  }
0x1b1: {  	v15 =	vor.u32 v7, v15;
	v28 =	vld.idx.msk [tilespmem:v12+s19+$0x0], $0xffff  }
0x1b2: {  	[tilespmem:v17+s14+$0x0] =	vst.idx.add.f32.msk $0xffff, v24  }
0x1b3: {  	v27 =	vor.u32 v5, v9;
	v26 =	vor.u32 v4, v10;
	v24 =	vld.idx.msk [tilespmem:v18+s19+$0x0], $0xffff  }
0x1b4: {  	v20 =	vor.u32 v7, v13;
	v21 =	vor.u32 v6, v8;
	v18 =	vor.u32 v6, v13;
	v22 =	vld.idx.msk [tilespmem:v23+s19+$0x0], $0xffff  }
0x1b5: {  	v12 =	vor.u32 v7, v30;
	v17 =	vor.u32 v6, v9;
	v23 =	vor.u32 v6, v16;
	v19 =	vld.idx.msk [tilespmem:v19+s19+$0x0], $0xffff  }
0x1b6: {  	s23 =	simm.s32 $0x8;
	[tilespmem:v15+s14+$0x0] =	vst.idx.add.f32.msk $0xffff, v28;
	v15 =	vor.u32 v7, v14;
	v28 =	vor.u32 v5, v8  }
.LBB2_5:
0x1b7: {  	s24 =	sadd.s32 $0x1, s23  }
0x1b8: {  	v13 =	vmov s23;
	s25 =	sadd.s32 $0x7, s23;
	[tilespmem:v27+s14+$0x0] =	vst.idx.add.f32.msk $0xffff, v25;
	v25 =	vor.u32 v6, v11;
	v27 =	vor.u32 v5, v10;
	s26 =	smov.u32 s23;
	s22 =	sadd.s32 $0x8, s23  }
0x1b9: {  	p0 =	slt.u32 s23, $0x78;
	v29 =	vor.u32 $0x80, v13;
	v13 =	vshll.u32 v13, $0x7;
	v14 =	vmov s24;
	s24 =	sadd.s32 $0x2, s26;
	v30 =	vld.idx.msk [tilespmem:v18+s19+$0x0], $0xffff  }
0x1ba: {  	s23 =	sadd.s32 $0x3, s26;
	v32 =	vmov s25;
	v31 =	vor.u32 $0x80, v14;
	v18 =	vshll.u32 v14, $0x7;
	[tilespmem:v26+s14+$0x0] =	vst.idx.add.f32.msk $0xffff, v24  }
0x1bb: {  	v24 =	vmov s24;
	v26 =	vmov s23;
	s23 =	sadd.s32 $0x4, s26;
	v33 =	vor.u32 $0x80, v32;
	[tilespmem:v23+s14+$0x0] =	vst.idx.add.f32.msk $0xffff, v22  }
0x1bc: {  	v14 =	vshll.u32 v24, $0x7;
	v34 =	vor.u32 $0x80, v26;
	v22 =	vmov s23;
	s23 =	sadd.s32 $0x5, s26;
	v23 =	vld.idx.msk [tilespmem:v28+s19+$0x0], $0xffff  }
0x1bd: {  	v28 =	vor.u32 v0, v13;
	v35 =	vor.u32 $0x80, v22;
	v36 =	vmov s23;
	s23 =	sadd.s32 $0x6, s26;
	v37 =	vld.idx.msk [tilespmem:v12+s19+$0x0], $0xffff  }
0x1be: {  	v32 =	vshll.u32 v32, $0x7;
	v38 =	vor.u32 $0x80, v36;
	v12 =	vmov s23;
	[tilespmem:v25+s14+$0x0] =	vst.idx.add.f32.msk $0xffff, v19  }
0x1bf: {  	v39 =	vor.u32 v0, v32;
	v25 =	vor.u32 $0x80, v12;
	v19 =	vshll.u32 v12, $0x7;
	[tilespmem:v17+s14+$0x0] =	vst.idx.add.f32.msk $0xffff, v30  }
0x1c0: {  	v12 =	vor.u32 v7, v14;
	v30 =	vor.u32 v0, v18;
	v29 =	vld.idx.msk [tilespmem:v29+s2+$0x0], $0xffff  }
0x1c1: {  	v24 =	vor.u32 $0x80, v24;
	v17 =	vshll.u32 v26, $0x7;
	v26 =	vld.idx.msk [tilespmem:v15+s19+$0x0], $0xffff  }
0x1c2: {  	v16 =	vor.u32 v7, v16;
	v40 =	vor.u32 v0, v17;
	[tilespmem:v27+s14+$0x0] =	vst.idx.add.f32.msk $0xffff, v23  }
0x1c3: {  	v11 =	vor.u32 v7, v11;
	v15 =	vshll.u32 v36, $0x7;
	v21 =	vld.idx.msk [tilespmem:v21+s19+$0x0], $0xffff  }
0x1c4: {  	v23 =	vshll.u32 v22, $0x7;
	v27 =	vor.u32 v0, v15;
	v20 =	vld.idx.msk [tilespmem:v20+s19+$0x0], $0xffff  }
0x1c5: {  	v22 =	vld.idx.msk [tilespmem:v35+s2+$0x0], $0xffff;
	v35 =	vor.u32 v0, v23  }
0x1c6: {  	v41 =	vor.u32 v6, v10;
	v36 =	vor.u32 v0, v19;
	v31 =	vld.idx.msk [tilespmem:v31+s2+$0x0], $0xffff  }
0x1c7: {  	v29 =	vshll.u32 v29, $0x7;
	[tilespmem:v16+s14+$0x0] =	vst.idx.add.f32.msk $0xffff, v37;
	v16 =	vor.u32 v7, v8;
	v8 =	vmov v32  }
0x1c8: {  	v32 =	vor.u32 v0, v29;
	[tilespmem:v11+s14+$0x0] =	vst.idx.add.f32.msk $0xffff, v26  }
0x1c9: {  	v37 =	vor.u32 v1, v8;
	v11 =	vld.idx.msk [tilespmem:v28+s19+$0x0], $0xffff;
	v28 =	vor.u32 v1, v17  }
0x1ca: {  	v42 =	vor.u32 v7, v9;
	v9 =	vmov v29;
	v26 =	vor.u32 v1, v13;
	v33 =	vld.idx.msk [tilespmem:v33+s2+$0x0], $0xffff  }
0x1cb: {  	v29 =	vor.u32 v1, v15;
	[tilespmem:v41+s14+$0x0] =	vst.idx.add.f32.msk $0xffff, v21  }
0x1cc: {  	v16 =	vld.idx.msk [tilespmem:v16+s19+$0x0], $0xffff  }
0x1cd: {  	v43 =	vor.u32 v7, v10;
	v41 =	vor.u32 v1, v19;
	v35 =	vld.idx.msk [tilespmem:v35+s19+$0x0], $0xffff  }
0x1ce: {  	v21 =	vshll.u32 v31, $0x7;
	v31 =	vld.idx.msk [tilespmem:v25+s2+$0x0], $0xffff  }
0x1cf: {  	v44 =	vor.u32 v1, v23;
	[tilespmem:v42+s14+$0x0] =	vst.idx.add.f32.msk $0xffff, v20  }
0x1d0: {  	v25 =	vshll.u32 v22, $0x7;
	v10 =	vshll.u32 v33, $0x7;
	v20 =	vld.idx.msk [tilespmem:v38+s2+$0x0], $0xffff  }
0x1d1: {  	v33 =	vld.idx.msk [tilespmem:v39+s19+$0x0], $0xffff  }
0x1d2: {  	v38 =	vor.u32 v2, v15;
	[tilespmem:v43+s14+$0x0] =	vst.idx.add.f32.msk $0xffff, v16  }
0x1d3: {  	v39 =	vor.u32 v0, v25;
	v16 =	vor.u32 v0, v14;
	v30 =	vld.idx.msk [tilespmem:v30+s19+$0x0], $0xffff  }
0x1d4: {  	v22 =	vshll.u32 v31, $0x7;
	[tilespmem:v32+s14+$0x0] =	vst.idx.add.f32.msk $0xffff, v11;
	v32 =	vor.u32 v0, v21  }
0x1d5: {  	v31 =	vld.idx.msk [tilespmem:v34+s2+$0x0], $0xffff;
	v34 =	vor.u32 v0, v10  }
0x1d6: {  	v42 =	vor.u32 v2, v23;
	v27 =	vld.idx.msk [tilespmem:v27+s19+$0x0], $0xffff  }
0x1d7: {  	v43 =	vor.u32 v1, v18;
	v36 =	vld.idx.msk [tilespmem:v36+s19+$0x0], $0xffff  }
0x1d8: {  	[tilespmem:v39+s14+$0x0] =	vst.idx.add.f32.msk $0xffff, v35  }
0x1d9: {  	v45 =	vor.u32 v2, v19;
	v39 =	vor.u32 v0, v22;
	v35 =	vld.idx.msk [tilespmem:v26+s19+$0x0], $0xffff  }
0x1da: {  	v11 =	vshll.u32 v20, $0x7;
	v26 =	vor.u32 v2, v17;
	[tilespmem:v34+s14+$0x0] =	vst.idx.add.f32.msk $0xffff, v33  }
0x1db: {  	v20 =	vshll.u32 v31, $0x7;
	v31 =	vor.u32 v3, v15;
	[tilespmem:v32+s14+$0x0] =	vst.idx.add.f32.msk $0xffff, v30;
	v30 =	vor.u32 v0, v11  }
0x1dc: {  	v32 =	vld.idx.msk [tilespmem:v43+s19+$0x0], $0xffff  }
0x1dd: {  	v33 =	vor.u32 v1, v21;
	v34 =	vld.idx.msk [tilespmem:v40+s19+$0x0], $0xffff  }
0x1de: {  	v43 =	vor.u32 v0, v20;
	v40 =	vor.u32 v2, v18;
	[tilespmem:v39+s14+$0x0] =	vst.idx.add.f32.msk $0xffff, v36  }
0x1df: {  	v39 =	vor.u32 v3, v23;
	v36 =	vld.idx.msk [tilespmem:v44+s19+$0x0], $0xffff  }
0x1e0: {  	v44 =	vor.u32 v1, v25;
	[tilespmem:v30+s14+$0x0] =	vst.idx.add.f32.msk $0xffff, v27  }
0x1e1: {  	v30 =	vor.u32 v3, v19;
	v29 =	vld.idx.msk [tilespmem:v29+s19+$0x0], $0xffff  }
0x1e2: {  	[tilespmem:v33+s14+$0x0] =	vst.idx.add.f32.msk $0xffff, v32  }
0x1e3: {  	v27 =	vor.u32 v3, v17;
	[tilespmem:v43+s14+$0x0] =	vst.idx.add.f32.msk $0xffff, v34  }
0x1e4: {  	v32 =	vor.u32 v2, v21;
	v33 =	vor.u32 v1, v11;
	v28 =	vld.idx.msk [tilespmem:v28+s19+$0x0], $0xffff  }
0x1e5: {  	[tilespmem:v44+s14+$0x0] =	vst.idx.add.f32.msk $0xffff, v36  }
0x1e6: {  	v34 =	vor.u32 v1, v9;
	v36 =	vld.idx.msk [tilespmem:v41+s19+$0x0], $0xffff  }
0x1e7: {  	v37 =	vld.idx.msk [tilespmem:v37+s19+$0x0], $0xffff  }
0x1e8: {  	v41 =	vld.idx.msk [tilespmem:v42+s19+$0x0], $0xffff;
	v42 =	vor.u32 v1, v22  }
0x1e9: {  	[tilespmem:v33+s14+$0x0] =	vst.idx.add.f32.msk $0xffff, v29  }
0x1ea: {  	v33 =	vor.u32 v2, v25;
	v29 =	vld.idx.msk [tilespmem:v40+s19+$0x0], $0xffff;
	v40 =	vor.u32 v4, v23  }
0x1eb: {  	[tilespmem:v34+s14+$0x0] =	vst.idx.add.f32.msk $0xffff, v35;
	v34 =	vor.u32 v3, v21;
	v35 =	vor.u32 v1, v10  }
0x1ec: {  	v38 =	vld.idx.msk [tilespmem:v38+s19+$0x0], $0xffff  }
0x1ed: {  	v43 =	vor.u32 v3, v18;
	[tilespmem:v42+s14+$0x0] =	vst.idx.add.f32.msk $0xffff, v36  }
0x1ee: {  	v36 =	vld.idx.msk [tilespmem:v45+s19+$0x0], $0xffff  }
0x1ef: {  	[tilespmem:v33+s14+$0x0] =	vst.idx.add.f32.msk $0xffff, v41;
	v33 =	vor.u32 v2, v11  }
0x1f0: {  	[tilespmem:v35+s14+$0x0] =	vst.idx.add.f32.msk $0xffff, v37  }
0x1f1: {  	[tilespmem:v32+s14+$0x0] =	vst.idx.add.f32.msk $0xffff, v29;
	v29 =	vor.u32 v2, v22  }
0x1f2: {  	v35 =	vor.u32 v4, v21;
	v32 =	vld.idx.msk [tilespmem:v43+s19+$0x0], $0xffff  }
0x1f3: {  	v37 =	vld.idx.msk [tilespmem:v39+s19+$0x0], $0xffff  }
0x1f4: {  	v39 =	vor.u32 v4, v18;
	[tilespmem:v33+s14+$0x0] =	vst.idx.add.f32.msk $0xffff, v38  }
0x1f5: {  	v33 =	vor.u32 v3, v25;
	v31 =	vld.idx.msk [tilespmem:v31+s19+$0x0], $0xffff  }
0x1f6: {  	[tilespmem:v29+s14+$0x0] =	vst.idx.add.f32.msk $0xffff, v36  }
0x1f7: {  	v29 =	vor.u32 v3, v11;
	v30 =	vld.idx.msk [tilespmem:v30+s19+$0x0], $0xffff  }
0x1f8: {  	[tilespmem:v34+s14+$0x0] =	vst.idx.add.f32.msk $0xffff, v32;
	v32 =	vor.u32 v3, v22  }
0x1f9: {  	v36 =	vor.u32 v4, v19;
	v34 =	vld.idx.msk [tilespmem:v39+s19+$0x0], $0xffff  }
0x1fa: {  	[tilespmem:v33+s14+$0x0] =	vst.idx.add.f32.msk $0xffff, v37  }
0x1fb: {  	v33 =	vor.u32 v5, v18;
	v37 =	vld.idx.msk [tilespmem:v40+s19+$0x0], $0xffff  }
0x1fc: {  	v38 =	vor.u32 v4, v25;
	[tilespmem:v29+s14+$0x0] =	vst.idx.add.f32.msk $0xffff, v31  }
0x1fd: {  	[tilespmem:v32+s14+$0x0] =	vst.idx.add.f32.msk $0xffff, v30  }
0x1fe: {  	v29 =	vor.u32 v5, v23;
	v30 =	vld.idx.msk [tilespmem:v36+s19+$0x0], $0xffff  }
0x1ff: {  	v31 =	vor.u32 v4, v15;
	[tilespmem:v35+s14+$0x0] =	vst.idx.add.f32.msk $0xffff, v34  }
0x200: {  	v32 =	vld.idx.msk [tilespmem:v33+s19+$0x0], $0xffff;
	v33 =	vor.u32 v4, v22  }
0x201: {  	v34 =	vor.u32 v5, v19;
	[tilespmem:v38+s14+$0x0] =	vst.idx.add.f32.msk $0xffff, v37  }
0x202: {  	v24 =	vld.idx.msk [tilespmem:v24+s2+$0x0], $0xffff  }
0x203: {  	v35 =	vor.u32 v5, v21;
	v29 =	vld.idx.msk [tilespmem:v29+s19+$0x0], $0xffff  }
0x204: {  	v36 =	vor.u32 v1, v20;
	v31 =	vld.idx.msk [tilespmem:v31+s19+$0x0], $0xffff  }
0x205: {  	v37 =	vor.u32 v5, v25;
	[tilespmem:v33+s14+$0x0] =	vst.idx.add.f32.msk $0xffff, v30  }
0x206: {  	v30 =	vor.u32 v6, v23;
	v33 =	vld.idx.msk [tilespmem:v34+s19+$0x0], $0xffff  }
0x207: {  	v38 =	vor.u32 v5, v22;
	v34 =	vld.idx.msk [tilespmem:v16+s19+$0x0], $0xffff  }
0x208: {  	v16 =	vshll.u32 v24, $0x7;
	v24 =	vor.u32 v6, v19;
	[tilespmem:v35+s14+$0x0] =	vst.idx.add.f32.msk $0xffff, v32  }
0x209: {  	v32 =	vor.u32 v0, v16;
	[tilespmem:v36+s14+$0x0] =	vst.idx.add.f32.msk $0xffff, v28  }
0x20a: {  	v28 =	vor.u32 v1, v14;
	[tilespmem:v37+s14+$0x0] =	vst.idx.add.f32.msk $0xffff, v29  }
0x20b: {  	v29 =	vld.idx.msk [tilespmem:v30+s19+$0x0], $0xffff  }
0x20c: {  	v30 =	vor.u32 v6, v25;
	[tilespmem:v38+s14+$0x0] =	vst.idx.add.f32.msk $0xffff, v33  }
0x20d: {  	v23 =	vor.u32 v7, v23;
	v24 =	vld.idx.msk [tilespmem:v24+s19+$0x0], $0xffff  }
0x20e: {  	[tilespmem:v32+s14+$0x0] =	vst.idx.add.f32.msk $0xffff, v34;
	v32 =	vor.u32 v6, v22  }
0x20f: {  	v33 =	vor.u32 v4, v11;
	v28 =	vld.idx.msk [tilespmem:v28+s19+$0x0], $0xffff  }
0x210: {  	v34 =	vor.u32 v1, v16;
	v26 =	vld.idx.msk [tilespmem:v26+s19+$0x0], $0xffff  }
0x211: {  	v35 =	vor.u32 v2, v20;
	[tilespmem:v30+s14+$0x0] =	vst.idx.add.f32.msk $0xffff, v29  }
0x212: {  	v23 =	vld.idx.msk [tilespmem:v23+s19+$0x0], $0xffff  }
0x213: {  	v25 =	vor.u32 v7, v25;
	[tilespmem:v32+s14+$0x0] =	vst.idx.add.f32.msk $0xffff, v24  }
0x214: {  	v24 =	vor.u32 v2, v14;
	[tilespmem:v33+s14+$0x0] =	vst.idx.add.f32.msk $0xffff, v31  }
0x215: {  	v29 =	vor.u32 v6, v18;
	[tilespmem:v34+s14+$0x0] =	vst.idx.add.f32.msk $0xffff, v28  }
0x216: {  	v28 =	vor.u32 v2, v13;
	[tilespmem:v35+s14+$0x0] =	vst.idx.add.f32.msk $0xffff, v26  }
0x217: {  	v26 =	vld.idx.msk [tilespmem:v27+s19+$0x0], $0xffff;
	v27 =	vor.u32 v5, v15  }
0x218: {  	v19 =	vor.u32 v7, v19;
	[tilespmem:v25+s14+$0x0] =	vst.idx.add.f32.msk $0xffff, v23  }
0x219: {  	v23 =	vld.idx.msk [tilespmem:v24+s19+$0x0], $0xffff;
	v24 =	vor.u32 v2, v8  }
0x21a: {  	v25 =	vld.idx.msk [tilespmem:v29+s19+$0x0], $0xffff;
	v29 =	vor.u32 v3, v20  }
0x21b: {  	v30 =	vor.u32 v2, v16;
	v28 =	vld.idx.msk [tilespmem:v28+s19+$0x0], $0xffff  }
0x21c: {  	v31 =	vor.u32 v3, v14;
	v27 =	vld.idx.msk [tilespmem:v27+s19+$0x0], $0xffff  }
0x21d: {  	v32 =	vor.u32 v4, v17;
	v19 =	vld.idx.msk [tilespmem:v19+s19+$0x0], $0xffff  }
0x21e: {  	v33 =	vor.u32 v6, v21;
	v24 =	vld.idx.msk [tilespmem:v24+s19+$0x0], $0xffff  }
0x21f: {  	v18 =	vor.u32 v7, v18;
	[tilespmem:v29+s14+$0x0] =	vst.idx.add.f32.msk $0xffff, v26  }
0x220: {  	v26 =	vor.u32 v2, v9;
	[tilespmem:v30+s14+$0x0] =	vst.idx.add.f32.msk $0xffff, v23  }
0x221: {  	v23 =	vor.u32 v3, v13;
	v29 =	vld.idx.msk [tilespmem:v31+s19+$0x0], $0xffff  }
0x222: {  	v30 =	vor.u32 v3, v16;
	v31 =	vld.idx.msk [tilespmem:v32+s19+$0x0], $0xffff;
	v32 =	vor.u32 v5, v11  }
0x223: {  	v22 =	vor.u32 v7, v22;
	[tilespmem:v33+s14+$0x0] =	vst.idx.add.f32.msk $0xffff, v25  }
0x224: {  	v25 =	vor.u32 v4, v20;
	v18 =	vld.idx.msk [tilespmem:v18+s19+$0x0], $0xffff  }
0x225: {  	[tilespmem:v26+s14+$0x0] =	vst.idx.add.f32.msk $0xffff, v28;
	v26 =	vor.u32 v5, v17  }
0x226: {  	v21 =	vor.u32 v7, v21;
	v23 =	vld.idx.msk [tilespmem:v23+s19+$0x0], $0xffff  }
0x227: {  	[tilespmem:v32+s14+$0x0] =	vst.idx.add.f32.msk $0xffff, v27  }
0x228: {  	v27 =	vor.u32 v4, v14;
	[tilespmem:v22+s14+$0x0] =	vst.idx.add.f32.msk $0xffff, v19  }
0x229: {  	v19 =	vor.u32 v3, v9;
	v22 =	vor.u32 v4, v16;
	[tilespmem:v25+s14+$0x0] =	vst.idx.add.f32.msk $0xffff, v31  }
0x22a: {  	v25 =	vor.u32 v4, v13;
	v26 =	vld.idx.msk [tilespmem:v26+s19+$0x0], $0xffff  }
0x22b: {  	[tilespmem:v21+s14+$0x0] =	vst.idx.add.f32.msk $0xffff, v18;
	v18 =	vor.u32 v5, v20  }
0x22c: {  	v21 =	vor.u32 v6, v17;
	[tilespmem:v30+s14+$0x0] =	vst.idx.add.f32.msk $0xffff, v29  }
0x22d: {  	v28 =	vor.u32 v2, v10;
	v27 =	vld.idx.msk [tilespmem:v27+s19+$0x0], $0xffff  }
0x22e: {  	[tilespmem:v19+s14+$0x0] =	vst.idx.add.f32.msk $0xffff, v23;
	v19 =	vor.u32 v3, v8  }
0x22f: {  	v23 =	vld.idx.msk [tilespmem:v25+s19+$0x0], $0xffff  }
0x230: {  	v25 =	vor.u32 v5, v14;
	[tilespmem:v18+s14+$0x0] =	vst.idx.add.f32.msk $0xffff, v26  }
0x231: {  	v18 =	vor.u32 v4, v9;
	v21 =	vld.idx.msk [tilespmem:v21+s19+$0x0], $0xffff  }
0x232: {  	v26 =	vor.u32 v6, v20;
	[tilespmem:v28+s14+$0x0] =	vst.idx.add.f32.msk $0xffff, v24  }
0x233: {  	v17 =	vor.u32 v7, v17;
	v19 =	vld.idx.msk [tilespmem:v19+s19+$0x0], $0xffff  }
0x234: {  	[tilespmem:v22+s14+$0x0] =	vst.idx.add.f32.msk $0xffff, v27;
	v22 =	vor.u32 v3, v10  }
0x235: {  	v24 =	vor.u32 v5, v13;
	v28 =	vld.idx.msk [tilespmem:v25+s19+$0x0], $0xffff  }
0x236: {  	[tilespmem:v18+s14+$0x0] =	vst.idx.add.f32.msk $0xffff, v23;
	v18 =	vor.u32 v5, v16  }
0x237: {  	[tilespmem:v26+s14+$0x0] =	vst.idx.add.f32.msk $0xffff, v21;
	v21 =	vor.u32 v4, v8  }
0x238: {  	v14 =	vor.u32 v6, v14;
	v17 =	vld.idx.msk [tilespmem:v17+s19+$0x0], $0xffff  }
0x239: {  	v29 =	vor.u32 v7, v20;
	[tilespmem:v22+s14+$0x0] =	vst.idx.add.f32.msk $0xffff, v19  }
0x23a: {  	v19 =	vor.u32 v6, v15;
	v25 =	vld.idx.msk [tilespmem:v24+s19+$0x0], $0xffff  }
.Ltmp2:
0x23b: {  	v27 =	vor.u32 v5, v9;
	[tilespmem:v18+s14+$0x0] =	vst.idx.add.f32.msk $0xffff, v28;
	(pc) =	sbr.rel @p0 .LBB2_5-.Ltmp2, $4  }
0x23c: {  	v18 =	vor.u32 v6, v13;
	v24 =	vld.idx.msk [tilespmem:v21+s19+$0x0], $0xffff  }
0x23d: {  	v20 =	vor.u32 v7, v13;
	v26 =	vor.u32 v4, v10;
	v22 =	vld.idx.msk [tilespmem:v14+s19+$0x0], $0xffff  }
0x23e: {  	v23 =	vor.u32 v6, v16;
	v21 =	vor.u32 v6, v8;
	[tilespmem:v29+s14+$0x0] =	vst.idx.add.f32.msk $0xffff, v17  }
0x23f: {  	s23 =	smov.u32 s22;
	v15 =	vor.u32 v7, v15;
	v28 =	vor.u32 v5, v8;
	v17 =	vor.u32 v6, v9;
	v19 =	vld.idx.msk [tilespmem:v19+s19+$0x0], $0xffff  }
0x240: {  	_ =	sdelay $0x3  }
0x241: {  	[tilespmem:v26+s14+$0x0] =	vst.idx.add.f32.msk $0xffff, v24  }
0x242: {  	v13 =	vor.u32 v5, v10;
	v14 =	vld.idx.msk [tilespmem:v28+s19+$0x0], $0xffff  }
0x243: {  	[tilespmem:v27+s14+$0x0] =	vst.idx.add.f32.msk $0xffff, v25  }
0x244: {  	v24 =	vor.u32 v6, v11;
	v18 =	vld.idx.msk [tilespmem:v18+s19+$0x0], $0xffff  }
0x245: {  	[tilespmem:v23+s14+$0x0] =	vst.idx.add.f32.msk $0xffff, v22  }
0x246: {  	v12 =	vld.idx.msk [tilespmem:v12+s19+$0x0], $0xffff  }
0x247: {  	[tilespmem:v13+s14+$0x0] =	vst.idx.add.f32.msk $0xffff, v14  }
0x248: {  	v14 =	vor.u32 v6, v10;
	v13 =	vld.idx.msk [tilespmem:v21+s19+$0x0], $0xffff  }
0x249: {  	v8 =	vor.u32 v7, v8;
	[tilespmem:v24+s14+$0x0] =	vst.idx.add.f32.msk $0xffff, v19  }
0x24a: {  	[tilespmem:v17+s14+$0x0] =	vst.idx.add.f32.msk $0xffff, v18  }
0x24b: {  	v16 =	vor.u32 v7, v16;
	v15 =	vld.idx.msk [tilespmem:v15+s19+$0x0], $0xffff  }
0x24c: {  	v11 =	vor.u32 v7, v11;
	v17 =	vld.idx.msk [tilespmem:v20+s19+$0x0], $0xffff  }
0x24d: {  	v9 =	vor.u32 v7, v9;
	[tilespmem:v14+s14+$0x0] =	vst.idx.add.f32.msk $0xffff, v13  }
0x24e: {  	v10 =	vor.u32 v7, v10;
	v8 =	vld.idx.msk [tilespmem:v8+s19+$0x0], $0xffff;
	_ =	sdelay $0x1  }
0x24f: {  	[tilespmem:v16+s14+$0x0] =	vst.idx.add.f32.msk $0xffff, v12  }
0x250: {  	s22 =	simm.s32 $0x0;
	[tilespmem:v11+s14+$0x0] =	vst.idx.add.f32.msk $0xffff, v15  }
0x251: {  	s23 =	simm.s32 $0x1;
	[tilespmem:v9+s14+$0x0] =	vst.idx.add.f32.msk $0xffff, v17;
	v9 =	vmov s22  }
0x252: {  	v11 =	vmov s23;
	[tilespmem:v10+s14+$0x0] =	vst.idx.add.f32.msk $0xffff, v8;
	v8 =	vor.u32 $0x100, v9  }
0x253: {  	s26 =	simm.s32 $0x7;
	v13 =	vshll.u32 v9, $0x7;
	v9 =	vor.u32 $0x100, v11;
	_ =	swait.ge [sflag:s18], $0x4000  }
0x254: {  	s25 =	simm.s32 $0x4;
	v14 =	vmov s26;
	v15 =	vor.u32 v0, v13;
	[sflag:s18] =	ssyncset.done $0x0  }
0x255: {  	s29 =	simm.s32 $0x5;
	v16 =	vor.u32 $0x100, v14;
	v10 =	vmov s25;
	[sflag:s18] =	ssyncadd.s32 $0xFFFFC000  }
0x256: {  	v20 =	vmov s29;
	v12 =	vor.u32 $0x100, v10;
	[tilespmem:s19], [sflag:$0x2] =	stream.strided.gather [hbm4b:s7+s15], $0x4000, s16, s15, $0x38;
	[tilespmem:$0x18300] =	vst v63  }
0x257: {  	s28 =	simm.s32 $0x6;
	v23 =	vor.u32 $0x100, v20;
	v21 =	vshll.u32 v10, $0x7;
	v18 =	vld.idx.msk [tilespmem:v8+s2+$0x0], $0xffff  }
0x258: {  	v10 =	vmov s28;
	v19 =	vor.u32 v0, v21;
	v24 =	vld.idx.msk [tilespmem:v9+s2+$0x0], $0xffff  }
0x259: {  	v17 =	vshll.u32 v11, $0x7;
	v22 =	vor.u32 $0x100, v10;
	v15 =	vld.idx.msk [tilespmem:v15+s17+$0x0], $0xffff  }
0x25a: {  	v25 =	vor.u32 v0, v17;
	v8 =	vshll.u32 v14, $0x7;
	v16 =	vld.idx.msk [tilespmem:v16+s2+$0x0], $0xffff  }
0x25b: {  	v14 =	vshll.u32 v20, $0x7;
	v12 =	vld.idx.msk [tilespmem:v12+s2+$0x0], $0xffff;
	v11 =	vor.u32 v0, v8  }
0x25c: {  	s30 =	simm.s32 $0x3;
	v23 =	vld.idx.msk [tilespmem:v23+s2+$0x0], $0xffff;
	v29 =	vor.u32 v0, v14;
	v9 =	vshll.u32 v18, $0x7  }
0x25d: {  	v26 =	vmov s30;
	v27 =	vld.idx.msk [tilespmem:v19+s17+$0x0], $0xffff;
	v18 =	vor.u32 v0, v9  }
0x25e: {  	v20 =	vshll.u32 v10, $0x7;
	v19 =	vor.u32 $0x100, v26;
	v28 =	vld.idx.msk [tilespmem:v22+s2+$0x0], $0xffff  }
0x25f: {  	v25 =	vld.idx.msk [tilespmem:v25+s17+$0x0], $0xffff;
	v30 =	vor.u32 v0, v20;
	v10 =	vshll.u32 v16, $0x7  }
0x260: {  	v22 =	vshll.u32 v12, $0x7;
	v31 =	vld.idx.msk [tilespmem:v11+s17+$0x0], $0xffff;
	v16 =	vor.u32 v0, v10  }
0x261: {  	v29 =	vld.idx.msk [tilespmem:v29+s17+$0x0], $0xffff;
	v11 =	vor.u32 v0, v22  }
0x262: {  	v32 =	vor.u32 v1, v13;
	[tilespmem:v18+s14+$0x0] =	vst.idx.add.f32.msk $0xffff, v15;
	v18 =	vshll.u32 v24, $0x7  }
0x263: {  	v15 =	vld.idx.msk [tilespmem:v19+s2+$0x0], $0xffff;
	v19 =	vshll.u32 v28, $0x7;
	v24 =	vor.u32 v0, v18  }
0x264: {  	v30 =	vld.idx.msk [tilespmem:v30+s17+$0x0], $0xffff;
	v28 =	vor.u32 v0, v19  }
0x265: {  	v52 =	vor.u32 v1, v21;
	[tilespmem:v16+s14+$0x0] =	vst.idx.add.f32.msk $0xffff, v31  }
0x266: {  	v12 =	vshll.u32 v26, $0x7;
	v26 =	vor.u32 v1, v17;
	[tilespmem:v11+s14+$0x0] =	vst.idx.add.f32.msk $0xffff, v27  }
0x267: {  	v33 =	vor.u32 v0, v12;
	v27 =	vld.idx.msk [tilespmem:v32+s17+$0x0], $0xffff;
	v11 =	vshll.u32 v23, $0x7  }
0x268: {  	v16 =	vor.u32 v0, v11;
	[tilespmem:v24+s14+$0x0] =	vst.idx.add.f32.msk $0xffff, v25  }
0x269: {  	v23 =	vor.u32 v1, v14;
	[tilespmem:v28+s14+$0x0] =	vst.idx.add.f32.msk $0xffff, v30  }
0x26a: {  	v53 =	vor.u32 v1, v22;
	v30 =	vld.idx.msk [tilespmem:v52+s17+$0x0], $0xffff  }
0x26b: {  	v15 =	vshll.u32 v15, $0x7;
	v25 =	vor.u32 v1, v18;
	v24 =	vld.idx.msk [tilespmem:v26+s17+$0x0], $0xffff  }
0x26c: {  	v31 =	vor.u32 v0, v15;
	v26 =	vld.idx.msk [tilespmem:v33+s17+$0x0], $0xffff  }
0x26d: {  	[tilespmem:v16+s14+$0x0] =	vst.idx.add.f32.msk $0xffff, v29;
	v16 =	vor.u32 v1, v20  }
0x26e: {  	v29 =	vor.u32 v1, v8;
	v23 =	vld.idx.msk [tilespmem:v23+s17+$0x0], $0xffff  }
0x26f: {  	v28 =	vor.u32 v1, v12;
	[tilespmem:v53+s14+$0x0] =	vst.idx.add.f32.msk $0xffff, v30  }
0x270: {  	v30 =	vor.u32 v1, v9;
	[tilespmem:v25+s14+$0x0] =	vst.idx.add.f32.msk $0xffff, v24  }
0x271: {  	v24 =	vor.u32 v2, v21;
	[tilespmem:v31+s14+$0x0] =	vst.idx.add.f32.msk $0xffff, v26  }
0x272: {  	v26 =	vor.u32 v1, v11;
	v16 =	vld.idx.msk [tilespmem:v16+s17+$0x0], $0xffff  }
0x273: {  	v54 =	vor.u32 v1, v19;
	v29 =	vld.idx.msk [tilespmem:v29+s17+$0x0], $0xffff  }
0x274: {  	v25 =	vld.idx.msk [tilespmem:v28+s17+$0x0], $0xffff;
	v28 =	vor.u32 v2, v17  }
0x275: {  	v31 =	vor.u32 v2, v14;
	[tilespmem:v30+s14+$0x0] =	vst.idx.add.f32.msk $0xffff, v27  }
0x276: {  	v55 =	vor.u32 v2, v20;
	v24 =	vld.idx.msk [tilespmem:v24+s17+$0x0], $0xffff  }
0x277: {  	v59 =	vor.u32 v1, v15;
	[tilespmem:v26+s14+$0x0] =	vst.idx.add.f32.msk $0xffff, v23  }
0x278: {  	v26 =	vor.u32 v2, v22;
	[tilespmem:v54+s14+$0x0] =	vst.idx.add.f32.msk $0xffff, v16  }
0x279: {  	v27 =	vor.u32 v1, v10;
	v23 =	vld.idx.msk [tilespmem:v28+s17+$0x0], $0xffff  }
0x27a: {  	v28 =	vor.u32 v2, v18;
	v30 =	vld.idx.msk [tilespmem:v31+s17+$0x0], $0xffff  }
0x27b: {  	v16 =	vor.u32 v3, v21;
	v32 =	vld.idx.msk [tilespmem:v55+s17+$0x0], $0xffff  }
0x27c: {  	v31 =	vor.u32 v3, v17;
	[tilespmem:v59+s14+$0x0] =	vst.idx.add.f32.msk $0xffff, v25  }
0x27d: {  	[tilespmem:v26+s14+$0x0] =	vst.idx.add.f32.msk $0xffff, v24;
	v24 =	vor.u32 v2, v11  }
0x27e: {  	[tilespmem:v27+s14+$0x0] =	vst.idx.add.f32.msk $0xffff, v29;
	v26 =	vor.u32 v3, v14  }
0x27f: {  	[tilespmem:v28+s14+$0x0] =	vst.idx.add.f32.msk $0xffff, v23;
	v23 =	vor.u32 v2, v19  }
0x280: {  	v27 =	vor.u32 v3, v20;
	v16 =	vld.idx.msk [tilespmem:v16+s17+$0x0], $0xffff  }
0x281: {  	v29 =	vor.u32 v3, v18;
	v28 =	vld.idx.msk [tilespmem:v31+s17+$0x0], $0xffff  }
0x282: {  	v31 =	vor.u32 v4, v17;
	[tilespmem:v24+s14+$0x0] =	vst.idx.add.f32.msk $0xffff, v30  }
0x283: {  	v24 =	vor.u32 v3, v22;
	v26 =	vld.idx.msk [tilespmem:v26+s17+$0x0], $0xffff  }
0x284: {  	v30 =	vor.u32 v4, v21;
	[tilespmem:v23+s14+$0x0] =	vst.idx.add.f32.msk $0xffff, v32  }
0x285: {  	v23 =	vor.u32 v3, v11;
	v27 =	vld.idx.msk [tilespmem:v27+s17+$0x0], $0xffff  }
0x286: {  	[tilespmem:v29+s14+$0x0] =	vst.idx.add.f32.msk $0xffff, v28;
	v28 =	vor.u32 v3, v19  }
0x287: {  	v29 =	vld.idx.msk [tilespmem:v31+s17+$0x0], $0xffff;
	v31 =	vor.u32 v4, v20  }
0x288: {  	v56 =	vor.u32 v4, v18;
	[tilespmem:v24+s14+$0x0] =	vst.idx.add.f32.msk $0xffff, v16  }
0x289: {  	s31 =	simm.s32 $0x2;
	v16 =	vor.u32 v5, v17;
	v24 =	vld.idx.msk [tilespmem:v30+s17+$0x0], $0xffff  }
0x28a: {  	v57 =	vor.u32 v4, v22;
	v30 =	vmov s31;
	[tilespmem:v23+s14+$0x0] =	vst.idx.add.f32.msk $0xffff, v26  }
0x28b: {  	v23 =	vor.u32 $0x100, v30;
	[tilespmem:v28+s14+$0x0] =	vst.idx.add.f32.msk $0xffff, v27  }
0x28c: {  	v26 =	vor.u32 v5, v21;
	v27 =	vld.idx.msk [tilespmem:v31+s17+$0x0], $0xffff  }
0x28d: {  	v30 =	vshll.u32 v30, $0x7;
	[tilespmem:v56+s14+$0x0] =	vst.idx.add.f32.msk $0xffff, v29;
	v29 =	vor.u32 v4, v19  }
0x28e: {  	v31 =	vor.u32 v0, v30;
	v16 =	vld.idx.msk [tilespmem:v16+s17+$0x0], $0xffff  }
0x28f: {  	[tilespmem:v57+s14+$0x0] =	vst.idx.add.f32.msk $0xffff, v24;
	v24 =	vor.u32 v5, v20  }
0x290: {  	v58 =	vor.u32 v5, v18;
	v23 =	vld.idx.msk [tilespmem:v23+s2+$0x0], $0xffff  }
0x291: {  	v34 =	vor.u32 v5, v22;
	v26 =	vld.idx.msk [tilespmem:v26+s17+$0x0], $0xffff  }
0x292: {  	v28 =	vor.u32 v4, v14;
	[tilespmem:v29+s14+$0x0] =	vst.idx.add.f32.msk $0xffff, v27  }
0x293: {  	v27 =	vor.u32 v6, v21;
	v29 =	vld.idx.msk [tilespmem:v31+s17+$0x0], $0xffff  }
0x294: {  	v31 =	vor.u32 v5, v19;
	v24 =	vld.idx.msk [tilespmem:v24+s17+$0x0], $0xffff  }
0x295: {  	[tilespmem:v58+s14+$0x0] =	vst.idx.add.f32.msk $0xffff, v16;
	v16 =	vshll.u32 v23, $0x7;
	v23 =	vor.u32 v6, v20  }
0x296: {  	[tilespmem:v34+s14+$0x0] =	vst.idx.add.f32.msk $0xffff, v26;
	v26 =	vor.u32 v2, v12  }
0x297: {  	v28 =	vld.idx.msk [tilespmem:v28+s17+$0x0], $0xffff;
	v60 =	vor.u32 v0, v16  }
0x298: {  	v61 =	vor.u32 v6, v22;
	v27 =	vld.idx.msk [tilespmem:v27+s17+$0x0], $0xffff  }
0x299: {  	v25 =	vor.u32 v1, v30;
	[tilespmem:v31+s14+$0x0] =	vst.idx.add.f32.msk $0xffff, v24  }
0x29a: {  	v21 =	vor.u32 v7, v21;
	v23 =	vld.idx.msk [tilespmem:v23+s17+$0x0], $0xffff  }
0x29b: {  	v24 =	vor.u32 v6, v19;
	v26 =	vld.idx.msk [tilespmem:v26+s17+$0x0], $0xffff  }
0x29c: {  	v62 =	vor.u32 v2, v15;
	[tilespmem:v60+s14+$0x0] =	vst.idx.add.f32.msk $0xffff, v29  }
0x29d: {  	v29 =	vor.u32 v4, v11;
	[tilespmem:v61+s14+$0x0] =	vst.idx.add.f32.msk $0xffff, v27  }
0x29e: {  	v27 =	vor.u32 v3, v12;
	v25 =	vld.idx.msk [tilespmem:v25+s17+$0x0], $0xffff  }
0x29f: {  	v20 =	vor.u32 v7, v20;
	v21 =	vld.idx.msk [tilespmem:v21+s17+$0x0], $0xffff  }
0x2a0: {  	v31 =	vor.u32 v1, v16;
	[tilespmem:v24+s14+$0x0] =	vst.idx.add.f32.msk $0xffff, v23  }
0x2a1: {  	v22 =	vor.u32 v7, v22;
	[tilespmem:v62+s14+$0x0] =	vst.idx.add.f32.msk $0xffff, v26  }
0x2a2: {  	v23 =	vor.u32 v2, v30;
	[tilespmem:v29+s14+$0x0] =	vst.idx.add.f32.msk $0xffff, v28  }
0x2a3: {  	v24 =	vor.u32 v6, v17;
	v26 =	vld.idx.msk [tilespmem:v27+s17+$0x0], $0xffff  }
0x2a4: {  	v27 =	vor.u32 v5, v14;
	v20 =	vld.idx.msk [tilespmem:v20+s17+$0x0], $0xffff  }
0x2a5: {  	v19 =	vor.u32 v7, v19;
	[tilespmem:v31+s14+$0x0] =	vst.idx.add.f32.msk $0xffff, v25  }
0x2a6: {  	v25 =	vor.u32 v2, v13;
	[tilespmem:v22+s14+$0x0] =	vst.idx.add.f32.msk $0xffff, v21  }
0x2a7: {  	v22 =	vor.u32 v2, v8;
	v21 =	vld.idx.msk [tilespmem:v23+s17+$0x0], $0xffff  }
0x2a8: {  	v23 =	vld.idx.msk [tilespmem:v24+s17+$0x0], $0xffff;
	v24 =	vor.u32 v3, v15  }
0x2a9: {  	v28 =	vor.u32 v2, v16;
	v27 =	vld.idx.msk [tilespmem:v27+s17+$0x0], $0xffff  }
0x2aa: {  	v63 =	vor.u32 v6, v18;
	[tilespmem:v19+s14+$0x0] =	vst.idx.add.f32.msk $0xffff, v20  }
0x2ab: {  	v29 =	vor.u32 v3, v30;
	v25 =	vld.idx.msk [tilespmem:v25+s17+$0x0], $0xffff  }
0x2ac: {  	v31 =	vor.u32 v4, v12;
	v22 =	vld.idx.msk [tilespmem:v22+s17+$0x0], $0xffff  }
0x2ad: {  	v17 =	vor.u32 v7, v17;
	[tilespmem:v24+s14+$0x0] =	vst.idx.add.f32.msk $0xffff, v26  }
0x2ae: {  	v24 =	vor.u32 v2, v9;
	[tilespmem:v28+s14+$0x0] =	vst.idx.add.f32.msk $0xffff, v21  }
0x2af: {  	v21 =	vor.u32 v3, v13;
	[tilespmem:v63+s14+$0x0] =	vst.idx.add.f32.msk $0xffff, v23  }
0x2b0: {  	v26 =	vld.idx.msk [tilespmem:v29+s17+$0x0], $0xffff;
	v29 =	vor.u32 v5, v11  }
0x2b1: {  	v23 =	vor.u32 v4, v15;
	v28 =	vld.idx.msk [tilespmem:v31+s17+$0x0], $0xffff  }
0x2b2: {  	v18 =	vor.u32 v7, v18;
	v17 =	vld.idx.msk [tilespmem:v17+s17+$0x0], $0xffff  }
0x2b3: {  	[tilespmem:v24+s14+$0x0] =	vst.idx.add.f32.msk $0xffff, v25;
	v24 =	vor.u32 v5, v12  }
0x2b4: {  	v25 =	vor.u32 v3, v16;
	v21 =	vld.idx.msk [tilespmem:v21+s17+$0x0], $0xffff  }
0x2b5: {  	[tilespmem:v29+s14+$0x0] =	vst.idx.add.f32.msk $0xffff, v27;
	v27 =	vor.u32 v4, v30  }
0x2b6: {  	v19 =	vor.u32 v3, v9;
	[tilespmem:v23+s14+$0x0] =	vst.idx.add.f32.msk $0xffff, v28  }
0x2b7: {  	v20 =	vor.u32 v4, v13;
	[tilespmem:v18+s14+$0x0] =	vst.idx.add.f32.msk $0xffff, v17  }
0x2b8: {  	v17 =	vor.u32 v5, v15;
	v23 =	vld.idx.msk [tilespmem:v24+s17+$0x0], $0xffff  }
0x2b9: {  	[tilespmem:v25+s14+$0x0] =	vst.idx.add.f32.msk $0xffff, v26;
	v25 =	vor.u32 v2, v10  }
0x2ba: {  	v18 =	vor.u32 v6, v12;
	v24 =	vld.idx.msk [tilespmem:v27+s17+$0x0], $0xffff  }
0x2bb: {  	[tilespmem:v19+s14+$0x0] =	vst.idx.add.f32.msk $0xffff, v21;
	v19 =	vor.u32 v3, v8  }
0x2bc: {  	v21 =	vor.u32 v4, v16;
	v20 =	vld.idx.msk [tilespmem:v20+s17+$0x0], $0xffff  }
0x2bd: {  	[tilespmem:v17+s14+$0x0] =	vst.idx.add.f32.msk $0xffff, v23  }
0x2be: {  	v26 =	vor.u32 v5, v30;
	[tilespmem:v25+s14+$0x0] =	vst.idx.add.f32.msk $0xffff, v22  }
0x2bf: {  	v17 =	vor.u32 v4, v9;
	v18 =	vld.idx.msk [tilespmem:v18+s17+$0x0], $0xffff  }
0x2c0: {  	v23 =	vor.u32 v6, v15;
	v19 =	vld.idx.msk [tilespmem:v19+s17+$0x0], $0xffff  }
0x2c1: {  	[tilespmem:v21+s14+$0x0] =	vst.idx.add.f32.msk $0xffff, v24;
	v21 =	vor.u32 v3, v10  }
0x2c2: {  	v22 =	vor.u32 v5, v13  }
0x2c3: {  	v12 =	vor.u32 v7, v12;
	v24 =	vld.idx.msk [tilespmem:v26+s17+$0x0], $0xffff  }
0x2c4: {  	[tilespmem:v17+s14+$0x0] =	vst.idx.add.f32.msk $0xffff, v20;
	v17 =	vor.u32 v5, v16  }
0x2c5: {  	[tilespmem:v23+s14+$0x0] =	vst.idx.add.f32.msk $0xffff, v18;
	v18 =	vor.u32 v4, v8  }
0x2c6: {  	v23 =	vor.u32 v6, v30;
	[tilespmem:v21+s14+$0x0] =	vst.idx.add.f32.msk $0xffff, v19  }
0x2c7: {  	v25 =	vld.idx.msk [tilespmem:v22+s17+$0x0], $0xffff;
	v19 =	vor.u32 v6, v14  }
0x2c8: {  	v15 =	vor.u32 v7, v15;
	v28 =	vld.idx.msk [tilespmem:v12+s17+$0x0], $0xffff  }
0x2c9: {  	[tilespmem:v17+s14+$0x0] =	vst.idx.add.f32.msk $0xffff, v24  }
0x2ca: {  	v27 =	vor.u32 v5, v9;
	v26 =	vor.u32 v4, v10;
	v24 =	vld.idx.msk [tilespmem:v18+s17+$0x0], $0xffff  }
0x2cb: {  	v20 =	vor.u32 v7, v13;
	v21 =	vor.u32 v6, v8;
	v18 =	vor.u32 v6, v13;
	v22 =	vld.idx.msk [tilespmem:v23+s17+$0x0], $0xffff  }
0x2cc: {  	v12 =	vor.u32 v7, v30;
	v17 =	vor.u32 v6, v9;
	v23 =	vor.u32 v6, v16;
	v19 =	vld.idx.msk [tilespmem:v19+s17+$0x0], $0xffff  }
0x2cd: {  	s23 =	simm.s32 $0x8;
	[tilespmem:v15+s14+$0x0] =	vst.idx.add.f32.msk $0xffff, v28;
	v15 =	vor.u32 v7, v14;
	v28 =	vor.u32 v5, v8  }
.LBB2_7:
0x2ce: {  	s24 =	sadd.s32 $0x1, s23  }
0x2cf: {  	v13 =	vmov s23;
	s25 =	sadd.s32 $0x7, s23;
	[tilespmem:v27+s14+$0x0] =	vst.idx.add.f32.msk $0xffff, v25;
	v25 =	vor.u32 v6, v11;
	v27 =	vor.u32 v5, v10;
	s26 =	smov.u32 s23;
	s22 =	sadd.s32 $0x8, s23  }
0x2d0: {  	p0 =	slt.u32 s23, $0x78;
	v29 =	vor.u32 $0x100, v13;
	v13 =	vshll.u32 v13, $0x7;
	v14 =	vmov s24;
	s24 =	sadd.s32 $0x2, s26;
	v30 =	vld.idx.msk [tilespmem:v18+s17+$0x0], $0xffff  }
0x2d1: {  	s23 =	sadd.s32 $0x3, s26;
	v32 =	vmov s25;
	v31 =	vor.u32 $0x100, v14;
	v18 =	vshll.u32 v14, $0x7;
	[tilespmem:v26+s14+$0x0] =	vst.idx.add.f32.msk $0xffff, v24  }
0x2d2: {  	v24 =	vmov s24;
	v26 =	vmov s23;
	s23 =	sadd.s32 $0x4, s26;
	v33 =	vor.u32 $0x100, v32;
	[tilespmem:v23+s14+$0x0] =	vst.idx.add.f32.msk $0xffff, v22  }
0x2d3: {  	v14 =	vshll.u32 v24, $0x7;
	v34 =	vor.u32 $0x100, v26;
	v22 =	vmov s23;
	s23 =	sadd.s32 $0x5, s26;
	v23 =	vld.idx.msk [tilespmem:v28+s17+$0x0], $0xffff  }
0x2d4: {  	v28 =	vor.u32 v0, v13;
	v35 =	vor.u32 $0x100, v22;
	v36 =	vmov s23;
	s23 =	sadd.s32 $0x6, s26;
	v37 =	vld.idx.msk [tilespmem:v12+s17+$0x0], $0xffff  }
0x2d5: {  	v32 =	vshll.u32 v32, $0x7;
	v38 =	vor.u32 $0x100, v36;
	v12 =	vmov s23;
	[tilespmem:v25+s14+$0x0] =	vst.idx.add.f32.msk $0xffff, v19  }
0x2d6: {  	v39 =	vor.u32 v0, v32;
	v25 =	vor.u32 $0x100, v12;
	v19 =	vshll.u32 v12, $0x7;
	[tilespmem:v17+s14+$0x0] =	vst.idx.add.f32.msk $0xffff, v30  }
0x2d7: {  	v12 =	vor.u32 v7, v14;
	v30 =	vor.u32 v0, v18;
	v29 =	vld.idx.msk [tilespmem:v29+s2+$0x0], $0xffff  }
0x2d8: {  	v24 =	vor.u32 $0x100, v24;
	v17 =	vshll.u32 v26, $0x7;
	v26 =	vld.idx.msk [tilespmem:v15+s17+$0x0], $0xffff  }
0x2d9: {  	v16 =	vor.u32 v7, v16;
	v40 =	vor.u32 v0, v17;
	[tilespmem:v27+s14+$0x0] =	vst.idx.add.f32.msk $0xffff, v23  }
0x2da: {  	v11 =	vor.u32 v7, v11;
	v15 =	vshll.u32 v36, $0x7;
	v21 =	vld.idx.msk [tilespmem:v21+s17+$0x0], $0xffff  }
0x2db: {  	v23 =	vshll.u32 v22, $0x7;
	v27 =	vor.u32 v0, v15;
	v20 =	vld.idx.msk [tilespmem:v20+s17+$0x0], $0xffff  }
0x2dc: {  	v22 =	vld.idx.msk [tilespmem:v35+s2+$0x0], $0xffff;
	v35 =	vor.u32 v0, v23  }
0x2dd: {  	v41 =	vor.u32 v6, v10;
	v36 =	vor.u32 v0, v19;
	v31 =	vld.idx.msk [tilespmem:v31+s2+$0x0], $0xffff  }
0x2de: {  	v29 =	vshll.u32 v29, $0x7;
	[tilespmem:v16+s14+$0x0] =	vst.idx.add.f32.msk $0xffff, v37;
	v16 =	vor.u32 v7, v8;
	v8 =	vmov v32  }
0x2df: {  	v32 =	vor.u32 v0, v29;
	[tilespmem:v11+s14+$0x0] =	vst.idx.add.f32.msk $0xffff, v26  }
0x2e0: {  	v37 =	vor.u32 v1, v8;
	v11 =	vld.idx.msk [tilespmem:v28+s17+$0x0], $0xffff;
	v28 =	vor.u32 v1, v17  }
0x2e1: {  	v42 =	vor.u32 v7, v9;
	v9 =	vmov v29;
	v26 =	vor.u32 v1, v13;
	v33 =	vld.idx.msk [tilespmem:v33+s2+$0x0], $0xffff  }
0x2e2: {  	v29 =	vor.u32 v1, v15;
	[tilespmem:v41+s14+$0x0] =	vst.idx.add.f32.msk $0xffff, v21  }
0x2e3: {  	v16 =	vld.idx.msk [tilespmem:v16+s17+$0x0], $0xffff  }
0x2e4: {  	v43 =	vor.u32 v7, v10;
	v41 =	vor.u32 v1, v19;
	v35 =	vld.idx.msk [tilespmem:v35+s17+$0x0], $0xffff  }
0x2e5: {  	v21 =	vshll.u32 v31, $0x7;
	v31 =	vld.idx.msk [tilespmem:v25+s2+$0x0], $0xffff  }
0x2e6: {  	v44 =	vor.u32 v1, v23;
	[tilespmem:v42+s14+$0x0] =	vst.idx.add.f32.msk $0xffff, v20  }
0x2e7: {  	v25 =	vshll.u32 v22, $0x7;
	v10 =	vshll.u32 v33, $0x7;
	v20 =	vld.idx.msk [tilespmem:v38+s2+$0x0], $0xffff  }
0x2e8: {  	v33 =	vld.idx.msk [tilespmem:v39+s17+$0x0], $0xffff  }
0x2e9: {  	v38 =	vor.u32 v2, v15;
	[tilespmem:v43+s14+$0x0] =	vst.idx.add.f32.msk $0xffff, v16  }
0x2ea: {  	v39 =	vor.u32 v0, v25;
	v16 =	vor.u32 v0, v14;
	v30 =	vld.idx.msk [tilespmem:v30+s17+$0x0], $0xffff  }
0x2eb: {  	v22 =	vshll.u32 v31, $0x7;
	[tilespmem:v32+s14+$0x0] =	vst.idx.add.f32.msk $0xffff, v11;
	v32 =	vor.u32 v0, v21  }
0x2ec: {  	v31 =	vld.idx.msk [tilespmem:v34+s2+$0x0], $0xffff;
	v34 =	vor.u32 v0, v10  }
0x2ed: {  	v42 =	vor.u32 v2, v23;
	v27 =	vld.idx.msk [tilespmem:v27+s17+$0x0], $0xffff  }
0x2ee: {  	v43 =	vor.u32 v1, v18;
	v36 =	vld.idx.msk [tilespmem:v36+s17+$0x0], $0xffff  }
0x2ef: {  	[tilespmem:v39+s14+$0x0] =	vst.idx.add.f32.msk $0xffff, v35  }
0x2f0: {  	v45 =	vor.u32 v2, v19;
	v39 =	vor.u32 v0, v22;
	v35 =	vld.idx.msk [tilespmem:v26+s17+$0x0], $0xffff  }
0x2f1: {  	v11 =	vshll.u32 v20, $0x7;
	v26 =	vor.u32 v2, v17;
	[tilespmem:v34+s14+$0x0] =	vst.idx.add.f32.msk $0xffff, v33  }
0x2f2: {  	v20 =	vshll.u32 v31, $0x7;
	v31 =	vor.u32 v3, v15;
	[tilespmem:v32+s14+$0x0] =	vst.idx.add.f32.msk $0xffff, v30;
	v30 =	vor.u32 v0, v11  }
0x2f3: {  	v32 =	vld.idx.msk [tilespmem:v43+s17+$0x0], $0xffff  }
0x2f4: {  	v33 =	vor.u32 v1, v21;
	v34 =	vld.idx.msk [tilespmem:v40+s17+$0x0], $0xffff  }
0x2f5: {  	v43 =	vor.u32 v0, v20;
	v40 =	vor.u32 v2, v18;
	[tilespmem:v39+s14+$0x0] =	vst.idx.add.f32.msk $0xffff, v36  }
0x2f6: {  	v39 =	vor.u32 v3, v23;
	v36 =	vld.idx.msk [tilespmem:v44+s17+$0x0], $0xffff  }
0x2f7: {  	v44 =	vor.u32 v1, v25;
	[tilespmem:v30+s14+$0x0] =	vst.idx.add.f32.msk $0xffff, v27  }
0x2f8: {  	v30 =	vor.u32 v3, v19;
	v29 =	vld.idx.msk [tilespmem:v29+s17+$0x0], $0xffff  }
0x2f9: {  	[tilespmem:v33+s14+$0x0] =	vst.idx.add.f32.msk $0xffff, v32  }
0x2fa: {  	v27 =	vor.u32 v3, v17;
	[tilespmem:v43+s14+$0x0] =	vst.idx.add.f32.msk $0xffff, v34  }
0x2fb: {  	v32 =	vor.u32 v2, v21;
	v33 =	vor.u32 v1, v11;
	v28 =	vld.idx.msk [tilespmem:v28+s17+$0x0], $0xffff  }
0x2fc: {  	[tilespmem:v44+s14+$0x0] =	vst.idx.add.f32.msk $0xffff, v36  }
0x2fd: {  	v34 =	vor.u32 v1, v9;
	v36 =	vld.idx.msk [tilespmem:v41+s17+$0x0], $0xffff  }
0x2fe: {  	v37 =	vld.idx.msk [tilespmem:v37+s17+$0x0], $0xffff  }
0x2ff: {  	v41 =	vld.idx.msk [tilespmem:v42+s17+$0x0], $0xffff;
	v42 =	vor.u32 v1, v22  }
0x300: {  	[tilespmem:v33+s14+$0x0] =	vst.idx.add.f32.msk $0xffff, v29  }
0x301: {  	v33 =	vor.u32 v2, v25;
	v29 =	vld.idx.msk [tilespmem:v40+s17+$0x0], $0xffff;
	v40 =	vor.u32 v4, v23  }
0x302: {  	[tilespmem:v34+s14+$0x0] =	vst.idx.add.f32.msk $0xffff, v35;
	v34 =	vor.u32 v3, v21;
	v35 =	vor.u32 v1, v10  }
0x303: {  	v38 =	vld.idx.msk [tilespmem:v38+s17+$0x0], $0xffff  }
0x304: {  	v43 =	vor.u32 v3, v18;
	[tilespmem:v42+s14+$0x0] =	vst.idx.add.f32.msk $0xffff, v36  }
0x305: {  	v36 =	vld.idx.msk [tilespmem:v45+s17+$0x0], $0xffff  }
0x306: {  	[tilespmem:v33+s14+$0x0] =	vst.idx.add.f32.msk $0xffff, v41;
	v33 =	vor.u32 v2, v11  }
0x307: {  	[tilespmem:v35+s14+$0x0] =	vst.idx.add.f32.msk $0xffff, v37  }
0x308: {  	[tilespmem:v32+s14+$0x0] =	vst.idx.add.f32.msk $0xffff, v29;
	v29 =	vor.u32 v2, v22  }
0x309: {  	v35 =	vor.u32 v4, v21;
	v32 =	vld.idx.msk [tilespmem:v43+s17+$0x0], $0xffff  }
0x30a: {  	v37 =	vld.idx.msk [tilespmem:v39+s17+$0x0], $0xffff  }
0x30b: {  	v39 =	vor.u32 v4, v18;
	[tilespmem:v33+s14+$0x0] =	vst.idx.add.f32.msk $0xffff, v38  }
0x30c: {  	v33 =	vor.u32 v3, v25;
	v31 =	vld.idx.msk [tilespmem:v31+s17+$0x0], $0xffff  }
0x30d: {  	[tilespmem:v29+s14+$0x0] =	vst.idx.add.f32.msk $0xffff, v36  }
0x30e: {  	v29 =	vor.u32 v3, v11;
	v30 =	vld.idx.msk [tilespmem:v30+s17+$0x0], $0xffff  }
0x30f: {  	[tilespmem:v34+s14+$0x0] =	vst.idx.add.f32.msk $0xffff, v32;
	v32 =	vor.u32 v3, v22  }
0x310: {  	v36 =	vor.u32 v4, v19;
	v34 =	vld.idx.msk [tilespmem:v39+s17+$0x0], $0xffff  }
0x311: {  	[tilespmem:v33+s14+$0x0] =	vst.idx.add.f32.msk $0xffff, v37  }
0x312: {  	v33 =	vor.u32 v5, v18;
	v37 =	vld.idx.msk [tilespmem:v40+s17+$0x0], $0xffff  }
0x313: {  	v38 =	vor.u32 v4, v25;
	[tilespmem:v29+s14+$0x0] =	vst.idx.add.f32.msk $0xffff, v31  }
0x314: {  	[tilespmem:v32+s14+$0x0] =	vst.idx.add.f32.msk $0xffff, v30  }
0x315: {  	v29 =	vor.u32 v5, v23;
	v30 =	vld.idx.msk [tilespmem:v36+s17+$0x0], $0xffff  }
0x316: {  	v31 =	vor.u32 v4, v15;
	[tilespmem:v35+s14+$0x0] =	vst.idx.add.f32.msk $0xffff, v34  }
0x317: {  	v32 =	vld.idx.msk [tilespmem:v33+s17+$0x0], $0xffff;
	v33 =	vor.u32 v4, v22  }
0x318: {  	v34 =	vor.u32 v5, v19;
	[tilespmem:v38+s14+$0x0] =	vst.idx.add.f32.msk $0xffff, v37  }
0x319: {  	v24 =	vld.idx.msk [tilespmem:v24+s2+$0x0], $0xffff  }
0x31a: {  	v35 =	vor.u32 v5, v21;
	v29 =	vld.idx.msk [tilespmem:v29+s17+$0x0], $0xffff  }
0x31b: {  	v36 =	vor.u32 v1, v20;
	v31 =	vld.idx.msk [tilespmem:v31+s17+$0x0], $0xffff  }
0x31c: {  	v37 =	vor.u32 v5, v25;
	[tilespmem:v33+s14+$0x0] =	vst.idx.add.f32.msk $0xffff, v30  }
0x31d: {  	v30 =	vor.u32 v6, v23;
	v33 =	vld.idx.msk [tilespmem:v34+s17+$0x0], $0xffff  }
0x31e: {  	v38 =	vor.u32 v5, v22;
	v34 =	vld.idx.msk [tilespmem:v16+s17+$0x0], $0xffff  }
0x31f: {  	v16 =	vshll.u32 v24, $0x7;
	v24 =	vor.u32 v6, v19;
	[tilespmem:v35+s14+$0x0] =	vst.idx.add.f32.msk $0xffff, v32  }
0x320: {  	v32 =	vor.u32 v0, v16;
	[tilespmem:v36+s14+$0x0] =	vst.idx.add.f32.msk $0xffff, v28  }
0x321: {  	v28 =	vor.u32 v1, v14;
	[tilespmem:v37+s14+$0x0] =	vst.idx.add.f32.msk $0xffff, v29  }
0x322: {  	v29 =	vld.idx.msk [tilespmem:v30+s17+$0x0], $0xffff  }
0x323: {  	v30 =	vor.u32 v6, v25;
	[tilespmem:v38+s14+$0x0] =	vst.idx.add.f32.msk $0xffff, v33  }
0x324: {  	v23 =	vor.u32 v7, v23;
	v24 =	vld.idx.msk [tilespmem:v24+s17+$0x0], $0xffff  }
0x325: {  	[tilespmem:v32+s14+$0x0] =	vst.idx.add.f32.msk $0xffff, v34;
	v32 =	vor.u32 v6, v22  }
0x326: {  	v33 =	vor.u32 v4, v11;
	v28 =	vld.idx.msk [tilespmem:v28+s17+$0x0], $0xffff  }
0x327: {  	v34 =	vor.u32 v1, v16;
	v26 =	vld.idx.msk [tilespmem:v26+s17+$0x0], $0xffff  }
0x328: {  	v35 =	vor.u32 v2, v20;
	[tilespmem:v30+s14+$0x0] =	vst.idx.add.f32.msk $0xffff, v29  }
0x329: {  	v23 =	vld.idx.msk [tilespmem:v23+s17+$0x0], $0xffff  }
0x32a: {  	v25 =	vor.u32 v7, v25;
	[tilespmem:v32+s14+$0x0] =	vst.idx.add.f32.msk $0xffff, v24  }
0x32b: {  	v24 =	vor.u32 v2, v14;
	[tilespmem:v33+s14+$0x0] =	vst.idx.add.f32.msk $0xffff, v31  }
0x32c: {  	v29 =	vor.u32 v6, v18;
	[tilespmem:v34+s14+$0x0] =	vst.idx.add.f32.msk $0xffff, v28  }
0x32d: {  	v28 =	vor.u32 v2, v13;
	[tilespmem:v35+s14+$0x0] =	vst.idx.add.f32.msk $0xffff, v26  }
0x32e: {  	v26 =	vld.idx.msk [tilespmem:v27+s17+$0x0], $0xffff;
	v27 =	vor.u32 v5, v15  }
0x32f: {  	v19 =	vor.u32 v7, v19;
	[tilespmem:v25+s14+$0x0] =	vst.idx.add.f32.msk $0xffff, v23  }
0x330: {  	v23 =	vld.idx.msk [tilespmem:v24+s17+$0x0], $0xffff;
	v24 =	vor.u32 v2, v8  }
0x331: {  	v25 =	vld.idx.msk [tilespmem:v29+s17+$0x0], $0xffff;
	v29 =	vor.u32 v3, v20  }
0x332: {  	v30 =	vor.u32 v2, v16;
	v28 =	vld.idx.msk [tilespmem:v28+s17+$0x0], $0xffff  }
0x333: {  	v31 =	vor.u32 v3, v14;
	v27 =	vld.idx.msk [tilespmem:v27+s17+$0x0], $0xffff  }
0x334: {  	v32 =	vor.u32 v4, v17;
	v19 =	vld.idx.msk [tilespmem:v19+s17+$0x0], $0xffff  }
0x335: {  	v33 =	vor.u32 v6, v21;
	v24 =	vld.idx.msk [tilespmem:v24+s17+$0x0], $0xffff  }
0x336: {  	v18 =	vor.u32 v7, v18;
	[tilespmem:v29+s14+$0x0] =	vst.idx.add.f32.msk $0xffff, v26  }
0x337: {  	v26 =	vor.u32 v2, v9;
	[tilespmem:v30+s14+$0x0] =	vst.idx.add.f32.msk $0xffff, v23  }
0x338: {  	v23 =	vor.u32 v3, v13;
	v29 =	vld.idx.msk [tilespmem:v31+s17+$0x0], $0xffff  }
0x339: {  	v30 =	vor.u32 v3, v16;
	v31 =	vld.idx.msk [tilespmem:v32+s17+$0x0], $0xffff;
	v32 =	vor.u32 v5, v11  }
0x33a: {  	v22 =	vor.u32 v7, v22;
	[tilespmem:v33+s14+$0x0] =	vst.idx.add.f32.msk $0xffff, v25  }
0x33b: {  	v25 =	vor.u32 v4, v20;
	v18 =	vld.idx.msk [tilespmem:v18+s17+$0x0], $0xffff  }
0x33c: {  	[tilespmem:v26+s14+$0x0] =	vst.idx.add.f32.msk $0xffff, v28;
	v26 =	vor.u32 v5, v17  }
0x33d: {  	v21 =	vor.u32 v7, v21;
	v23 =	vld.idx.msk [tilespmem:v23+s17+$0x0], $0xffff  }
0x33e: {  	[tilespmem:v32+s14+$0x0] =	vst.idx.add.f32.msk $0xffff, v27  }
0x33f: {  	v27 =	vor.u32 v4, v14;
	[tilespmem:v22+s14+$0x0] =	vst.idx.add.f32.msk $0xffff, v19  }
0x340: {  	v19 =	vor.u32 v3, v9;
	v22 =	vor.u32 v4, v16;
	[tilespmem:v25+s14+$0x0] =	vst.idx.add.f32.msk $0xffff, v31  }
0x341: {  	v25 =	vor.u32 v4, v13;
	v26 =	vld.idx.msk [tilespmem:v26+s17+$0x0], $0xffff  }
0x342: {  	[tilespmem:v21+s14+$0x0] =	vst.idx.add.f32.msk $0xffff, v18;
	v18 =	vor.u32 v5, v20  }
0x343: {  	v21 =	vor.u32 v6, v17;
	[tilespmem:v30+s14+$0x0] =	vst.idx.add.f32.msk $0xffff, v29  }
0x344: {  	v28 =	vor.u32 v2, v10;
	v27 =	vld.idx.msk [tilespmem:v27+s17+$0x0], $0xffff  }
0x345: {  	[tilespmem:v19+s14+$0x0] =	vst.idx.add.f32.msk $0xffff, v23;
	v19 =	vor.u32 v3, v8  }
0x346: {  	v23 =	vld.idx.msk [tilespmem:v25+s17+$0x0], $0xffff  }
0x347: {  	v25 =	vor.u32 v5, v14;
	[tilespmem:v18+s14+$0x0] =	vst.idx.add.f32.msk $0xffff, v26  }
0x348: {  	v18 =	vor.u32 v4, v9;
	v21 =	vld.idx.msk [tilespmem:v21+s17+$0x0], $0xffff  }
0x349: {  	v26 =	vor.u32 v6, v20;
	[tilespmem:v28+s14+$0x0] =	vst.idx.add.f32.msk $0xffff, v24  }
0x34a: {  	v17 =	vor.u32 v7, v17;
	v19 =	vld.idx.msk [tilespmem:v19+s17+$0x0], $0xffff  }
0x34b: {  	[tilespmem:v22+s14+$0x0] =	vst.idx.add.f32.msk $0xffff, v27;
	v22 =	vor.u32 v3, v10  }
0x34c: {  	v24 =	vor.u32 v5, v13;
	v28 =	vld.idx.msk [tilespmem:v25+s17+$0x0], $0xffff  }
0x34d: {  	[tilespmem:v18+s14+$0x0] =	vst.idx.add.f32.msk $0xffff, v23;
	v18 =	vor.u32 v5, v16  }
0x34e: {  	[tilespmem:v26+s14+$0x0] =	vst.idx.add.f32.msk $0xffff, v21;
	v21 =	vor.u32 v4, v8  }
0x34f: {  	v14 =	vor.u32 v6, v14;
	v17 =	vld.idx.msk [tilespmem:v17+s17+$0x0], $0xffff  }
0x350: {  	v29 =	vor.u32 v7, v20;
	[tilespmem:v22+s14+$0x0] =	vst.idx.add.f32.msk $0xffff, v19  }
0x351: {  	v19 =	vor.u32 v6, v15;
	v25 =	vld.idx.msk [tilespmem:v24+s17+$0x0], $0xffff  }
.Ltmp3:
0x352: {  	v27 =	vor.u32 v5, v9;
	[tilespmem:v18+s14+$0x0] =	vst.idx.add.f32.msk $0xffff, v28;
	(pc) =	sbr.rel @p0 .LBB2_7-.Ltmp3, $4  }
0x353: {  	v18 =	vor.u32 v6, v13;
	v24 =	vld.idx.msk [tilespmem:v21+s17+$0x0], $0xffff  }
0x354: {  	v20 =	vor.u32 v7, v13;
	v26 =	vor.u32 v4, v10;
	v22 =	vld.idx.msk [tilespmem:v14+s17+$0x0], $0xffff  }
0x355: {  	v23 =	vor.u32 v6, v16;
	v21 =	vor.u32 v6, v8;
	[tilespmem:v29+s14+$0x0] =	vst.idx.add.f32.msk $0xffff, v17  }
0x356: {  	s23 =	smov.u32 s22;
	v15 =	vor.u32 v7, v15;
	v28 =	vor.u32 v5, v8;
	v17 =	vor.u32 v6, v9;
	v19 =	vld.idx.msk [tilespmem:v19+s17+$0x0], $0xffff  }
0x357: {  	_ =	sdelay $0x3  }
0x358: {  	[tilespmem:v26+s14+$0x0] =	vst.idx.add.f32.msk $0xffff, v24  }
0x359: {  	v13 =	vor.u32 v5, v10;
	v14 =	vld.idx.msk [tilespmem:v28+s17+$0x0], $0xffff  }
0x35a: {  	[tilespmem:v27+s14+$0x0] =	vst.idx.add.f32.msk $0xffff, v25  }
0x35b: {  	v24 =	vor.u32 v6, v11;
	v18 =	vld.idx.msk [tilespmem:v18+s17+$0x0], $0xffff  }
0x35c: {  	[tilespmem:v23+s14+$0x0] =	vst.idx.add.f32.msk $0xffff, v22  }
0x35d: {  	v12 =	vld.idx.msk [tilespmem:v12+s17+$0x0], $0xffff  }
0x35e: {  	[tilespmem:v13+s14+$0x0] =	vst.idx.add.f32.msk $0xffff, v14  }
0x35f: {  	v14 =	vor.u32 v6, v10;
	v13 =	vld.idx.msk [tilespmem:v21+s17+$0x0], $0xffff  }
0x360: {  	v8 =	vor.u32 v7, v8;
	[tilespmem:v24+s14+$0x0] =	vst.idx.add.f32.msk $0xffff, v19  }
0x361: {  	[tilespmem:v17+s14+$0x0] =	vst.idx.add.f32.msk $0xffff, v18  }
0x362: {  	v16 =	vor.u32 v7, v16;
	v15 =	vld.idx.msk [tilespmem:v15+s17+$0x0], $0xffff  }
0x363: {  	v11 =	vor.u32 v7, v11;
	v17 =	vld.idx.msk [tilespmem:v20+s17+$0x0], $0xffff  }
0x364: {  	v9 =	vor.u32 v7, v9;
	[tilespmem:v14+s14+$0x0] =	vst.idx.add.f32.msk $0xffff, v13  }
0x365: {  	v10 =	vor.u32 v7, v10;
	v8 =	vld.idx.msk [tilespmem:v8+s17+$0x0], $0xffff;
	_ =	sdelay $0x1  }
0x366: {  	[tilespmem:v16+s14+$0x0] =	vst.idx.add.f32.msk $0xffff, v12  }
0x367: {  	s22 =	simm.s32 $0x0;
	[tilespmem:v11+s14+$0x0] =	vst.idx.add.f32.msk $0xffff, v15  }
0x368: {  	s23 =	simm.s32 $0x1;
	[tilespmem:v9+s14+$0x0] =	vst.idx.add.f32.msk $0xffff, v17;
	v9 =	vmov s22  }
0x369: {  	v11 =	vmov s23;
	[tilespmem:v10+s14+$0x0] =	vst.idx.add.f32.msk $0xffff, v8;
	v8 =	vor.u32 $0x180, v9  }
0x36a: {  	s26 =	simm.s32 $0x7;
	v13 =	vshll.u32 v9, $0x7;
	v9 =	vor.u32 $0x180, v11;
	_ =	swait.ge [sflag:s20], $0x4000  }
0x36b: {  	s25 =	simm.s32 $0x4;
	v14 =	vmov s26;
	v15 =	vor.u32 v0, v13;
	[sflag:s20] =	ssyncset.done $0x0  }
0x36c: {  	s29 =	simm.s32 $0x5;
	v16 =	vor.u32 $0x180, v14;
	v10 =	vmov s25;
	[sflag:s20] =	ssyncadd.s32 $0xFFFFC000  }
0x36d: {  	v20 =	vmov s29;
	v12 =	vor.u32 $0x180, v10;
	[tilespmem:s17], [sflag:$0x1] =	stream.strided.gather [hbm4b:s8+s15], $0x4000, s16, s15, $0x38;
	[tilespmem:$0x18300] =	vst v63  }
0x36e: {  	s28 =	simm.s32 $0x6;
	v23 =	vor.u32 $0x180, v20;
	v21 =	vshll.u32 v10, $0x7;
	v18 =	vld.idx.msk [tilespmem:v8+s2+$0x0], $0xffff  }
0x36f: {  	v10 =	vmov s28;
	v19 =	vor.u32 v0, v21;
	v24 =	vld.idx.msk [tilespmem:v9+s2+$0x0], $0xffff  }
0x370: {  	v17 =	vshll.u32 v11, $0x7;
	v22 =	vor.u32 $0x180, v10;
	v15 =	vld.idx.msk [tilespmem:v15+s19+$0x0], $0xffff  }
0x371: {  	v25 =	vor.u32 v0, v17;
	v8 =	vshll.u32 v14, $0x7;
	v16 =	vld.idx.msk [tilespmem:v16+s2+$0x0], $0xffff  }
0x372: {  	v14 =	vshll.u32 v20, $0x7;
	v12 =	vld.idx.msk [tilespmem:v12+s2+$0x0], $0xffff;
	v11 =	vor.u32 v0, v8  }
0x373: {  	s30 =	simm.s32 $0x3;
	v23 =	vld.idx.msk [tilespmem:v23+s2+$0x0], $0xffff;
	v29 =	vor.u32 v0, v14;
	v9 =	vshll.u32 v18, $0x7  }
0x374: {  	v26 =	vmov s30;
	v27 =	vld.idx.msk [tilespmem:v19+s19+$0x0], $0xffff;
	v18 =	vor.u32 v0, v9  }
0x375: {  	v20 =	vshll.u32 v10, $0x7;
	v19 =	vor.u32 $0x180, v26;
	v28 =	vld.idx.msk [tilespmem:v22+s2+$0x0], $0xffff  }
0x376: {  	v25 =	vld.idx.msk [tilespmem:v25+s19+$0x0], $0xffff;
	v30 =	vor.u32 v0, v20;
	v10 =	vshll.u32 v16, $0x7  }
0x377: {  	v22 =	vshll.u32 v12, $0x7;
	v31 =	vld.idx.msk [tilespmem:v11+s19+$0x0], $0xffff;
	v16 =	vor.u32 v0, v10  }
0x378: {  	v29 =	vld.idx.msk [tilespmem:v29+s19+$0x0], $0xffff;
	v11 =	vor.u32 v0, v22  }
0x379: {  	v32 =	vor.u32 v1, v13;
	[tilespmem:v18+s14+$0x0] =	vst.idx.add.f32.msk $0xffff, v15;
	v18 =	vshll.u32 v24, $0x7  }
0x37a: {  	v15 =	vld.idx.msk [tilespmem:v19+s2+$0x0], $0xffff;
	v19 =	vshll.u32 v28, $0x7;
	v24 =	vor.u32 v0, v18  }
0x37b: {  	v30 =	vld.idx.msk [tilespmem:v30+s19+$0x0], $0xffff;
	v28 =	vor.u32 v0, v19  }
0x37c: {  	v52 =	vor.u32 v1, v21;
	[tilespmem:v16+s14+$0x0] =	vst.idx.add.f32.msk $0xffff, v31  }
0x37d: {  	v12 =	vshll.u32 v26, $0x7;
	v26 =	vor.u32 v1, v17;
	[tilespmem:v11+s14+$0x0] =	vst.idx.add.f32.msk $0xffff, v27  }
0x37e: {  	v33 =	vor.u32 v0, v12;
	v27 =	vld.idx.msk [tilespmem:v32+s19+$0x0], $0xffff;
	v11 =	vshll.u32 v23, $0x7  }
0x37f: {  	v16 =	vor.u32 v0, v11;
	[tilespmem:v24+s14+$0x0] =	vst.idx.add.f32.msk $0xffff, v25  }
0x380: {  	v23 =	vor.u32 v1, v14;
	[tilespmem:v28+s14+$0x0] =	vst.idx.add.f32.msk $0xffff, v30  }
0x381: {  	v53 =	vor.u32 v1, v22;
	v30 =	vld.idx.msk [tilespmem:v52+s19+$0x0], $0xffff  }
0x382: {  	v15 =	vshll.u32 v15, $0x7;
	v25 =	vor.u32 v1, v18;
	v24 =	vld.idx.msk [tilespmem:v26+s19+$0x0], $0xffff  }
0x383: {  	v31 =	vor.u32 v0, v15;
	v26 =	vld.idx.msk [tilespmem:v33+s19+$0x0], $0xffff  }
0x384: {  	[tilespmem:v16+s14+$0x0] =	vst.idx.add.f32.msk $0xffff, v29;
	v16 =	vor.u32 v1, v20  }
0x385: {  	v29 =	vor.u32 v1, v8;
	v23 =	vld.idx.msk [tilespmem:v23+s19+$0x0], $0xffff  }
0x386: {  	v28 =	vor.u32 v1, v12;
	[tilespmem:v53+s14+$0x0] =	vst.idx.add.f32.msk $0xffff, v30  }
0x387: {  	v30 =	vor.u32 v1, v9;
	[tilespmem:v25+s14+$0x0] =	vst.idx.add.f32.msk $0xffff, v24  }
0x388: {  	v24 =	vor.u32 v2, v21;
	[tilespmem:v31+s14+$0x0] =	vst.idx.add.f32.msk $0xffff, v26  }
0x389: {  	v26 =	vor.u32 v1, v11;
	v16 =	vld.idx.msk [tilespmem:v16+s19+$0x0], $0xffff  }
0x38a: {  	v54 =	vor.u32 v1, v19;
	v29 =	vld.idx.msk [tilespmem:v29+s19+$0x0], $0xffff  }
0x38b: {  	v25 =	vld.idx.msk [tilespmem:v28+s19+$0x0], $0xffff;
	v28 =	vor.u32 v2, v17  }
0x38c: {  	v31 =	vor.u32 v2, v14;
	[tilespmem:v30+s14+$0x0] =	vst.idx.add.f32.msk $0xffff, v27  }
0x38d: {  	v55 =	vor.u32 v2, v20;
	v24 =	vld.idx.msk [tilespmem:v24+s19+$0x0], $0xffff  }
0x38e: {  	v59 =	vor.u32 v1, v15;
	[tilespmem:v26+s14+$0x0] =	vst.idx.add.f32.msk $0xffff, v23  }
0x38f: {  	v26 =	vor.u32 v2, v22;
	[tilespmem:v54+s14+$0x0] =	vst.idx.add.f32.msk $0xffff, v16  }
0x390: {  	v27 =	vor.u32 v1, v10;
	v23 =	vld.idx.msk [tilespmem:v28+s19+$0x0], $0xffff  }
0x391: {  	v28 =	vor.u32 v2, v18;
	v30 =	vld.idx.msk [tilespmem:v31+s19+$0x0], $0xffff  }
0x392: {  	v16 =	vor.u32 v3, v21;
	v32 =	vld.idx.msk [tilespmem:v55+s19+$0x0], $0xffff  }
0x393: {  	v31 =	vor.u32 v3, v17;
	[tilespmem:v59+s14+$0x0] =	vst.idx.add.f32.msk $0xffff, v25  }
0x394: {  	[tilespmem:v26+s14+$0x0] =	vst.idx.add.f32.msk $0xffff, v24;
	v24 =	vor.u32 v2, v11  }
0x395: {  	[tilespmem:v27+s14+$0x0] =	vst.idx.add.f32.msk $0xffff, v29;
	v26 =	vor.u32 v3, v14  }
0x396: {  	[tilespmem:v28+s14+$0x0] =	vst.idx.add.f32.msk $0xffff, v23;
	v23 =	vor.u32 v2, v19  }
0x397: {  	v27 =	vor.u32 v3, v20;
	v16 =	vld.idx.msk [tilespmem:v16+s19+$0x0], $0xffff  }
0x398: {  	v29 =	vor.u32 v3, v18;
	v28 =	vld.idx.msk [tilespmem:v31+s19+$0x0], $0xffff  }
0x399: {  	v31 =	vor.u32 v4, v17;
	[tilespmem:v24+s14+$0x0] =	vst.idx.add.f32.msk $0xffff, v30  }
0x39a: {  	v24 =	vor.u32 v3, v22;
	v26 =	vld.idx.msk [tilespmem:v26+s19+$0x0], $0xffff  }
0x39b: {  	v30 =	vor.u32 v4, v21;
	[tilespmem:v23+s14+$0x0] =	vst.idx.add.f32.msk $0xffff, v32  }
0x39c: {  	v23 =	vor.u32 v3, v11;
	v27 =	vld.idx.msk [tilespmem:v27+s19+$0x0], $0xffff  }
0x39d: {  	[tilespmem:v29+s14+$0x0] =	vst.idx.add.f32.msk $0xffff, v28;
	v28 =	vor.u32 v3, v19  }
0x39e: {  	v29 =	vld.idx.msk [tilespmem:v31+s19+$0x0], $0xffff;
	v31 =	vor.u32 v4, v20  }
0x39f: {  	v56 =	vor.u32 v4, v18;
	[tilespmem:v24+s14+$0x0] =	vst.idx.add.f32.msk $0xffff, v16  }
0x3a0: {  	s31 =	simm.s32 $0x2;
	v16 =	vor.u32 v5, v17;
	v24 =	vld.idx.msk [tilespmem:v30+s19+$0x0], $0xffff  }
0x3a1: {  	v57 =	vor.u32 v4, v22;
	v30 =	vmov s31;
	[tilespmem:v23+s14+$0x0] =	vst.idx.add.f32.msk $0xffff, v26  }
0x3a2: {  	v23 =	vor.u32 $0x180, v30;
	[tilespmem:v28+s14+$0x0] =	vst.idx.add.f32.msk $0xffff, v27  }
0x3a3: {  	v26 =	vor.u32 v5, v21;
	v27 =	vld.idx.msk [tilespmem:v31+s19+$0x0], $0xffff  }
0x3a4: {  	v30 =	vshll.u32 v30, $0x7;
	[tilespmem:v56+s14+$0x0] =	vst.idx.add.f32.msk $0xffff, v29;
	v29 =	vor.u32 v4, v19  }
0x3a5: {  	v31 =	vor.u32 v0, v30;
	v16 =	vld.idx.msk [tilespmem:v16+s19+$0x0], $0xffff  }
0x3a6: {  	[tilespmem:v57+s14+$0x0] =	vst.idx.add.f32.msk $0xffff, v24;
	v24 =	vor.u32 v5, v20  }
0x3a7: {  	v58 =	vor.u32 v5, v18;
	v23 =	vld.idx.msk [tilespmem:v23+s2+$0x0], $0xffff  }
0x3a8: {  	v34 =	vor.u32 v5, v22;
	v26 =	vld.idx.msk [tilespmem:v26+s19+$0x0], $0xffff  }
0x3a9: {  	v28 =	vor.u32 v4, v14;
	[tilespmem:v29+s14+$0x0] =	vst.idx.add.f32.msk $0xffff, v27  }
0x3aa: {  	v27 =	vor.u32 v6, v21;
	v29 =	vld.idx.msk [tilespmem:v31+s19+$0x0], $0xffff  }
0x3ab: {  	v31 =	vor.u32 v5, v19;
	v24 =	vld.idx.msk [tilespmem:v24+s19+$0x0], $0xffff  }
0x3ac: {  	[tilespmem:v58+s14+$0x0] =	vst.idx.add.f32.msk $0xffff, v16;
	v16 =	vshll.u32 v23, $0x7;
	v23 =	vor.u32 v6, v20  }
0x3ad: {  	[tilespmem:v34+s14+$0x0] =	vst.idx.add.f32.msk $0xffff, v26;
	v26 =	vor.u32 v2, v12  }
0x3ae: {  	v28 =	vld.idx.msk [tilespmem:v28+s19+$0x0], $0xffff;
	v60 =	vor.u32 v0, v16  }
0x3af: {  	v61 =	vor.u32 v6, v22;
	v27 =	vld.idx.msk [tilespmem:v27+s19+$0x0], $0xffff  }
0x3b0: {  	v25 =	vor.u32 v1, v30;
	[tilespmem:v31+s14+$0x0] =	vst.idx.add.f32.msk $0xffff, v24  }
0x3b1: {  	v21 =	vor.u32 v7, v21;
	v23 =	vld.idx.msk [tilespmem:v23+s19+$0x0], $0xffff  }
0x3b2: {  	v24 =	vor.u32 v6, v19;
	v26 =	vld.idx.msk [tilespmem:v26+s19+$0x0], $0xffff  }
0x3b3: {  	v62 =	vor.u32 v2, v15;
	[tilespmem:v60+s14+$0x0] =	vst.idx.add.f32.msk $0xffff, v29  }
0x3b4: {  	v29 =	vor.u32 v4, v11;
	[tilespmem:v61+s14+$0x0] =	vst.idx.add.f32.msk $0xffff, v27  }
0x3b5: {  	v27 =	vor.u32 v3, v12;
	v25 =	vld.idx.msk [tilespmem:v25+s19+$0x0], $0xffff  }
0x3b6: {  	v20 =	vor.u32 v7, v20;
	v21 =	vld.idx.msk [tilespmem:v21+s19+$0x0], $0xffff  }
0x3b7: {  	v31 =	vor.u32 v1, v16;
	[tilespmem:v24+s14+$0x0] =	vst.idx.add.f32.msk $0xffff, v23  }
0x3b8: {  	v22 =	vor.u32 v7, v22;
	[tilespmem:v62+s14+$0x0] =	vst.idx.add.f32.msk $0xffff, v26  }
0x3b9: {  	v23 =	vor.u32 v2, v30;
	[tilespmem:v29+s14+$0x0] =	vst.idx.add.f32.msk $0xffff, v28  }
0x3ba: {  	v24 =	vor.u32 v6, v17;
	v26 =	vld.idx.msk [tilespmem:v27+s19+$0x0], $0xffff  }
0x3bb: {  	v27 =	vor.u32 v5, v14;
	v20 =	vld.idx.msk [tilespmem:v20+s19+$0x0], $0xffff  }
0x3bc: {  	v19 =	vor.u32 v7, v19;
	[tilespmem:v31+s14+$0x0] =	vst.idx.add.f32.msk $0xffff, v25  }
0x3bd: {  	v25 =	vor.u32 v2, v13;
	[tilespmem:v22+s14+$0x0] =	vst.idx.add.f32.msk $0xffff, v21  }
0x3be: {  	v22 =	vor.u32 v2, v8;
	v21 =	vld.idx.msk [tilespmem:v23+s19+$0x0], $0xffff  }
0x3bf: {  	v23 =	vld.idx.msk [tilespmem:v24+s19+$0x0], $0xffff;
	v24 =	vor.u32 v3, v15  }
0x3c0: {  	v28 =	vor.u32 v2, v16;
	v27 =	vld.idx.msk [tilespmem:v27+s19+$0x0], $0xffff  }
0x3c1: {  	v63 =	vor.u32 v6, v18;
	[tilespmem:v19+s14+$0x0] =	vst.idx.add.f32.msk $0xffff, v20  }
0x3c2: {  	v29 =	vor.u32 v3, v30;
	v25 =	vld.idx.msk [tilespmem:v25+s19+$0x0], $0xffff  }
0x3c3: {  	v31 =	vor.u32 v4, v12;
	v22 =	vld.idx.msk [tilespmem:v22+s19+$0x0], $0xffff  }
0x3c4: {  	v17 =	vor.u32 v7, v17;
	[tilespmem:v24+s14+$0x0] =	vst.idx.add.f32.msk $0xffff, v26  }
0x3c5: {  	v24 =	vor.u32 v2, v9;
	[tilespmem:v28+s14+$0x0] =	vst.idx.add.f32.msk $0xffff, v21  }
0x3c6: {  	v21 =	vor.u32 v3, v13;
	[tilespmem:v63+s14+$0x0] =	vst.idx.add.f32.msk $0xffff, v23  }
0x3c7: {  	v26 =	vld.idx.msk [tilespmem:v29+s19+$0x0], $0xffff;
	v29 =	vor.u32 v5, v11  }
0x3c8: {  	v23 =	vor.u32 v4, v15;
	v28 =	vld.idx.msk [tilespmem:v31+s19+$0x0], $0xffff  }
0x3c9: {  	v18 =	vor.u32 v7, v18;
	v17 =	vld.idx.msk [tilespmem:v17+s19+$0x0], $0xffff  }
0x3ca: {  	[tilespmem:v24+s14+$0x0] =	vst.idx.add.f32.msk $0xffff, v25;
	v24 =	vor.u32 v5, v12  }
0x3cb: {  	v25 =	vor.u32 v3, v16;
	v21 =	vld.idx.msk [tilespmem:v21+s19+$0x0], $0xffff  }
0x3cc: {  	[tilespmem:v29+s14+$0x0] =	vst.idx.add.f32.msk $0xffff, v27;
	v27 =	vor.u32 v4, v30  }
0x3cd: {  	v19 =	vor.u32 v3, v9;
	[tilespmem:v23+s14+$0x0] =	vst.idx.add.f32.msk $0xffff, v28  }
0x3ce: {  	v20 =	vor.u32 v4, v13;
	[tilespmem:v18+s14+$0x0] =	vst.idx.add.f32.msk $0xffff, v17  }
0x3cf: {  	v17 =	vor.u32 v5, v15;
	v23 =	vld.idx.msk [tilespmem:v24+s19+$0x0], $0xffff  }
0x3d0: {  	[tilespmem:v25+s14+$0x0] =	vst.idx.add.f32.msk $0xffff, v26;
	v25 =	vor.u32 v2, v10  }
0x3d1: {  	v18 =	vor.u32 v6, v12;
	v24 =	vld.idx.msk [tilespmem:v27+s19+$0x0], $0xffff  }
0x3d2: {  	[tilespmem:v19+s14+$0x0] =	vst.idx.add.f32.msk $0xffff, v21;
	v19 =	vor.u32 v3, v8  }
0x3d3: {  	v21 =	vor.u32 v4, v16;
	v20 =	vld.idx.msk [tilespmem:v20+s19+$0x0], $0xffff  }
0x3d4: {  	[tilespmem:v17+s14+$0x0] =	vst.idx.add.f32.msk $0xffff, v23  }
0x3d5: {  	v26 =	vor.u32 v5, v30;
	[tilespmem:v25+s14+$0x0] =	vst.idx.add.f32.msk $0xffff, v22  }
0x3d6: {  	v17 =	vor.u32 v4, v9;
	v18 =	vld.idx.msk [tilespmem:v18+s19+$0x0], $0xffff  }
0x3d7: {  	v23 =	vor.u32 v6, v15;
	v19 =	vld.idx.msk [tilespmem:v19+s19+$0x0], $0xffff  }
0x3d8: {  	[tilespmem:v21+s14+$0x0] =	vst.idx.add.f32.msk $0xffff, v24;
	v21 =	vor.u32 v3, v10  }
0x3d9: {  	v22 =	vor.u32 v5, v13  }
0x3da: {  	v12 =	vor.u32 v7, v12;
	v24 =	vld.idx.msk [tilespmem:v26+s19+$0x0], $0xffff  }
0x3db: {  	[tilespmem:v17+s14+$0x0] =	vst.idx.add.f32.msk $0xffff, v20;
	v17 =	vor.u32 v5, v16  }
0x3dc: {  	[tilespmem:v23+s14+$0x0] =	vst.idx.add.f32.msk $0xffff, v18;
	v18 =	vor.u32 v4, v8  }
0x3dd: {  	v23 =	vor.u32 v6, v30;
	[tilespmem:v21+s14+$0x0] =	vst.idx.add.f32.msk $0xffff, v19  }
0x3de: {  	v25 =	vld.idx.msk [tilespmem:v22+s19+$0x0], $0xffff;
	v19 =	vor.u32 v6, v14  }
0x3df: {  	v15 =	vor.u32 v7, v15;
	v28 =	vld.idx.msk [tilespmem:v12+s19+$0x0], $0xffff  }
0x3e0: {  	[tilespmem:v17+s14+$0x0] =	vst.idx.add.f32.msk $0xffff, v24  }
0x3e1: {  	v27 =	vor.u32 v5, v9;
	v26 =	vor.u32 v4, v10;
	v24 =	vld.idx.msk [tilespmem:v18+s19+$0x0], $0xffff  }
0x3e2: {  	v20 =	vor.u32 v7, v13;
	v21 =	vor.u32 v6, v8;
	v18 =	vor.u32 v6, v13;
	v22 =	vld.idx.msk [tilespmem:v23+s19+$0x0], $0xffff  }
0x3e3: {  	v12 =	vor.u32 v7, v30;
	v17 =	vor.u32 v6, v9;
	v23 =	vor.u32 v6, v16;
	v19 =	vld.idx.msk [tilespmem:v19+s19+$0x0], $0xffff  }
0x3e4: {  	s23 =	simm.s32 $0x8;
	[tilespmem:v15+s14+$0x0] =	vst.idx.add.f32.msk $0xffff, v28;
	v15 =	vor.u32 v7, v14;
	v28 =	vor.u32 v5, v8  }
.LBB2_9:
0x3e5: {  	s24 =	sadd.s32 $0x1, s23  }
0x3e6: {  	v13 =	vmov s23;
	s25 =	sadd.s32 $0x7, s23;
	[tilespmem:v27+s14+$0x0] =	vst.idx.add.f32.msk $0xffff, v25;
	v25 =	vor.u32 v6, v11;
	v27 =	vor.u32 v5, v10;
	s26 =	smov.u32 s23;
	s22 =	sadd.s32 $0x8, s23  }
0x3e7: {  	p0 =	slt.u32 s23, $0x78;
	v29 =	vor.u32 $0x180, v13;
	v13 =	vshll.u32 v13, $0x7;
	v14 =	vmov s24;
	s24 =	sadd.s32 $0x2, s26;
	v30 =	vld.idx.msk [tilespmem:v18+s19+$0x0], $0xffff  }
0x3e8: {  	s23 =	sadd.s32 $0x3, s26;
	v32 =	vmov s25;
	v31 =	vor.u32 $0x180, v14;
	v18 =	vshll.u32 v14, $0x7;
	[tilespmem:v26+s14+$0x0] =	vst.idx.add.f32.msk $0xffff, v24  }
0x3e9: {  	v24 =	vmov s24;
	v26 =	vmov s23;
	s23 =	sadd.s32 $0x4, s26;
	v33 =	vor.u32 $0x180, v32;
	[tilespmem:v23+s14+$0x0] =	vst.idx.add.f32.msk $0xffff, v22  }
0x3ea: {  	v14 =	vshll.u32 v24, $0x7;
	v34 =	vor.u32 $0x180, v26;
	v22 =	vmov s23;
	s23 =	sadd.s32 $0x5, s26;
	v23 =	vld.idx.msk [tilespmem:v28+s19+$0x0], $0xffff  }
0x3eb: {  	v28 =	vor.u32 v0, v13;
	v35 =	vor.u32 $0x180, v22;
	v36 =	vmov s23;
	s23 =	sadd.s32 $0x6, s26;
	v37 =	vld.idx.msk [tilespmem:v12+s19+$0x0], $0xffff  }
0x3ec: {  	v32 =	vshll.u32 v32, $0x7;
	v38 =	vor.u32 $0x180, v36;
	v12 =	vmov s23;
	[tilespmem:v25+s14+$0x0] =	vst.idx.add.f32.msk $0xffff, v19  }
0x3ed: {  	v39 =	vor.u32 v0, v32;
	v25 =	vor.u32 $0x180, v12;
	v19 =	vshll.u32 v12, $0x7;
	[tilespmem:v17+s14+$0x0] =	vst.idx.add.f32.msk $0xffff, v30  }
0x3ee: {  	v12 =	vor.u32 v7, v14;
	v30 =	vor.u32 v0, v18;
	v29 =	vld.idx.msk [tilespmem:v29+s2+$0x0], $0xffff  }
0x3ef: {  	v24 =	vor.u32 $0x180, v24;
	v17 =	vshll.u32 v26, $0x7;
	v26 =	vld.idx.msk [tilespmem:v15+s19+$0x0], $0xffff  }
0x3f0: {  	v16 =	vor.u32 v7, v16;
	v40 =	vor.u32 v0, v17;
	[tilespmem:v27+s14+$0x0] =	vst.idx.add.f32.msk $0xffff, v23  }
0x3f1: {  	v11 =	vor.u32 v7, v11;
	v15 =	vshll.u32 v36, $0x7;
	v21 =	vld.idx.msk [tilespmem:v21+s19+$0x0], $0xffff  }
0x3f2: {  	v23 =	vshll.u32 v22, $0x7;
	v27 =	vor.u32 v0, v15;
	v20 =	vld.idx.msk [tilespmem:v20+s19+$0x0], $0xffff  }
0x3f3: {  	v22 =	vld.idx.msk [tilespmem:v35+s2+$0x0], $0xffff;
	v35 =	vor.u32 v0, v23  }
0x3f4: {  	v41 =	vor.u32 v6, v10;
	v36 =	vor.u32 v0, v19;
	v31 =	vld.idx.msk [tilespmem:v31+s2+$0x0], $0xffff  }
0x3f5: {  	v29 =	vshll.u32 v29, $0x7;
	[tilespmem:v16+s14+$0x0] =	vst.idx.add.f32.msk $0xffff, v37;
	v16 =	vor.u32 v7, v8;
	v8 =	vmov v32  }
0x3f6: {  	v32 =	vor.u32 v0, v29;
	[tilespmem:v11+s14+$0x0] =	vst.idx.add.f32.msk $0xffff, v26  }
0x3f7: {  	v37 =	vor.u32 v1, v8;
	v11 =	vld.idx.msk [tilespmem:v28+s19+$0x0], $0xffff;
	v28 =	vor.u32 v1, v17  }
0x3f8: {  	v42 =	vor.u32 v7, v9;
	v9 =	vmov v29;
	v26 =	vor.u32 v1, v13;
	v33 =	vld.idx.msk [tilespmem:v33+s2+$0x0], $0xffff  }
0x3f9: {  	v29 =	vor.u32 v1, v15;
	[tilespmem:v41+s14+$0x0] =	vst.idx.add.f32.msk $0xffff, v21  }
0x3fa: {  	v16 =	vld.idx.msk [tilespmem:v16+s19+$0x0], $0xffff  }
0x3fb: {  	v43 =	vor.u32 v7, v10;
	v41 =	vor.u32 v1, v19;
	v35 =	vld.idx.msk [tilespmem:v35+s19+$0x0], $0xffff  }
0x3fc: {  	v21 =	vshll.u32 v31, $0x7;
	v31 =	vld.idx.msk [tilespmem:v25+s2+$0x0], $0xffff  }
0x3fd: {  	v44 =	vor.u32 v1, v23;
	[tilespmem:v42+s14+$0x0] =	vst.idx.add.f32.msk $0xffff, v20  }
0x3fe: {  	v25 =	vshll.u32 v22, $0x7;
	v10 =	vshll.u32 v33, $0x7;
	v20 =	vld.idx.msk [tilespmem:v38+s2+$0x0], $0xffff  }
0x3ff: {  	v33 =	vld.idx.msk [tilespmem:v39+s19+$0x0], $0xffff  }
0x400: {  	v38 =	vor.u32 v2, v15;
	[tilespmem:v43+s14+$0x0] =	vst.idx.add.f32.msk $0xffff, v16  }
0x401: {  	v39 =	vor.u32 v0, v25;
	v16 =	vor.u32 v0, v14;
	v30 =	vld.idx.msk [tilespmem:v30+s19+$0x0], $0xffff  }
0x402: {  	v22 =	vshll.u32 v31, $0x7;
	[tilespmem:v32+s14+$0x0] =	vst.idx.add.f32.msk $0xffff, v11;
	v32 =	vor.u32 v0, v21  }
0x403: {  	v31 =	vld.idx.msk [tilespmem:v34+s2+$0x0], $0xffff;
	v34 =	vor.u32 v0, v10  }
0x404: {  	v42 =	vor.u32 v2, v23;
	v27 =	vld.idx.msk [tilespmem:v27+s19+$0x0], $0xffff  }
0x405: {  	v43 =	vor.u32 v1, v18;
	v36 =	vld.idx.msk [tilespmem:v36+s19+$0x0], $0xffff  }
0x406: {  	[tilespmem:v39+s14+$0x0] =	vst.idx.add.f32.msk $0xffff, v35  }
0x407: {  	v45 =	vor.u32 v2, v19;
	v39 =	vor.u32 v0, v22;
	v35 =	vld.idx.msk [tilespmem:v26+s19+$0x0], $0xffff  }
0x408: {  	v11 =	vshll.u32 v20, $0x7;
	v26 =	vor.u32 v2, v17;
	[tilespmem:v34+s14+$0x0] =	vst.idx.add.f32.msk $0xffff, v33  }
0x409: {  	v20 =	vshll.u32 v31, $0x7;
	v31 =	vor.u32 v3, v15;
	[tilespmem:v32+s14+$0x0] =	vst.idx.add.f32.msk $0xffff, v30;
	v30 =	vor.u32 v0, v11  }
0x40a: {  	v32 =	vld.idx.msk [tilespmem:v43+s19+$0x0], $0xffff  }
0x40b: {  	v33 =	vor.u32 v1, v21;
	v34 =	vld.idx.msk [tilespmem:v40+s19+$0x0], $0xffff  }
0x40c: {  	v43 =	vor.u32 v0, v20;
	v40 =	vor.u32 v2, v18;
	[tilespmem:v39+s14+$0x0] =	vst.idx.add.f32.msk $0xffff, v36  }
0x40d: {  	v39 =	vor.u32 v3, v23;
	v36 =	vld.idx.msk [tilespmem:v44+s19+$0x0], $0xffff  }
0x40e: {  	v44 =	vor.u32 v1, v25;
	[tilespmem:v30+s14+$0x0] =	vst.idx.add.f32.msk $0xffff, v27  }
0x40f: {  	v30 =	vor.u32 v3, v19;
	v29 =	vld.idx.msk [tilespmem:v29+s19+$0x0], $0xffff  }
0x410: {  	[tilespmem:v33+s14+$0x0] =	vst.idx.add.f32.msk $0xffff, v32  }
0x411: {  	v27 =	vor.u32 v3, v17;
	[tilespmem:v43+s14+$0x0] =	vst.idx.add.f32.msk $0xffff, v34  }
0x412: {  	v32 =	vor.u32 v2, v21;
	v33 =	vor.u32 v1, v11;
	v28 =	vld.idx.msk [tilespmem:v28+s19+$0x0], $0xffff  }
0x413: {  	[tilespmem:v44+s14+$0x0] =	vst.idx.add.f32.msk $0xffff, v36  }
0x414: {  	v34 =	vor.u32 v1, v9;
	v36 =	vld.idx.msk [tilespmem:v41+s19+$0x0], $0xffff  }
0x415: {  	v37 =	vld.idx.msk [tilespmem:v37+s19+$0x0], $0xffff  }
0x416: {  	v41 =	vld.idx.msk [tilespmem:v42+s19+$0x0], $0xffff;
	v42 =	vor.u32 v1, v22  }
0x417: {  	[tilespmem:v33+s14+$0x0] =	vst.idx.add.f32.msk $0xffff, v29  }
0x418: {  	v33 =	vor.u32 v2, v25;
	v29 =	vld.idx.msk [tilespmem:v40+s19+$0x0], $0xffff;
	v40 =	vor.u32 v4, v23  }
0x419: {  	[tilespmem:v34+s14+$0x0] =	vst.idx.add.f32.msk $0xffff, v35;
	v34 =	vor.u32 v3, v21;
	v35 =	vor.u32 v1, v10  }
0x41a: {  	v38 =	vld.idx.msk [tilespmem:v38+s19+$0x0], $0xffff  }
0x41b: {  	v43 =	vor.u32 v3, v18;
	[tilespmem:v42+s14+$0x0] =	vst.idx.add.f32.msk $0xffff, v36  }
0x41c: {  	v36 =	vld.idx.msk [tilespmem:v45+s19+$0x0], $0xffff  }
0x41d: {  	[tilespmem:v33+s14+$0x0] =	vst.idx.add.f32.msk $0xffff, v41;
	v33 =	vor.u32 v2, v11  }
0x41e: {  	[tilespmem:v35+s14+$0x0] =	vst.idx.add.f32.msk $0xffff, v37  }
0x41f: {  	[tilespmem:v32+s14+$0x0] =	vst.idx.add.f32.msk $0xffff, v29;
	v29 =	vor.u32 v2, v22  }
0x420: {  	v35 =	vor.u32 v4, v21;
	v32 =	vld.idx.msk [tilespmem:v43+s19+$0x0], $0xffff  }
0x421: {  	v37 =	vld.idx.msk [tilespmem:v39+s19+$0x0], $0xffff  }
0x422: {  	v39 =	vor.u32 v4, v18;
	[tilespmem:v33+s14+$0x0] =	vst.idx.add.f32.msk $0xffff, v38  }
0x423: {  	v33 =	vor.u32 v3, v25;
	v31 =	vld.idx.msk [tilespmem:v31+s19+$0x0], $0xffff  }
0x424: {  	[tilespmem:v29+s14+$0x0] =	vst.idx.add.f32.msk $0xffff, v36  }
0x425: {  	v29 =	vor.u32 v3, v11;
	v30 =	vld.idx.msk [tilespmem:v30+s19+$0x0], $0xffff  }
0x426: {  	[tilespmem:v34+s14+$0x0] =	vst.idx.add.f32.msk $0xffff, v32;
	v32 =	vor.u32 v3, v22  }
0x427: {  	v36 =	vor.u32 v4, v19;
	v34 =	vld.idx.msk [tilespmem:v39+s19+$0x0], $0xffff  }
0x428: {  	[tilespmem:v33+s14+$0x0] =	vst.idx.add.f32.msk $0xffff, v37  }
0x429: {  	v33 =	vor.u32 v5, v18;
	v37 =	vld.idx.msk [tilespmem:v40+s19+$0x0], $0xffff  }
0x42a: {  	v38 =	vor.u32 v4, v25;
	[tilespmem:v29+s14+$0x0] =	vst.idx.add.f32.msk $0xffff, v31  }
0x42b: {  	[tilespmem:v32+s14+$0x0] =	vst.idx.add.f32.msk $0xffff, v30  }
0x42c: {  	v29 =	vor.u32 v5, v23;
	v30 =	vld.idx.msk [tilespmem:v36+s19+$0x0], $0xffff  }
0x42d: {  	v31 =	vor.u32 v4, v15;
	[tilespmem:v35+s14+$0x0] =	vst.idx.add.f32.msk $0xffff, v34  }
0x42e: {  	v32 =	vld.idx.msk [tilespmem:v33+s19+$0x0], $0xffff;
	v33 =	vor.u32 v4, v22  }
0x42f: {  	v34 =	vor.u32 v5, v19;
	[tilespmem:v38+s14+$0x0] =	vst.idx.add.f32.msk $0xffff, v37  }
0x430: {  	v24 =	vld.idx.msk [tilespmem:v24+s2+$0x0], $0xffff  }
0x431: {  	v35 =	vor.u32 v5, v21;
	v29 =	vld.idx.msk [tilespmem:v29+s19+$0x0], $0xffff  }
0x432: {  	v36 =	vor.u32 v1, v20;
	v31 =	vld.idx.msk [tilespmem:v31+s19+$0x0], $0xffff  }
0x433: {  	v37 =	vor.u32 v5, v25;
	[tilespmem:v33+s14+$0x0] =	vst.idx.add.f32.msk $0xffff, v30  }
0x434: {  	v30 =	vor.u32 v6, v23;
	v33 =	vld.idx.msk [tilespmem:v34+s19+$0x0], $0xffff  }
0x435: {  	v38 =	vor.u32 v5, v22;
	v34 =	vld.idx.msk [tilespmem:v16+s19+$0x0], $0xffff  }
0x436: {  	v16 =	vshll.u32 v24, $0x7;
	v24 =	vor.u32 v6, v19;
	[tilespmem:v35+s14+$0x0] =	vst.idx.add.f32.msk $0xffff, v32  }
0x437: {  	v32 =	vor.u32 v0, v16;
	[tilespmem:v36+s14+$0x0] =	vst.idx.add.f32.msk $0xffff, v28  }
0x438: {  	v28 =	vor.u32 v1, v14;
	[tilespmem:v37+s14+$0x0] =	vst.idx.add.f32.msk $0xffff, v29  }
0x439: {  	v29 =	vld.idx.msk [tilespmem:v30+s19+$0x0], $0xffff  }
0x43a: {  	v30 =	vor.u32 v6, v25;
	[tilespmem:v38+s14+$0x0] =	vst.idx.add.f32.msk $0xffff, v33  }
0x43b: {  	v23 =	vor.u32 v7, v23;
	v24 =	vld.idx.msk [tilespmem:v24+s19+$0x0], $0xffff  }
0x43c: {  	[tilespmem:v32+s14+$0x0] =	vst.idx.add.f32.msk $0xffff, v34;
	v32 =	vor.u32 v6, v22  }
0x43d: {  	v33 =	vor.u32 v4, v11;
	v28 =	vld.idx.msk [tilespmem:v28+s19+$0x0], $0xffff  }
0x43e: {  	v34 =	vor.u32 v1, v16;
	v26 =	vld.idx.msk [tilespmem:v26+s19+$0x0], $0xffff  }
0x43f: {  	v35 =	vor.u32 v2, v20;
	[tilespmem:v30+s14+$0x0] =	vst.idx.add.f32.msk $0xffff, v29  }
0x440: {  	v23 =	vld.idx.msk [tilespmem:v23+s19+$0x0], $0xffff  }
0x441: {  	v25 =	vor.u32 v7, v25;
	[tilespmem:v32+s14+$0x0] =	vst.idx.add.f32.msk $0xffff, v24  }
0x442: {  	v24 =	vor.u32 v2, v14;
	[tilespmem:v33+s14+$0x0] =	vst.idx.add.f32.msk $0xffff, v31  }
0x443: {  	v29 =	vor.u32 v6, v18;
	[tilespmem:v34+s14+$0x0] =	vst.idx.add.f32.msk $0xffff, v28  }
0x444: {  	v28 =	vor.u32 v2, v13;
	[tilespmem:v35+s14+$0x0] =	vst.idx.add.f32.msk $0xffff, v26  }
0x445: {  	v26 =	vld.idx.msk [tilespmem:v27+s19+$0x0], $0xffff;
	v27 =	vor.u32 v5, v15  }
0x446: {  	v19 =	vor.u32 v7, v19;
	[tilespmem:v25+s14+$0x0] =	vst.idx.add.f32.msk $0xffff, v23  }
0x447: {  	v23 =	vld.idx.msk [tilespmem:v24+s19+$0x0], $0xffff;
	v24 =	vor.u32 v2, v8  }
0x448: {  	v25 =	vld.idx.msk [tilespmem:v29+s19+$0x0], $0xffff;
	v29 =	vor.u32 v3, v20  }
0x449: {  	v30 =	vor.u32 v2, v16;
	v28 =	vld.idx.msk [tilespmem:v28+s19+$0x0], $0xffff  }
0x44a: {  	v31 =	vor.u32 v3, v14;
	v27 =	vld.idx.msk [tilespmem:v27+s19+$0x0], $0xffff  }
0x44b: {  	v32 =	vor.u32 v4, v17;
	v19 =	vld.idx.msk [tilespmem:v19+s19+$0x0], $0xffff  }
0x44c: {  	v33 =	vor.u32 v6, v21;
	v24 =	vld.idx.msk [tilespmem:v24+s19+$0x0], $0xffff  }
0x44d: {  	v18 =	vor.u32 v7, v18;
	[tilespmem:v29+s14+$0x0] =	vst.idx.add.f32.msk $0xffff, v26  }
0x44e: {  	v26 =	vor.u32 v2, v9;
	[tilespmem:v30+s14+$0x0] =	vst.idx.add.f32.msk $0xffff, v23  }
0x44f: {  	v23 =	vor.u32 v3, v13;
	v29 =	vld.idx.msk [tilespmem:v31+s19+$0x0], $0xffff  }
0x450: {  	v30 =	vor.u32 v3, v16;
	v31 =	vld.idx.msk [tilespmem:v32+s19+$0x0], $0xffff;
	v32 =	vor.u32 v5, v11  }
0x451: {  	v22 =	vor.u32 v7, v22;
	[tilespmem:v33+s14+$0x0] =	vst.idx.add.f32.msk $0xffff, v25  }
0x452: {  	v25 =	vor.u32 v4, v20;
	v18 =	vld.idx.msk [tilespmem:v18+s19+$0x0], $0xffff  }
0x453: {  	[tilespmem:v26+s14+$0x0] =	vst.idx.add.f32.msk $0xffff, v28;
	v26 =	vor.u32 v5, v17  }
0x454: {  	v21 =	vor.u32 v7, v21;
	v23 =	vld.idx.msk [tilespmem:v23+s19+$0x0], $0xffff  }
0x455: {  	[tilespmem:v32+s14+$0x0] =	vst.idx.add.f32.msk $0xffff, v27  }
0x456: {  	v27 =	vor.u32 v4, v14;
	[tilespmem:v22+s14+$0x0] =	vst.idx.add.f32.msk $0xffff, v19  }
0x457: {  	v19 =	vor.u32 v3, v9;
	v22 =	vor.u32 v4, v16;
	[tilespmem:v25+s14+$0x0] =	vst.idx.add.f32.msk $0xffff, v31  }
0x458: {  	v25 =	vor.u32 v4, v13;
	v26 =	vld.idx.msk [tilespmem:v26+s19+$0x0], $0xffff  }
0x459: {  	[tilespmem:v21+s14+$0x0] =	vst.idx.add.f32.msk $0xffff, v18;
	v18 =	vor.u32 v5, v20  }
0x45a: {  	v21 =	vor.u32 v6, v17;
	[tilespmem:v30+s14+$0x0] =	vst.idx.add.f32.msk $0xffff, v29  }
0x45b: {  	v28 =	vor.u32 v2, v10;
	v27 =	vld.idx.msk [tilespmem:v27+s19+$0x0], $0xffff  }
0x45c: {  	[tilespmem:v19+s14+$0x0] =	vst.idx.add.f32.msk $0xffff, v23;
	v19 =	vor.u32 v3, v8  }
0x45d: {  	v23 =	vld.idx.msk [tilespmem:v25+s19+$0x0], $0xffff  }
0x45e: {  	v25 =	vor.u32 v5, v14;
	[tilespmem:v18+s14+$0x0] =	vst.idx.add.f32.msk $0xffff, v26  }
0x45f: {  	v18 =	vor.u32 v4, v9;
	v21 =	vld.idx.msk [tilespmem:v21+s19+$0x0], $0xffff  }
0x460: {  	v26 =	vor.u32 v6, v20;
	[tilespmem:v28+s14+$0x0] =	vst.idx.add.f32.msk $0xffff, v24  }
0x461: {  	v17 =	vor.u32 v7, v17;
	v19 =	vld.idx.msk [tilespmem:v19+s19+$0x0], $0xffff  }
0x462: {  	[tilespmem:v22+s14+$0x0] =	vst.idx.add.f32.msk $0xffff, v27;
	v22 =	vor.u32 v3, v10  }
0x463: {  	v24 =	vor.u32 v5, v13;
	v28 =	vld.idx.msk [tilespmem:v25+s19+$0x0], $0xffff  }
0x464: {  	[tilespmem:v18+s14+$0x0] =	vst.idx.add.f32.msk $0xffff, v23;
	v18 =	vor.u32 v5, v16  }
0x465: {  	[tilespmem:v26+s14+$0x0] =	vst.idx.add.f32.msk $0xffff, v21;
	v21 =	vor.u32 v4, v8  }
0x466: {  	v14 =	vor.u32 v6, v14;
	v17 =	vld.idx.msk [tilespmem:v17+s19+$0x0], $0xffff  }
0x467: {  	v29 =	vor.u32 v7, v20;
	[tilespmem:v22+s14+$0x0] =	vst.idx.add.f32.msk $0xffff, v19  }
0x468: {  	v19 =	vor.u32 v6, v15;
	v25 =	vld.idx.msk [tilespmem:v24+s19+$0x0], $0xffff  }
.Ltmp4:
0x469: {  	v27 =	vor.u32 v5, v9;
	[tilespmem:v18+s14+$0x0] =	vst.idx.add.f32.msk $0xffff, v28;
	(pc) =	sbr.rel @p0 .LBB2_9-.Ltmp4, $4  }
0x46a: {  	v18 =	vor.u32 v6, v13;
	v24 =	vld.idx.msk [tilespmem:v21+s19+$0x0], $0xffff  }
0x46b: {  	v20 =	vor.u32 v7, v13;
	v26 =	vor.u32 v4, v10;
	v22 =	vld.idx.msk [tilespmem:v14+s19+$0x0], $0xffff  }
0x46c: {  	v23 =	vor.u32 v6, v16;
	v21 =	vor.u32 v6, v8;
	[tilespmem:v29+s14+$0x0] =	vst.idx.add.f32.msk $0xffff, v17  }
0x46d: {  	s23 =	smov.u32 s22;
	v15 =	vor.u32 v7, v15;
	v28 =	vor.u32 v5, v8;
	v17 =	vor.u32 v6, v9;
	v19 =	vld.idx.msk [tilespmem:v19+s19+$0x0], $0xffff  }
0x46e: {  	_ =	sdelay $0x3  }
0x46f: {  	[tilespmem:v26+s14+$0x0] =	vst.idx.add.f32.msk $0xffff, v24  }
0x470: {  	v13 =	vor.u32 v5, v10;
	v14 =	vld.idx.msk [tilespmem:v28+s19+$0x0], $0xffff  }
0x471: {  	[tilespmem:v27+s14+$0x0] =	vst.idx.add.f32.msk $0xffff, v25  }
0x472: {  	v24 =	vor.u32 v6, v11;
	v18 =	vld.idx.msk [tilespmem:v18+s19+$0x0], $0xffff  }
0x473: {  	[tilespmem:v23+s14+$0x0] =	vst.idx.add.f32.msk $0xffff, v22  }
0x474: {  	v12 =	vld.idx.msk [tilespmem:v12+s19+$0x0], $0xffff  }
0x475: {  	[tilespmem:v13+s14+$0x0] =	vst.idx.add.f32.msk $0xffff, v14  }
0x476: {  	v14 =	vor.u32 v6, v10;
	v13 =	vld.idx.msk [tilespmem:v21+s19+$0x0], $0xffff  }
0x477: {  	v8 =	vor.u32 v7, v8;
	[tilespmem:v24+s14+$0x0] =	vst.idx.add.f32.msk $0xffff, v19  }
0x478: {  	[tilespmem:v17+s14+$0x0] =	vst.idx.add.f32.msk $0xffff, v18  }
0x479: {  	v16 =	vor.u32 v7, v16;
	v15 =	vld.idx.msk [tilespmem:v15+s19+$0x0], $0xffff  }
0x47a: {  	v11 =	vor.u32 v7, v11;
	v17 =	vld.idx.msk [tilespmem:v20+s19+$0x0], $0xffff  }
0x47b: {  	v9 =	vor.u32 v7, v9;
	[tilespmem:v14+s14+$0x0] =	vst.idx.add.f32.msk $0xffff, v13  }
0x47c: {  	v10 =	vor.u32 v7, v10;
	v8 =	vld.idx.msk [tilespmem:v8+s19+$0x0], $0xffff;
	_ =	sdelay $0x1  }
0x47d: {  	[tilespmem:v16+s14+$0x0] =	vst.idx.add.f32.msk $0xffff, v12  }
0x47e: {  	s22 =	simm.s32 $0x0;
	[tilespmem:v11+s14+$0x0] =	vst.idx.add.f32.msk $0xffff, v15  }
0x47f: {  	s23 =	simm.s32 $0x1;
	[tilespmem:v9+s14+$0x0] =	vst.idx.add.f32.msk $0xffff, v17;
	v9 =	vmov s22  }
0x480: {  	v11 =	vmov s23;
	[tilespmem:v10+s14+$0x0] =	vst.idx.add.f32.msk $0xffff, v8;
	v8 =	vor.u32 $0x200, v9  }
0x481: {  	s26 =	simm.s32 $0x7;
	v13 =	vshll.u32 v9, $0x7;
	v9 =	vor.u32 $0x200, v11;
	_ =	swait.ge [sflag:s18], $0x4000  }
0x482: {  	s25 =	simm.s32 $0x4;
	v14 =	vmov s26;
	v15 =	vor.u32 v0, v13;
	[sflag:s18] =	ssyncset.done $0x0  }
0x483: {  	s29 =	simm.s32 $0x5;
	v16 =	vor.u32 $0x200, v14;
	v10 =	vmov s25;
	[sflag:s18] =	ssyncadd.s32 $0xFFFFC000  }
0x484: {  	v20 =	vmov s29;
	v12 =	vor.u32 $0x200, v10;
	[tilespmem:s19], [sflag:$0x2] =	stream.strided.gather [hbm4b:s9+s15], $0x4000, s16, s15, $0x38;
	[tilespmem:$0x18300] =	vst v63  }
0x485: {  	s28 =	simm.s32 $0x6;
	v23 =	vor.u32 $0x200, v20;
	v21 =	vshll.u32 v10, $0x7;
	v18 =	vld.idx.msk [tilespmem:v8+s2+$0x0], $0xffff  }
0x486: {  	v10 =	vmov s28;
	v19 =	vor.u32 v0, v21;
	v24 =	vld.idx.msk [tilespmem:v9+s2+$0x0], $0xffff  }
0x487: {  	v17 =	vshll.u32 v11, $0x7;
	v22 =	vor.u32 $0x200, v10;
	v15 =	vld.idx.msk [tilespmem:v15+s17+$0x0], $0xffff  }
0x488: {  	v25 =	vor.u32 v0, v17;
	v8 =	vshll.u32 v14, $0x7;
	v16 =	vld.idx.msk [tilespmem:v16+s2+$0x0], $0xffff  }
0x489: {  	v14 =	vshll.u32 v20, $0x7;
	v12 =	vld.idx.msk [tilespmem:v12+s2+$0x0], $0xffff;
	v11 =	vor.u32 v0, v8  }
0x48a: {  	s30 =	simm.s32 $0x3;
	v23 =	vld.idx.msk [tilespmem:v23+s2+$0x0], $0xffff;
	v29 =	vor.u32 v0, v14;
	v9 =	vshll.u32 v18, $0x7  }
0x48b: {  	v26 =	vmov s30;
	v27 =	vld.idx.msk [tilespmem:v19+s17+$0x0], $0xffff;
	v18 =	vor.u32 v0, v9  }
0x48c: {  	v20 =	vshll.u32 v10, $0x7;
	v19 =	vor.u32 $0x200, v26;
	v28 =	vld.idx.msk [tilespmem:v22+s2+$0x0], $0xffff  }
0x48d: {  	v25 =	vld.idx.msk [tilespmem:v25+s17+$0x0], $0xffff;
	v30 =	vor.u32 v0, v20;
	v10 =	vshll.u32 v16, $0x7  }
0x48e: {  	v22 =	vshll.u32 v12, $0x7;
	v31 =	vld.idx.msk [tilespmem:v11+s17+$0x0], $0xffff;
	v16 =	vor.u32 v0, v10  }
0x48f: {  	v29 =	vld.idx.msk [tilespmem:v29+s17+$0x0], $0xffff;
	v11 =	vor.u32 v0, v22  }
0x490: {  	v32 =	vor.u32 v1, v13;
	[tilespmem:v18+s14+$0x0] =	vst.idx.add.f32.msk $0xffff, v15;
	v18 =	vshll.u32 v24, $0x7  }
0x491: {  	v15 =	vld.idx.msk [tilespmem:v19+s2+$0x0], $0xffff;
	v19 =	vshll.u32 v28, $0x7;
	v24 =	vor.u32 v0, v18  }
0x492: {  	v30 =	vld.idx.msk [tilespmem:v30+s17+$0x0], $0xffff;
	v28 =	vor.u32 v0, v19  }
0x493: {  	v52 =	vor.u32 v1, v21;
	[tilespmem:v16+s14+$0x0] =	vst.idx.add.f32.msk $0xffff, v31  }
0x494: {  	v12 =	vshll.u32 v26, $0x7;
	v26 =	vor.u32 v1, v17;
	[tilespmem:v11+s14+$0x0] =	vst.idx.add.f32.msk $0xffff, v27  }
0x495: {  	v33 =	vor.u32 v0, v12;
	v27 =	vld.idx.msk [tilespmem:v32+s17+$0x0], $0xffff;
	v11 =	vshll.u32 v23, $0x7  }
0x496: {  	v16 =	vor.u32 v0, v11;
	[tilespmem:v24+s14+$0x0] =	vst.idx.add.f32.msk $0xffff, v25  }
0x497: {  	v23 =	vor.u32 v1, v14;
	[tilespmem:v28+s14+$0x0] =	vst.idx.add.f32.msk $0xffff, v30  }
0x498: {  	v53 =	vor.u32 v1, v22;
	v30 =	vld.idx.msk [tilespmem:v52+s17+$0x0], $0xffff  }
0x499: {  	v15 =	vshll.u32 v15, $0x7;
	v25 =	vor.u32 v1, v18;
	v24 =	vld.idx.msk [tilespmem:v26+s17+$0x0], $0xffff  }
0x49a: {  	v31 =	vor.u32 v0, v15;
	v26 =	vld.idx.msk [tilespmem:v33+s17+$0x0], $0xffff  }
0x49b: {  	[tilespmem:v16+s14+$0x0] =	vst.idx.add.f32.msk $0xffff, v29;
	v16 =	vor.u32 v1, v20  }
0x49c: {  	v29 =	vor.u32 v1, v8;
	v23 =	vld.idx.msk [tilespmem:v23+s17+$0x0], $0xffff  }
0x49d: {  	v28 =	vor.u32 v1, v12;
	[tilespmem:v53+s14+$0x0] =	vst.idx.add.f32.msk $0xffff, v30  }
0x49e: {  	v30 =	vor.u32 v1, v9;
	[tilespmem:v25+s14+$0x0] =	vst.idx.add.f32.msk $0xffff, v24  }
0x49f: {  	v24 =	vor.u32 v2, v21;
	[tilespmem:v31+s14+$0x0] =	vst.idx.add.f32.msk $0xffff, v26  }
0x4a0: {  	v26 =	vor.u32 v1, v11;
	v16 =	vld.idx.msk [tilespmem:v16+s17+$0x0], $0xffff  }
0x4a1: {  	v54 =	vor.u32 v1, v19;
	v29 =	vld.idx.msk [tilespmem:v29+s17+$0x0], $0xffff  }
0x4a2: {  	v25 =	vld.idx.msk [tilespmem:v28+s17+$0x0], $0xffff;
	v28 =	vor.u32 v2, v17  }
0x4a3: {  	v31 =	vor.u32 v2, v14;
	[tilespmem:v30+s14+$0x0] =	vst.idx.add.f32.msk $0xffff, v27  }
0x4a4: {  	v55 =	vor.u32 v2, v20;
	v24 =	vld.idx.msk [tilespmem:v24+s17+$0x0], $0xffff  }
0x4a5: {  	v59 =	vor.u32 v1, v15;
	[tilespmem:v26+s14+$0x0] =	vst.idx.add.f32.msk $0xffff, v23  }
0x4a6: {  	v26 =	vor.u32 v2, v22;
	[tilespmem:v54+s14+$0x0] =	vst.idx.add.f32.msk $0xffff, v16  }
0x4a7: {  	v27 =	vor.u32 v1, v10;
	v23 =	vld.idx.msk [tilespmem:v28+s17+$0x0], $0xffff  }
0x4a8: {  	v28 =	vor.u32 v2, v18;
	v30 =	vld.idx.msk [tilespmem:v31+s17+$0x0], $0xffff  }
0x4a9: {  	v16 =	vor.u32 v3, v21;
	v32 =	vld.idx.msk [tilespmem:v55+s17+$0x0], $0xffff  }
0x4aa: {  	v31 =	vor.u32 v3, v17;
	[tilespmem:v59+s14+$0x0] =	vst.idx.add.f32.msk $0xffff, v25  }
0x4ab: {  	[tilespmem:v26+s14+$0x0] =	vst.idx.add.f32.msk $0xffff, v24;
	v24 =	vor.u32 v2, v11  }
0x4ac: {  	[tilespmem:v27+s14+$0x0] =	vst.idx.add.f32.msk $0xffff, v29;
	v26 =	vor.u32 v3, v14  }
0x4ad: {  	[tilespmem:v28+s14+$0x0] =	vst.idx.add.f32.msk $0xffff, v23;
	v23 =	vor.u32 v2, v19  }
0x4ae: {  	v27 =	vor.u32 v3, v20;
	v16 =	vld.idx.msk [tilespmem:v16+s17+$0x0], $0xffff  }
0x4af: {  	v29 =	vor.u32 v3, v18;
	v28 =	vld.idx.msk [tilespmem:v31+s17+$0x0], $0xffff  }
0x4b0: {  	v31 =	vor.u32 v4, v17;
	[tilespmem:v24+s14+$0x0] =	vst.idx.add.f32.msk $0xffff, v30  }
0x4b1: {  	v24 =	vor.u32 v3, v22;
	v26 =	vld.idx.msk [tilespmem:v26+s17+$0x0], $0xffff  }
0x4b2: {  	v30 =	vor.u32 v4, v21;
	[tilespmem:v23+s14+$0x0] =	vst.idx.add.f32.msk $0xffff, v32  }
0x4b3: {  	v23 =	vor.u32 v3, v11;
	v27 =	vld.idx.msk [tilespmem:v27+s17+$0x0], $0xffff  }
0x4b4: {  	[tilespmem:v29+s14+$0x0] =	vst.idx.add.f32.msk $0xffff, v28;
	v28 =	vor.u32 v3, v19  }
0x4b5: {  	v29 =	vld.idx.msk [tilespmem:v31+s17+$0x0], $0xffff;
	v31 =	vor.u32 v4, v20  }
0x4b6: {  	v56 =	vor.u32 v4, v18;
	[tilespmem:v24+s14+$0x0] =	vst.idx.add.f32.msk $0xffff, v16  }
0x4b7: {  	s31 =	simm.s32 $0x2;
	v16 =	vor.u32 v5, v17;
	v24 =	vld.idx.msk [tilespmem:v30+s17+$0x0], $0xffff  }
0x4b8: {  	v57 =	vor.u32 v4, v22;
	v30 =	vmov s31;
	[tilespmem:v23+s14+$0x0] =	vst.idx.add.f32.msk $0xffff, v26  }
0x4b9: {  	v23 =	vor.u32 $0x200, v30;
	[tilespmem:v28+s14+$0x0] =	vst.idx.add.f32.msk $0xffff, v27  }
0x4ba: {  	v26 =	vor.u32 v5, v21;
	v27 =	vld.idx.msk [tilespmem:v31+s17+$0x0], $0xffff  }
0x4bb: {  	v30 =	vshll.u32 v30, $0x7;
	[tilespmem:v56+s14+$0x0] =	vst.idx.add.f32.msk $0xffff, v29;
	v29 =	vor.u32 v4, v19  }
0x4bc: {  	v31 =	vor.u32 v0, v30;
	v16 =	vld.idx.msk [tilespmem:v16+s17+$0x0], $0xffff  }
0x4bd: {  	[tilespmem:v57+s14+$0x0] =	vst.idx.add.f32.msk $0xffff, v24;
	v24 =	vor.u32 v5, v20  }
0x4be: {  	v58 =	vor.u32 v5, v18;
	v23 =	vld.idx.msk [tilespmem:v23+s2+$0x0], $0xffff  }
0x4bf: {  	v34 =	vor.u32 v5, v22;
	v26 =	vld.idx.msk [tilespmem:v26+s17+$0x0], $0xffff  }
0x4c0: {  	v28 =	vor.u32 v4, v14;
	[tilespmem:v29+s14+$0x0] =	vst.idx.add.f32.msk $0xffff, v27  }
0x4c1: {  	v27 =	vor.u32 v6, v21;
	v29 =	vld.idx.msk [tilespmem:v31+s17+$0x0], $0xffff  }
0x4c2: {  	v31 =	vor.u32 v5, v19;
	v24 =	vld.idx.msk [tilespmem:v24+s17+$0x0], $0xffff  }
0x4c3: {  	[tilespmem:v58+s14+$0x0] =	vst.idx.add.f32.msk $0xffff, v16;
	v16 =	vshll.u32 v23, $0x7;
	v23 =	vor.u32 v6, v20  }
0x4c4: {  	[tilespmem:v34+s14+$0x0] =	vst.idx.add.f32.msk $0xffff, v26;
	v26 =	vor.u32 v2, v12  }
0x4c5: {  	v28 =	vld.idx.msk [tilespmem:v28+s17+$0x0], $0xffff;
	v60 =	vor.u32 v0, v16  }
0x4c6: {  	v61 =	vor.u32 v6, v22;
	v27 =	vld.idx.msk [tilespmem:v27+s17+$0x0], $0xffff  }
0x4c7: {  	v25 =	vor.u32 v1, v30;
	[tilespmem:v31+s14+$0x0] =	vst.idx.add.f32.msk $0xffff, v24  }
0x4c8: {  	v21 =	vor.u32 v7, v21;
	v23 =	vld.idx.msk [tilespmem:v23+s17+$0x0], $0xffff  }
0x4c9: {  	v24 =	vor.u32 v6, v19;
	v26 =	vld.idx.msk [tilespmem:v26+s17+$0x0], $0xffff  }
0x4ca: {  	v62 =	vor.u32 v2, v15;
	[tilespmem:v60+s14+$0x0] =	vst.idx.add.f32.msk $0xffff, v29  }
0x4cb: {  	v29 =	vor.u32 v4, v11;
	[tilespmem:v61+s14+$0x0] =	vst.idx.add.f32.msk $0xffff, v27  }
0x4cc: {  	v27 =	vor.u32 v3, v12;
	v25 =	vld.idx.msk [tilespmem:v25+s17+$0x0], $0xffff  }
0x4cd: {  	v20 =	vor.u32 v7, v20;
	v21 =	vld.idx.msk [tilespmem:v21+s17+$0x0], $0xffff  }
0x4ce: {  	v31 =	vor.u32 v1, v16;
	[tilespmem:v24+s14+$0x0] =	vst.idx.add.f32.msk $0xffff, v23  }
0x4cf: {  	v22 =	vor.u32 v7, v22;
	[tilespmem:v62+s14+$0x0] =	vst.idx.add.f32.msk $0xffff, v26  }
0x4d0: {  	v23 =	vor.u32 v2, v30;
	[tilespmem:v29+s14+$0x0] =	vst.idx.add.f32.msk $0xffff, v28  }
0x4d1: {  	v24 =	vor.u32 v6, v17;
	v26 =	vld.idx.msk [tilespmem:v27+s17+$0x0], $0xffff  }
0x4d2: {  	v27 =	vor.u32 v5, v14;
	v20 =	vld.idx.msk [tilespmem:v20+s17+$0x0], $0xffff  }
0x4d3: {  	v19 =	vor.u32 v7, v19;
	[tilespmem:v31+s14+$0x0] =	vst.idx.add.f32.msk $0xffff, v25  }
0x4d4: {  	v25 =	vor.u32 v2, v13;
	[tilespmem:v22+s14+$0x0] =	vst.idx.add.f32.msk $0xffff, v21  }
0x4d5: {  	v22 =	vor.u32 v2, v8;
	v21 =	vld.idx.msk [tilespmem:v23+s17+$0x0], $0xffff  }
0x4d6: {  	v23 =	vld.idx.msk [tilespmem:v24+s17+$0x0], $0xffff;
	v24 =	vor.u32 v3, v15  }
0x4d7: {  	v28 =	vor.u32 v2, v16;
	v27 =	vld.idx.msk [tilespmem:v27+s17+$0x0], $0xffff  }
0x4d8: {  	v63 =	vor.u32 v6, v18;
	[tilespmem:v19+s14+$0x0] =	vst.idx.add.f32.msk $0xffff, v20  }
0x4d9: {  	v29 =	vor.u32 v3, v30;
	v25 =	vld.idx.msk [tilespmem:v25+s17+$0x0], $0xffff  }
0x4da: {  	v31 =	vor.u32 v4, v12;
	v22 =	vld.idx.msk [tilespmem:v22+s17+$0x0], $0xffff  }
0x4db: {  	v17 =	vor.u32 v7, v17;
	[tilespmem:v24+s14+$0x0] =	vst.idx.add.f32.msk $0xffff, v26  }
0x4dc: {  	v24 =	vor.u32 v2, v9;
	[tilespmem:v28+s14+$0x0] =	vst.idx.add.f32.msk $0xffff, v21  }
0x4dd: {  	v21 =	vor.u32 v3, v13;
	[tilespmem:v63+s14+$0x0] =	vst.idx.add.f32.msk $0xffff, v23  }
0x4de: {  	v26 =	vld.idx.msk [tilespmem:v29+s17+$0x0], $0xffff;
	v29 =	vor.u32 v5, v11  }
0x4df: {  	v23 =	vor.u32 v4, v15;
	v28 =	vld.idx.msk [tilespmem:v31+s17+$0x0], $0xffff  }
0x4e0: {  	v18 =	vor.u32 v7, v18;
	v17 =	vld.idx.msk [tilespmem:v17+s17+$0x0], $0xffff  }
0x4e1: {  	[tilespmem:v24+s14+$0x0] =	vst.idx.add.f32.msk $0xffff, v25;
	v24 =	vor.u32 v5, v12  }
0x4e2: {  	v25 =	vor.u32 v3, v16;
	v21 =	vld.idx.msk [tilespmem:v21+s17+$0x0], $0xffff  }
0x4e3: {  	[tilespmem:v29+s14+$0x0] =	vst.idx.add.f32.msk $0xffff, v27;
	v27 =	vor.u32 v4, v30  }
0x4e4: {  	v19 =	vor.u32 v3, v9;
	[tilespmem:v23+s14+$0x0] =	vst.idx.add.f32.msk $0xffff, v28  }
0x4e5: {  	v20 =	vor.u32 v4, v13;
	[tilespmem:v18+s14+$0x0] =	vst.idx.add.f32.msk $0xffff, v17  }
0x4e6: {  	v17 =	vor.u32 v5, v15;
	v23 =	vld.idx.msk [tilespmem:v24+s17+$0x0], $0xffff  }
0x4e7: {  	[tilespmem:v25+s14+$0x0] =	vst.idx.add.f32.msk $0xffff, v26;
	v25 =	vor.u32 v2, v10  }
0x4e8: {  	v18 =	vor.u32 v6, v12;
	v24 =	vld.idx.msk [tilespmem:v27+s17+$0x0], $0xffff  }
0x4e9: {  	[tilespmem:v19+s14+$0x0] =	vst.idx.add.f32.msk $0xffff, v21;
	v19 =	vor.u32 v3, v8  }
0x4ea: {  	v21 =	vor.u32 v4, v16;
	v20 =	vld.idx.msk [tilespmem:v20+s17+$0x0], $0xffff  }
0x4eb: {  	[tilespmem:v17+s14+$0x0] =	vst.idx.add.f32.msk $0xffff, v23  }
0x4ec: {  	v26 =	vor.u32 v5, v30;
	[tilespmem:v25+s14+$0x0] =	vst.idx.add.f32.msk $0xffff, v22  }
0x4ed: {  	v17 =	vor.u32 v4, v9;
	v18 =	vld.idx.msk [tilespmem:v18+s17+$0x0], $0xffff  }
0x4ee: {  	v23 =	vor.u32 v6, v15;
	v19 =	vld.idx.msk [tilespmem:v19+s17+$0x0], $0xffff  }
0x4ef: {  	[tilespmem:v21+s14+$0x0] =	vst.idx.add.f32.msk $0xffff, v24;
	v21 =	vor.u32 v3, v10  }
0x4f0: {  	v22 =	vor.u32 v5, v13  }
0x4f1: {  	v12 =	vor.u32 v7, v12;
	v24 =	vld.idx.msk [tilespmem:v26+s17+$0x0], $0xffff  }
0x4f2: {  	[tilespmem:v17+s14+$0x0] =	vst.idx.add.f32.msk $0xffff, v20;
	v17 =	vor.u32 v5, v16  }
0x4f3: {  	[tilespmem:v23+s14+$0x0] =	vst.idx.add.f32.msk $0xffff, v18;
	v18 =	vor.u32 v4, v8  }
0x4f4: {  	v23 =	vor.u32 v6, v30;
	[tilespmem:v21+s14+$0x0] =	vst.idx.add.f32.msk $0xffff, v19  }
0x4f5: {  	v25 =	vld.idx.msk [tilespmem:v22+s17+$0x0], $0xffff;
	v19 =	vor.u32 v6, v14  }
0x4f6: {  	v15 =	vor.u32 v7, v15;
	v28 =	vld.idx.msk [tilespmem:v12+s17+$0x0], $0xffff  }
0x4f7: {  	[tilespmem:v17+s14+$0x0] =	vst.idx.add.f32.msk $0xffff, v24  }
0x4f8: {  	v27 =	vor.u32 v5, v9;
	v26 =	vor.u32 v4, v10;
	v24 =	vld.idx.msk [tilespmem:v18+s17+$0x0], $0xffff  }
0x4f9: {  	v20 =	vor.u32 v7, v13;
	v21 =	vor.u32 v6, v8;
	v18 =	vor.u32 v6, v13;
	v22 =	vld.idx.msk [tilespmem:v23+s17+$0x0], $0xffff  }
0x4fa: {  	v12 =	vor.u32 v7, v30;
	v17 =	vor.u32 v6, v9;
	v23 =	vor.u32 v6, v16;
	v19 =	vld.idx.msk [tilespmem:v19+s17+$0x0], $0xffff  }
0x4fb: {  	s23 =	simm.s32 $0x8;
	[tilespmem:v15+s14+$0x0] =	vst.idx.add.f32.msk $0xffff, v28;
	v15 =	vor.u32 v7, v14;
	v28 =	vor.u32 v5, v8  }
.LBB2_11:
0x4fc: {  	s24 =	sadd.s32 $0x1, s23  }
0x4fd: {  	v13 =	vmov s23;
	s25 =	sadd.s32 $0x7, s23;
	[tilespmem:v27+s14+$0x0] =	vst.idx.add.f32.msk $0xffff, v25;
	v25 =	vor.u32 v6, v11;
	v27 =	vor.u32 v5, v10;
	s26 =	smov.u32 s23;
	s22 =	sadd.s32 $0x8, s23  }
0x4fe: {  	p0 =	slt.u32 s23, $0x78;
	v29 =	vor.u32 $0x200, v13;
	v13 =	vshll.u32 v13, $0x7;
	v14 =	vmov s24;
	s24 =	sadd.s32 $0x2, s26;
	v30 =	vld.idx.msk [tilespmem:v18+s17+$0x0], $0xffff  }
0x4ff: {  	s23 =	sadd.s32 $0x3, s26;
	v32 =	vmov s25;
	v31 =	vor.u32 $0x200, v14;
	v18 =	vshll.u32 v14, $0x7;
	[tilespmem:v26+s14+$0x0] =	vst.idx.add.f32.msk $0xffff, v24  }
0x500: {  	v24 =	vmov s24;
	v26 =	vmov s23;
	s23 =	sadd.s32 $0x4, s26;
	v33 =	vor.u32 $0x200, v32;
	[tilespmem:v23+s14+$0x0] =	vst.idx.add.f32.msk $0xffff, v22  }
0x501: {  	v14 =	vshll.u32 v24, $0x7;
	v34 =	vor.u32 $0x200, v26;
	v22 =	vmov s23;
	s23 =	sadd.s32 $0x5, s26;
	v23 =	vld.idx.msk [tilespmem:v28+s17+$0x0], $0xffff  }
0x502: {  	v28 =	vor.u32 v0, v13;
	v35 =	vor.u32 $0x200, v22;
	v36 =	vmov s23;
	s23 =	sadd.s32 $0x6, s26;
	v37 =	vld.idx.msk [tilespmem:v12+s17+$0x0], $0xffff  }
0x503: {  	v32 =	vshll.u32 v32, $0x7;
	v38 =	vor.u32 $0x200, v36;
	v12 =	vmov s23;
	[tilespmem:v25+s14+$0x0] =	vst.idx.add.f32.msk $0xffff, v19  }
0x504: {  	v39 =	vor.u32 v0, v32;
	v25 =	vor.u32 $0x200, v12;
	v19 =	vshll.u32 v12, $0x7;
	[tilespmem:v17+s14+$0x0] =	vst.idx.add.f32.msk $0xffff, v30  }
0x505: {  	v12 =	vor.u32 v7, v14;
	v30 =	vor.u32 v0, v18;
	v29 =	vld.idx.msk [tilespmem:v29+s2+$0x0], $0xffff  }
0x506: {  	v24 =	vor.u32 $0x200, v24;
	v17 =	vshll.u32 v26, $0x7;
	v26 =	vld.idx.msk [tilespmem:v15+s17+$0x0], $0xffff  }
0x507: {  	v16 =	vor.u32 v7, v16;
	v40 =	vor.u32 v0, v17;
	[tilespmem:v27+s14+$0x0] =	vst.idx.add.f32.msk $0xffff, v23  }
0x508: {  	v11 =	vor.u32 v7, v11;
	v15 =	vshll.u32 v36, $0x7;
	v21 =	vld.idx.msk [tilespmem:v21+s17+$0x0], $0xffff  }
0x509: {  	v23 =	vshll.u32 v22, $0x7;
	v27 =	vor.u32 v0, v15;
	v20 =	vld.idx.msk [tilespmem:v20+s17+$0x0], $0xffff  }
0x50a: {  	v22 =	vld.idx.msk [tilespmem:v35+s2+$0x0], $0xffff;
	v35 =	vor.u32 v0, v23  }
0x50b: {  	v41 =	vor.u32 v6, v10;
	v36 =	vor.u32 v0, v19;
	v31 =	vld.idx.msk [tilespmem:v31+s2+$0x0], $0xffff  }
0x50c: {  	v29 =	vshll.u32 v29, $0x7;
	[tilespmem:v16+s14+$0x0] =	vst.idx.add.f32.msk $0xffff, v37;
	v16 =	vor.u32 v7, v8;
	v8 =	vmov v32  }
0x50d: {  	v32 =	vor.u32 v0, v29;
	[tilespmem:v11+s14+$0x0] =	vst.idx.add.f32.msk $0xffff, v26  }
0x50e: {  	v37 =	vor.u32 v1, v8;
	v11 =	vld.idx.msk [tilespmem:v28+s17+$0x0], $0xffff;
	v28 =	vor.u32 v1, v17  }
0x50f: {  	v42 =	vor.u32 v7, v9;
	v9 =	vmov v29;
	v26 =	vor.u32 v1, v13;
	v33 =	vld.idx.msk [tilespmem:v33+s2+$0x0], $0xffff  }
0x510: {  	v29 =	vor.u32 v1, v15;
	[tilespmem:v41+s14+$0x0] =	vst.idx.add.f32.msk $0xffff, v21  }
0x511: {  	v16 =	vld.idx.msk [tilespmem:v16+s17+$0x0], $0xffff  }
0x512: {  	v43 =	vor.u32 v7, v10;
	v41 =	vor.u32 v1, v19;
	v35 =	vld.idx.msk [tilespmem:v35+s17+$0x0], $0xffff  }
0x513: {  	v21 =	vshll.u32 v31, $0x7;
	v31 =	vld.idx.msk [tilespmem:v25+s2+$0x0], $0xffff  }
0x514: {  	v44 =	vor.u32 v1, v23;
	[tilespmem:v42+s14+$0x0] =	vst.idx.add.f32.msk $0xffff, v20  }
0x515: {  	v25 =	vshll.u32 v22, $0x7;
	v10 =	vshll.u32 v33, $0x7;
	v20 =	vld.idx.msk [tilespmem:v38+s2+$0x0], $0xffff  }
0x516: {  	v33 =	vld.idx.msk [tilespmem:v39+s17+$0x0], $0xffff  }
0x517: {  	v38 =	vor.u32 v2, v15;
	[tilespmem:v43+s14+$0x0] =	vst.idx.add.f32.msk $0xffff, v16  }
0x518: {  	v39 =	vor.u32 v0, v25;
	v16 =	vor.u32 v0, v14;
	v30 =	vld.idx.msk [tilespmem:v30+s17+$0x0], $0xffff  }
0x519: {  	v22 =	vshll.u32 v31, $0x7;
	[tilespmem:v32+s14+$0x0] =	vst.idx.add.f32.msk $0xffff, v11;
	v32 =	vor.u32 v0, v21  }
0x51a: {  	v31 =	vld.idx.msk [tilespmem:v34+s2+$0x0], $0xffff;
	v34 =	vor.u32 v0, v10  }
0x51b: {  	v42 =	vor.u32 v2, v23;
	v27 =	vld.idx.msk [tilespmem:v27+s17+$0x0], $0xffff  }
0x51c: {  	v43 =	vor.u32 v1, v18;
	v36 =	vld.idx.msk [tilespmem:v36+s17+$0x0], $0xffff  }
0x51d: {  	[tilespmem:v39+s14+$0x0] =	vst.idx.add.f32.msk $0xffff, v35  }
0x51e: {  	v45 =	vor.u32 v2, v19;
	v39 =	vor.u32 v0, v22;
	v35 =	vld.idx.msk [tilespmem:v26+s17+$0x0], $0xffff  }
0x51f: {  	v11 =	vshll.u32 v20, $0x7;
	v26 =	vor.u32 v2, v17;
	[tilespmem:v34+s14+$0x0] =	vst.idx.add.f32.msk $0xffff, v33  }
0x520: {  	v20 =	vshll.u32 v31, $0x7;
	v31 =	vor.u32 v3, v15;
	[tilespmem:v32+s14+$0x0] =	vst.idx.add.f32.msk $0xffff, v30;
	v30 =	vor.u32 v0, v11  }
0x521: {  	v32 =	vld.idx.msk [tilespmem:v43+s17+$0x0], $0xffff  }
0x522: {  	v33 =	vor.u32 v1, v21;
	v34 =	vld.idx.msk [tilespmem:v40+s17+$0x0], $0xffff  }
0x523: {  	v43 =	vor.u32 v0, v20;
	v40 =	vor.u32 v2, v18;
	[tilespmem:v39+s14+$0x0] =	vst.idx.add.f32.msk $0xffff, v36  }
0x524: {  	v39 =	vor.u32 v3, v23;
	v36 =	vld.idx.msk [tilespmem:v44+s17+$0x0], $0xffff  }
0x525: {  	v44 =	vor.u32 v1, v25;
	[tilespmem:v30+s14+$0x0] =	vst.idx.add.f32.msk $0xffff, v27  }
0x526: {  	v30 =	vor.u32 v3, v19;
	v29 =	vld.idx.msk [tilespmem:v29+s17+$0x0], $0xffff  }
0x527: {  	[tilespmem:v33+s14+$0x0] =	vst.idx.add.f32.msk $0xffff, v32  }
0x528: {  	v27 =	vor.u32 v3, v17;
	[tilespmem:v43+s14+$0x0] =	vst.idx.add.f32.msk $0xffff, v34  }
0x529: {  	v32 =	vor.u32 v2, v21;
	v33 =	vor.u32 v1, v11;
	v28 =	vld.idx.msk [tilespmem:v28+s17+$0x0], $0xffff  }
0x52a: {  	[tilespmem:v44+s14+$0x0] =	vst.idx.add.f32.msk $0xffff, v36  }
0x52b: {  	v34 =	vor.u32 v1, v9;
	v36 =	vld.idx.msk [tilespmem:v41+s17+$0x0], $0xffff  }
0x52c: {  	v37 =	vld.idx.msk [tilespmem:v37+s17+$0x0], $0xffff  }
0x52d: {  	v41 =	vld.idx.msk [tilespmem:v42+s17+$0x0], $0xffff;
	v42 =	vor.u32 v1, v22  }
0x52e: {  	[tilespmem:v33+s14+$0x0] =	vst.idx.add.f32.msk $0xffff, v29  }
0x52f: {  	v33 =	vor.u32 v2, v25;
	v29 =	vld.idx.msk [tilespmem:v40+s17+$0x0], $0xffff;
	v40 =	vor.u32 v4, v23  }
0x530: {  	[tilespmem:v34+s14+$0x0] =	vst.idx.add.f32.msk $0xffff, v35;
	v34 =	vor.u32 v3, v21;
	v35 =	vor.u32 v1, v10  }
0x531: {  	v38 =	vld.idx.msk [tilespmem:v38+s17+$0x0], $0xffff  }
0x532: {  	v43 =	vor.u32 v3, v18;
	[tilespmem:v42+s14+$0x0] =	vst.idx.add.f32.msk $0xffff, v36  }
0x533: {  	v36 =	vld.idx.msk [tilespmem:v45+s17+$0x0], $0xffff  }
0x534: {  	[tilespmem:v33+s14+$0x0] =	vst.idx.add.f32.msk $0xffff, v41;
	v33 =	vor.u32 v2, v11  }
0x535: {  	[tilespmem:v35+s14+$0x0] =	vst.idx.add.f32.msk $0xffff, v37  }
0x536: {  	[tilespmem:v32+s14+$0x0] =	vst.idx.add.f32.msk $0xffff, v29;
	v29 =	vor.u32 v2, v22  }
0x537: {  	v35 =	vor.u32 v4, v21;
	v32 =	vld.idx.msk [tilespmem:v43+s17+$0x0], $0xffff  }
0x538: {  	v37 =	vld.idx.msk [tilespmem:v39+s17+$0x0], $0xffff  }
0x539: {  	v39 =	vor.u32 v4, v18;
	[tilespmem:v33+s14+$0x0] =	vst.idx.add.f32.msk $0xffff, v38  }
0x53a: {  	v33 =	vor.u32 v3, v25;
	v31 =	vld.idx.msk [tilespmem:v31+s17+$0x0], $0xffff  }
0x53b: {  	[tilespmem:v29+s14+$0x0] =	vst.idx.add.f32.msk $0xffff, v36  }
0x53c: {  	v29 =	vor.u32 v3, v11;
	v30 =	vld.idx.msk [tilespmem:v30+s17+$0x0], $0xffff  }
0x53d: {  	[tilespmem:v34+s14+$0x0] =	vst.idx.add.f32.msk $0xffff, v32;
	v32 =	vor.u32 v3, v22  }
0x53e: {  	v36 =	vor.u32 v4, v19;
	v34 =	vld.idx.msk [tilespmem:v39+s17+$0x0], $0xffff  }
0x53f: {  	[tilespmem:v33+s14+$0x0] =	vst.idx.add.f32.msk $0xffff, v37  }
0x540: {  	v33 =	vor.u32 v5, v18;
	v37 =	vld.idx.msk [tilespmem:v40+s17+$0x0], $0xffff  }
0x541: {  	v38 =	vor.u32 v4, v25;
	[tilespmem:v29+s14+$0x0] =	vst.idx.add.f32.msk $0xffff, v31  }
0x542: {  	[tilespmem:v32+s14+$0x0] =	vst.idx.add.f32.msk $0xffff, v30  }
0x543: {  	v29 =	vor.u32 v5, v23;
	v30 =	vld.idx.msk [tilespmem:v36+s17+$0x0], $0xffff  }
0x544: {  	v31 =	vor.u32 v4, v15;
	[tilespmem:v35+s14+$0x0] =	vst.idx.add.f32.msk $0xffff, v34  }
0x545: {  	v32 =	vld.idx.msk [tilespmem:v33+s17+$0x0], $0xffff;
	v33 =	vor.u32 v4, v22  }
0x546: {  	v34 =	vor.u32 v5, v19;
	[tilespmem:v38+s14+$0x0] =	vst.idx.add.f32.msk $0xffff, v37  }
0x547: {  	v24 =	vld.idx.msk [tilespmem:v24+s2+$0x0], $0xffff  }
0x548: {  	v35 =	vor.u32 v5, v21;
	v29 =	vld.idx.msk [tilespmem:v29+s17+$0x0], $0xffff  }
0x549: {  	v36 =	vor.u32 v1, v20;
	v31 =	vld.idx.msk [tilespmem:v31+s17+$0x0], $0xffff  }
0x54a: {  	v37 =	vor.u32 v5, v25;
	[tilespmem:v33+s14+$0x0] =	vst.idx.add.f32.msk $0xffff, v30  }
0x54b: {  	v30 =	vor.u32 v6, v23;
	v33 =	vld.idx.msk [tilespmem:v34+s17+$0x0], $0xffff  }
0x54c: {  	v38 =	vor.u32 v5, v22;
	v34 =	vld.idx.msk [tilespmem:v16+s17+$0x0], $0xffff  }
0x54d: {  	v16 =	vshll.u32 v24, $0x7;
	v24 =	vor.u32 v6, v19;
	[tilespmem:v35+s14+$0x0] =	vst.idx.add.f32.msk $0xffff, v32  }
0x54e: {  	v32 =	vor.u32 v0, v16;
	[tilespmem:v36+s14+$0x0] =	vst.idx.add.f32.msk $0xffff, v28  }
0x54f: {  	v28 =	vor.u32 v1, v14;
	[tilespmem:v37+s14+$0x0] =	vst.idx.add.f32.msk $0xffff, v29  }
0x550: {  	v29 =	vld.idx.msk [tilespmem:v30+s17+$0x0], $0xffff  }
0x551: {  	v30 =	vor.u32 v6, v25;
	[tilespmem:v38+s14+$0x0] =	vst.idx.add.f32.msk $0xffff, v33  }
0x552: {  	v23 =	vor.u32 v7, v23;
	v24 =	vld.idx.msk [tilespmem:v24+s17+$0x0], $0xffff  }
0x553: {  	[tilespmem:v32+s14+$0x0] =	vst.idx.add.f32.msk $0xffff, v34;
	v32 =	vor.u32 v6, v22  }
0x554: {  	v33 =	vor.u32 v4, v11;
	v28 =	vld.idx.msk [tilespmem:v28+s17+$0x0], $0xffff  }
0x555: {  	v34 =	vor.u32 v1, v16;
	v26 =	vld.idx.msk [tilespmem:v26+s17+$0x0], $0xffff  }
0x556: {  	v35 =	vor.u32 v2, v20;
	[tilespmem:v30+s14+$0x0] =	vst.idx.add.f32.msk $0xffff, v29  }
0x557: {  	v23 =	vld.idx.msk [tilespmem:v23+s17+$0x0], $0xffff  }
0x558: {  	v25 =	vor.u32 v7, v25;
	[tilespmem:v32+s14+$0x0] =	vst.idx.add.f32.msk $0xffff, v24  }
0x559: {  	v24 =	vor.u32 v2, v14;
	[tilespmem:v33+s14+$0x0] =	vst.idx.add.f32.msk $0xffff, v31  }
0x55a: {  	v29 =	vor.u32 v6, v18;
	[tilespmem:v34+s14+$0x0] =	vst.idx.add.f32.msk $0xffff, v28  }
0x55b: {  	v28 =	vor.u32 v2, v13;
	[tilespmem:v35+s14+$0x0] =	vst.idx.add.f32.msk $0xffff, v26  }
0x55c: {  	v26 =	vld.idx.msk [tilespmem:v27+s17+$0x0], $0xffff;
	v27 =	vor.u32 v5, v15  }
0x55d: {  	v19 =	vor.u32 v7, v19;
	[tilespmem:v25+s14+$0x0] =	vst.idx.add.f32.msk $0xffff, v23  }
0x55e: {  	v23 =	vld.idx.msk [tilespmem:v24+s17+$0x0], $0xffff;
	v24 =	vor.u32 v2, v8  }
0x55f: {  	v25 =	vld.idx.msk [tilespmem:v29+s17+$0x0], $0xffff;
	v29 =	vor.u32 v3, v20  }
0x560: {  	v30 =	vor.u32 v2, v16;
	v28 =	vld.idx.msk [tilespmem:v28+s17+$0x0], $0xffff  }
0x561: {  	v31 =	vor.u32 v3, v14;
	v27 =	vld.idx.msk [tilespmem:v27+s17+$0x0], $0xffff  }
0x562: {  	v32 =	vor.u32 v4, v17;
	v19 =	vld.idx.msk [tilespmem:v19+s17+$0x0], $0xffff  }
0x563: {  	v33 =	vor.u32 v6, v21;
	v24 =	vld.idx.msk [tilespmem:v24+s17+$0x0], $0xffff  }
0x564: {  	v18 =	vor.u32 v7, v18;
	[tilespmem:v29+s14+$0x0] =	vst.idx.add.f32.msk $0xffff, v26  }
0x565: {  	v26 =	vor.u32 v2, v9;
	[tilespmem:v30+s14+$0x0] =	vst.idx.add.f32.msk $0xffff, v23  }
0x566: {  	v23 =	vor.u32 v3, v13;
	v29 =	vld.idx.msk [tilespmem:v31+s17+$0x0], $0xffff  }
0x567: {  	v30 =	vor.u32 v3, v16;
	v31 =	vld.idx.msk [tilespmem:v32+s17+$0x0], $0xffff;
	v32 =	vor.u32 v5, v11  }
0x568: {  	v22 =	vor.u32 v7, v22;
	[tilespmem:v33+s14+$0x0] =	vst.idx.add.f32.msk $0xffff, v25  }
0x569: {  	v25 =	vor.u32 v4, v20;
	v18 =	vld.idx.msk [tilespmem:v18+s17+$0x0], $0xffff  }
0x56a: {  	[tilespmem:v26+s14+$0x0] =	vst.idx.add.f32.msk $0xffff, v28;
	v26 =	vor.u32 v5, v17  }
0x56b: {  	v21 =	vor.u32 v7, v21;
	v23 =	vld.idx.msk [tilespmem:v23+s17+$0x0], $0xffff  }
0x56c: {  	[tilespmem:v32+s14+$0x0] =	vst.idx.add.f32.msk $0xffff, v27  }
0x56d: {  	v27 =	vor.u32 v4, v14;
	[tilespmem:v22+s14+$0x0] =	vst.idx.add.f32.msk $0xffff, v19  }
0x56e: {  	v19 =	vor.u32 v3, v9;
	v22 =	vor.u32 v4, v16;
	[tilespmem:v25+s14+$0x0] =	vst.idx.add.f32.msk $0xffff, v31  }
0x56f: {  	v25 =	vor.u32 v4, v13;
	v26 =	vld.idx.msk [tilespmem:v26+s17+$0x0], $0xffff  }
0x570: {  	[tilespmem:v21+s14+$0x0] =	vst.idx.add.f32.msk $0xffff, v18;
	v18 =	vor.u32 v5, v20  }
0x571: {  	v21 =	vor.u32 v6, v17;
	[tilespmem:v30+s14+$0x0] =	vst.idx.add.f32.msk $0xffff, v29  }
0x572: {  	v28 =	vor.u32 v2, v10;
	v27 =	vld.idx.msk [tilespmem:v27+s17+$0x0], $0xffff  }
0x573: {  	[tilespmem:v19+s14+$0x0] =	vst.idx.add.f32.msk $0xffff, v23;
	v19 =	vor.u32 v3, v8  }
0x574: {  	v23 =	vld.idx.msk [tilespmem:v25+s17+$0x0], $0xffff  }
0x575: {  	v25 =	vor.u32 v5, v14;
	[tilespmem:v18+s14+$0x0] =	vst.idx.add.f32.msk $0xffff, v26  }
0x576: {  	v18 =	vor.u32 v4, v9;
	v21 =	vld.idx.msk [tilespmem:v21+s17+$0x0], $0xffff  }
0x577: {  	v26 =	vor.u32 v6, v20;
	[tilespmem:v28+s14+$0x0] =	vst.idx.add.f32.msk $0xffff, v24  }
0x578: {  	v17 =	vor.u32 v7, v17;
	v19 =	vld.idx.msk [tilespmem:v19+s17+$0x0], $0xffff  }
0x579: {  	[tilespmem:v22+s14+$0x0] =	vst.idx.add.f32.msk $0xffff, v27;
	v22 =	vor.u32 v3, v10  }
0x57a: {  	v24 =	vor.u32 v5, v13;
	v28 =	vld.idx.msk [tilespmem:v25+s17+$0x0], $0xffff  }
0x57b: {  	[tilespmem:v18+s14+$0x0] =	vst.idx.add.f32.msk $0xffff, v23;
	v18 =	vor.u32 v5, v16  }
0x57c: {  	[tilespmem:v26+s14+$0x0] =	vst.idx.add.f32.msk $0xffff, v21;
	v21 =	vor.u32 v4, v8  }
0x57d: {  	v14 =	vor.u32 v6, v14;
	v17 =	vld.idx.msk [tilespmem:v17+s17+$0x0], $0xffff  }
0x57e: {  	v29 =	vor.u32 v7, v20;
	[tilespmem:v22+s14+$0x0] =	vst.idx.add.f32.msk $0xffff, v19  }
0x57f: {  	v19 =	vor.u32 v6, v15;
	v25 =	vld.idx.msk [tilespmem:v24+s17+$0x0], $0xffff  }
.Ltmp5:
0x580: {  	v27 =	vor.u32 v5, v9;
	[tilespmem:v18+s14+$0x0] =	vst.idx.add.f32.msk $0xffff, v28;
	(pc) =	sbr.rel @p0 .LBB2_11-.Ltmp5, $4  }
0x581: {  	v18 =	vor.u32 v6, v13;
	v24 =	vld.idx.msk [tilespmem:v21+s17+$0x0], $0xffff  }
0x582: {  	v20 =	vor.u32 v7, v13;
	v26 =	vor.u32 v4, v10;
	v22 =	vld.idx.msk [tilespmem:v14+s17+$0x0], $0xffff  }
0x583: {  	v23 =	vor.u32 v6, v16;
	v21 =	vor.u32 v6, v8;
	[tilespmem:v29+s14+$0x0] =	vst.idx.add.f32.msk $0xffff, v17  }
0x584: {  	s23 =	smov.u32 s22;
	v15 =	vor.u32 v7, v15;
	v28 =	vor.u32 v5, v8;
	v17 =	vor.u32 v6, v9;
	v19 =	vld.idx.msk [tilespmem:v19+s17+$0x0], $0xffff  }
0x585: {  	_ =	sdelay $0x3  }
0x586: {  	[tilespmem:v26+s14+$0x0] =	vst.idx.add.f32.msk $0xffff, v24  }
0x587: {  	v13 =	vor.u32 v5, v10;
	v14 =	vld.idx.msk [tilespmem:v28+s17+$0x0], $0xffff  }
0x588: {  	[tilespmem:v27+s14+$0x0] =	vst.idx.add.f32.msk $0xffff, v25  }
0x589: {  	v24 =	vor.u32 v6, v11;
	v18 =	vld.idx.msk [tilespmem:v18+s17+$0x0], $0xffff  }
0x58a: {  	[tilespmem:v23+s14+$0x0] =	vst.idx.add.f32.msk $0xffff, v22  }
0x58b: {  	v12 =	vld.idx.msk [tilespmem:v12+s17+$0x0], $0xffff  }
0x58c: {  	[tilespmem:v13+s14+$0x0] =	vst.idx.add.f32.msk $0xffff, v14  }
0x58d: {  	v14 =	vor.u32 v6, v10;
	v13 =	vld.idx.msk [tilespmem:v21+s17+$0x0], $0xffff  }
0x58e: {  	v8 =	vor.u32 v7, v8;
	[tilespmem:v24+s14+$0x0] =	vst.idx.add.f32.msk $0xffff, v19  }
0x58f: {  	[tilespmem:v17+s14+$0x0] =	vst.idx.add.f32.msk $0xffff, v18  }
0x590: {  	v16 =	vor.u32 v7, v16;
	v15 =	vld.idx.msk [tilespmem:v15+s17+$0x0], $0xffff  }
0x591: {  	v11 =	vor.u32 v7, v11;
	v17 =	vld.idx.msk [tilespmem:v20+s17+$0x0], $0xffff  }
0x592: {  	v9 =	vor.u32 v7, v9;
	[tilespmem:v14+s14+$0x0] =	vst.idx.add.f32.msk $0xffff, v13  }
0x593: {  	v10 =	vor.u32 v7, v10;
	v8 =	vld.idx.msk [tilespmem:v8+s17+$0x0], $0xffff;
	_ =	sdelay $0x1  }
0x594: {  	s22 =	simm.s32 $0x0;
	[tilespmem:v16+s14+$0x0] =	vst.idx.add.f32.msk $0xffff, v12  }
0x595: {  	[tilespmem:v11+s14+$0x0] =	vst.idx.add.f32.msk $0xffff, v15;
	v11 =	vmov s22  }
0x596: {  	s26 =	simm.s32 $0x7;
	[tilespmem:v9+s14+$0x0] =	vst.idx.add.f32.msk $0xffff, v17;
	v9 =	vor.u32 $0x280, v11;
	v13 =	vshll.u32 v11, $0x7  }
0x597: {  	s28 =	simm.s32 $0x6;
	v14 =	vmov s26;
	v15 =	vor.u32 v0, v13;
	[tilespmem:v10+s14+$0x0] =	vst.idx.add.f32.msk $0xffff, v8  }
0x598: {  	s25 =	simm.s32 $0x4;
	v18 =	vmov s28;
	v16 =	vor.u32 $0x280, v14;
	_ =	swait.ge [sflag:s20], $0x4000  }
0x599: {  	s29 =	simm.s32 $0x5;
	v22 =	vor.u32 $0x280, v18;
	v8 =	vmov s25;
	[sflag:s20] =	ssyncset.done $0x0  }
0x59a: {  	s23 =	simm.s32 $0x1;
	v20 =	vmov s29;
	v12 =	vor.u32 $0x280, v8;
	[sflag:s20] =	ssyncadd.s32 $0xFFFFC000  }
0x59b: {  	v23 =	vor.u32 $0x280, v20;
	v10 =	vmov s23;
	v9 =	vld.idx.msk [tilespmem:v9+s2+$0x0], $0xffff  }
0x59c: {  	v11 =	vor.u32 $0x280, v10;
	v21 =	vshll.u32 v8, $0x7;
	v15 =	vld.idx.msk [tilespmem:v15+s19+$0x0], $0xffff  }
0x59d: {  	v8 =	vshll.u32 v14, $0x7;
	v19 =	vor.u32 v0, v21;
	v16 =	vld.idx.msk [tilespmem:v16+s2+$0x0], $0xffff  }
0x59e: {  	v17 =	vshll.u32 v10, $0x7;
	v10 =	vor.u32 v0, v8;
	v28 =	vld.idx.msk [tilespmem:v22+s2+$0x0], $0xffff  }
0x59f: {  	v14 =	vshll.u32 v20, $0x7;
	v24 =	vor.u32 v0, v17;
	v12 =	vld.idx.msk [tilespmem:v12+s2+$0x0], $0xffff  }
0x5a0: {  	v20 =	vshll.u32 v18, $0x7;
	v29 =	vor.u32 v0, v14;
	v23 =	vld.idx.msk [tilespmem:v23+s2+$0x0], $0xffff  }
0x5a1: {  	s30 =	simm.s32 $0x3;
	v30 =	vor.u32 v0, v20;
	v11 =	vld.idx.msk [tilespmem:v11+s2+$0x0], $0xffff;
	v9 =	vshll.u32 v9, $0x7  }
0x5a2: {  	v25 =	vmov s30;
	v27 =	vld.idx.msk [tilespmem:v19+s19+$0x0], $0xffff;
	v26 =	vor.u32 v0, v9  }
0x5a3: {  	v19 =	vor.u32 $0x280, v25;
	v31 =	vld.idx.msk [tilespmem:v10+s19+$0x0], $0xffff;
	v10 =	vshll.u32 v16, $0x7  }
0x5a4: {  	v24 =	vld.idx.msk [tilespmem:v24+s19+$0x0], $0xffff;
	v16 =	vor.u32 v0, v10;
	v22 =	vshll.u32 v12, $0x7  }
0x5a5: {  	v29 =	vld.idx.msk [tilespmem:v29+s19+$0x0], $0xffff;
	v32 =	vor.u32 v0, v22  }
0x5a6: {  	v33 =	vor.u32 v1, v13;
	v30 =	vld.idx.msk [tilespmem:v30+s19+$0x0], $0xffff;
	v18 =	vshll.u32 v11, $0x7  }
0x5a7: {  	v12 =	vshll.u32 v25, $0x7;
	[tilespmem:v26+s14+$0x0] =	vst.idx.add.f32.msk $0xffff, v15;
	v26 =	vor.u32 v0, v18  }
0x5a8: {  	v11 =	vshll.u32 v23, $0x7;
	v34 =	vor.u32 v0, v12;
	v15 =	vld.idx.msk [tilespmem:v19+s2+$0x0], $0xffff  }
0x5a9: {  	[tilespmem:v16+s14+$0x0] =	vst.idx.add.f32.msk $0xffff, v31;
	v16 =	vor.u32 v0, v11  }
0x5aa: {  	v25 =	vor.u32 v1, v17;
	v19 =	vshll.u32 v28, $0x7;
	[tilespmem:v32+s14+$0x0] =	vst.idx.add.f32.msk $0xffff, v27  }
0x5ab: {  	v28 =	vor.u32 v0, v19;
	v27 =	vld.idx.msk [tilespmem:v33+s19+$0x0], $0xffff  }
0x5ac: {  	v51 =	vor.u32 v1, v21;
	[tilespmem:v26+s14+$0x0] =	vst.idx.add.f32.msk $0xffff, v24  }
0x5ad: {  	v23 =	vor.u32 v1, v14;
	v26 =	vld.idx.msk [tilespmem:v34+s19+$0x0], $0xffff  }
0x5ae: {  	[tilespmem:v16+s14+$0x0] =	vst.idx.add.f32.msk $0xffff, v29;
	v16 =	vor.u32 v1, v20  }
0x5af: {  	v29 =	vor.u32 v1, v8;
	v24 =	vld.idx.msk [tilespmem:v25+s19+$0x0], $0xffff  }
0x5b0: {  	v15 =	vshll.u32 v15, $0x7;
	v25 =	vor.u32 v1, v18;
	[tilespmem:v28+s14+$0x0] =	vst.idx.add.f32.msk $0xffff, v30  }
0x5b1: {  	v31 =	vor.u32 v0, v15;
	v30 =	vld.idx.msk [tilespmem:v51+s19+$0x0], $0xffff  }
0x5b2: {  	v52 =	vor.u32 v1, v22;
	v23 =	vld.idx.msk [tilespmem:v23+s19+$0x0], $0xffff  }
0x5b3: {  	v28 =	vor.u32 v1, v12;
	v16 =	vld.idx.msk [tilespmem:v16+s19+$0x0], $0xffff  }
0x5b4: {  	v53 =	vor.u32 v1, v19;
	v29 =	vld.idx.msk [tilespmem:v29+s19+$0x0], $0xffff  }
0x5b5: {  	[tilespmem:v25+s14+$0x0] =	vst.idx.add.f32.msk $0xffff, v24;
	v24 =	vor.u32 v2, v21  }
0x5b6: {  	[tilespmem:v31+s14+$0x0] =	vst.idx.add.f32.msk $0xffff, v26;
	v26 =	vor.u32 v1, v11  }
0x5b7: {  	[tilespmem:v52+s14+$0x0] =	vst.idx.add.f32.msk $0xffff, v30;
	v30 =	vor.u32 v1, v9  }
0x5b8: {  	v54 =	vor.u32 v2, v20;
	v25 =	vld.idx.msk [tilespmem:v28+s19+$0x0], $0xffff  }
0x5b9: {  	v28 =	vor.u32 v2, v17;
	[tilespmem:v53+s14+$0x0] =	vst.idx.add.f32.msk $0xffff, v16  }
0x5ba: {  	v31 =	vor.u32 v2, v14;
	v24 =	vld.idx.msk [tilespmem:v24+s19+$0x0], $0xffff  }
0x5bb: {  	v58 =	vor.u32 v1, v15;
	[tilespmem:v26+s14+$0x0] =	vst.idx.add.f32.msk $0xffff, v23  }
0x5bc: {  	v26 =	vor.u32 v2, v22;
	[tilespmem:v30+s14+$0x0] =	vst.idx.add.f32.msk $0xffff, v27  }
0x5bd: {  	v27 =	vor.u32 v1, v10;
	v32 =	vld.idx.msk [tilespmem:v54+s19+$0x0], $0xffff  }
0x5be: {  	v23 =	vld.idx.msk [tilespmem:v28+s19+$0x0], $0xffff;
	v28 =	vor.u32 v2, v18  }
0x5bf: {  	v16 =	vor.u32 v3, v21;
	v30 =	vld.idx.msk [tilespmem:v31+s19+$0x0], $0xffff  }
0x5c0: {  	v31 =	vor.u32 v3, v17;
	[tilespmem:v58+s14+$0x0] =	vst.idx.add.f32.msk $0xffff, v25  }
0x5c1: {  	[tilespmem:v26+s14+$0x0] =	vst.idx.add.f32.msk $0xffff, v24;
	v24 =	vor.u32 v2, v11  }
0x5c2: {  	v26 =	vor.u32 v3, v14;
	[tilespmem:v27+s14+$0x0] =	vst.idx.add.f32.msk $0xffff, v29  }
0x5c3: {  	[tilespmem:v28+s14+$0x0] =	vst.idx.add.f32.msk $0xffff, v23;
	v23 =	vor.u32 v2, v19  }
0x5c4: {  	v27 =	vor.u32 v3, v20;
	v16 =	vld.idx.msk [tilespmem:v16+s19+$0x0], $0xffff  }
0x5c5: {  	v29 =	vor.u32 v3, v18;
	v28 =	vld.idx.msk [tilespmem:v31+s19+$0x0], $0xffff  }
0x5c6: {  	v31 =	vor.u32 v4, v17;
	[tilespmem:v24+s14+$0x0] =	vst.idx.add.f32.msk $0xffff, v30  }
0x5c7: {  	v24 =	vor.u32 v3, v22;
	v26 =	vld.idx.msk [tilespmem:v26+s19+$0x0], $0xffff  }
0x5c8: {  	v30 =	vor.u32 v4, v21;
	[tilespmem:v23+s14+$0x0] =	vst.idx.add.f32.msk $0xffff, v32  }
0x5c9: {  	v23 =	vor.u32 v3, v11;
	v27 =	vld.idx.msk [tilespmem:v27+s19+$0x0], $0xffff  }
0x5ca: {  	[tilespmem:v29+s14+$0x0] =	vst.idx.add.f32.msk $0xffff, v28;
	v28 =	vor.u32 v3, v19  }
0x5cb: {  	v29 =	vld.idx.msk [tilespmem:v31+s19+$0x0], $0xffff;
	v31 =	vor.u32 v4, v20  }
0x5cc: {  	v55 =	vor.u32 v4, v18;
	[tilespmem:v24+s14+$0x0] =	vst.idx.add.f32.msk $0xffff, v16  }
0x5cd: {  	s31 =	simm.s32 $0x2;
	v16 =	vor.u32 v5, v17;
	v24 =	vld.idx.msk [tilespmem:v30+s19+$0x0], $0xffff  }
0x5ce: {  	v56 =	vor.u32 v4, v22;
	v30 =	vmov s31;
	[tilespmem:v23+s14+$0x0] =	vst.idx.add.f32.msk $0xffff, v26  }
0x5cf: {  	v23 =	vor.u32 $0x280, v30;
	[tilespmem:v28+s14+$0x0] =	vst.idx.add.f32.msk $0xffff, v27  }
0x5d0: {  	v26 =	vor.u32 v5, v21;
	v27 =	vld.idx.msk [tilespmem:v31+s19+$0x0], $0xffff  }
0x5d1: {  	v30 =	vshll.u32 v30, $0x7;
	[tilespmem:v55+s14+$0x0] =	vst.idx.add.f32.msk $0xffff, v29;
	v29 =	vor.u32 v4, v19  }
0x5d2: {  	v31 =	vor.u32 v0, v30;
	v16 =	vld.idx.msk [tilespmem:v16+s19+$0x0], $0xffff  }
0x5d3: {  	[tilespmem:v56+s14+$0x0] =	vst.idx.add.f32.msk $0xffff, v24;
	v24 =	vor.u32 v5, v20  }
0x5d4: {  	v57 =	vor.u32 v5, v18;
	v23 =	vld.idx.msk [tilespmem:v23+s2+$0x0], $0xffff  }
0x5d5: {  	v59 =	vor.u32 v5, v22;
	v26 =	vld.idx.msk [tilespmem:v26+s19+$0x0], $0xffff  }
0x5d6: {  	v28 =	vor.u32 v4, v14;
	[tilespmem:v29+s14+$0x0] =	vst.idx.add.f32.msk $0xffff, v27  }
0x5d7: {  	v27 =	vor.u32 v6, v21;
	v29 =	vld.idx.msk [tilespmem:v31+s19+$0x0], $0xffff  }
0x5d8: {  	v31 =	vor.u32 v5, v19;
	v24 =	vld.idx.msk [tilespmem:v24+s19+$0x0], $0xffff  }
0x5d9: {  	[tilespmem:v57+s14+$0x0] =	vst.idx.add.f32.msk $0xffff, v16;
	v16 =	vshll.u32 v23, $0x7;
	v23 =	vor.u32 v6, v20  }
0x5da: {  	[tilespmem:v59+s14+$0x0] =	vst.idx.add.f32.msk $0xffff, v26;
	v26 =	vor.u32 v2, v12  }
0x5db: {  	v28 =	vld.idx.msk [tilespmem:v28+s19+$0x0], $0xffff;
	v60 =	vor.u32 v0, v16  }
0x5dc: {  	v61 =	vor.u32 v6, v22;
	v27 =	vld.idx.msk [tilespmem:v27+s19+$0x0], $0xffff  }
0x5dd: {  	v25 =	vor.u32 v1, v30;
	[tilespmem:v31+s14+$0x0] =	vst.idx.add.f32.msk $0xffff, v24  }
0x5de: {  	v21 =	vor.u32 v7, v21;
	v23 =	vld.idx.msk [tilespmem:v23+s19+$0x0], $0xffff  }
0x5df: {  	v24 =	vor.u32 v6, v19;
	v26 =	vld.idx.msk [tilespmem:v26+s19+$0x0], $0xffff  }
0x5e0: {  	v62 =	vor.u32 v2, v15;
	[tilespmem:v60+s14+$0x0] =	vst.idx.add.f32.msk $0xffff, v29  }
0x5e1: {  	v29 =	vor.u32 v4, v11;
	[tilespmem:v61+s14+$0x0] =	vst.idx.add.f32.msk $0xffff, v27  }
0x5e2: {  	v27 =	vor.u32 v3, v12;
	v25 =	vld.idx.msk [tilespmem:v25+s19+$0x0], $0xffff  }
0x5e3: {  	v20 =	vor.u32 v7, v20;
	v21 =	vld.idx.msk [tilespmem:v21+s19+$0x0], $0xffff  }
0x5e4: {  	v31 =	vor.u32 v1, v16;
	[tilespmem:v24+s14+$0x0] =	vst.idx.add.f32.msk $0xffff, v23  }
0x5e5: {  	v22 =	vor.u32 v7, v22;
	[tilespmem:v62+s14+$0x0] =	vst.idx.add.f32.msk $0xffff, v26  }
0x5e6: {  	v23 =	vor.u32 v2, v30;
	[tilespmem:v29+s14+$0x0] =	vst.idx.add.f32.msk $0xffff, v28  }
0x5e7: {  	v24 =	vor.u32 v6, v17;
	v26 =	vld.idx.msk [tilespmem:v27+s19+$0x0], $0xffff  }
0x5e8: {  	v27 =	vor.u32 v5, v14;
	v20 =	vld.idx.msk [tilespmem:v20+s19+$0x0], $0xffff  }
0x5e9: {  	v19 =	vor.u32 v7, v19;
	[tilespmem:v31+s14+$0x0] =	vst.idx.add.f32.msk $0xffff, v25  }
0x5ea: {  	v25 =	vor.u32 v2, v13;
	[tilespmem:v22+s14+$0x0] =	vst.idx.add.f32.msk $0xffff, v21  }
0x5eb: {  	v22 =	vor.u32 v2, v8;
	v21 =	vld.idx.msk [tilespmem:v23+s19+$0x0], $0xffff  }
0x5ec: {  	v23 =	vld.idx.msk [tilespmem:v24+s19+$0x0], $0xffff;
	v24 =	vor.u32 v3, v15  }
0x5ed: {  	v28 =	vor.u32 v2, v16;
	v27 =	vld.idx.msk [tilespmem:v27+s19+$0x0], $0xffff  }
0x5ee: {  	v63 =	vor.u32 v6, v18;
	[tilespmem:v19+s14+$0x0] =	vst.idx.add.f32.msk $0xffff, v20  }
0x5ef: {  	v29 =	vor.u32 v3, v30;
	v25 =	vld.idx.msk [tilespmem:v25+s19+$0x0], $0xffff  }
0x5f0: {  	v31 =	vor.u32 v4, v12;
	v22 =	vld.idx.msk [tilespmem:v22+s19+$0x0], $0xffff  }
0x5f1: {  	v17 =	vor.u32 v7, v17;
	[tilespmem:v24+s14+$0x0] =	vst.idx.add.f32.msk $0xffff, v26  }
0x5f2: {  	v24 =	vor.u32 v2, v9;
	[tilespmem:v28+s14+$0x0] =	vst.idx.add.f32.msk $0xffff, v21  }
0x5f3: {  	v21 =	vor.u32 v3, v13;
	[tilespmem:v63+s14+$0x0] =	vst.idx.add.f32.msk $0xffff, v23  }
0x5f4: {  	v26 =	vld.idx.msk [tilespmem:v29+s19+$0x0], $0xffff;
	v29 =	vor.u32 v5, v11  }
0x5f5: {  	v23 =	vor.u32 v4, v15;
	v28 =	vld.idx.msk [tilespmem:v31+s19+$0x0], $0xffff  }
0x5f6: {  	v18 =	vor.u32 v7, v18;
	v17 =	vld.idx.msk [tilespmem:v17+s19+$0x0], $0xffff  }
0x5f7: {  	[tilespmem:v24+s14+$0x0] =	vst.idx.add.f32.msk $0xffff, v25;
	v24 =	vor.u32 v5, v12  }
0x5f8: {  	v25 =	vor.u32 v3, v16;
	v21 =	vld.idx.msk [tilespmem:v21+s19+$0x0], $0xffff  }
0x5f9: {  	[tilespmem:v29+s14+$0x0] =	vst.idx.add.f32.msk $0xffff, v27;
	v27 =	vor.u32 v4, v30  }
0x5fa: {  	v19 =	vor.u32 v3, v9;
	[tilespmem:v23+s14+$0x0] =	vst.idx.add.f32.msk $0xffff, v28  }
0x5fb: {  	v20 =	vor.u32 v4, v13;
	[tilespmem:v18+s14+$0x0] =	vst.idx.add.f32.msk $0xffff, v17  }
0x5fc: {  	v17 =	vor.u32 v5, v15;
	v23 =	vld.idx.msk [tilespmem:v24+s19+$0x0], $0xffff  }
0x5fd: {  	[tilespmem:v25+s14+$0x0] =	vst.idx.add.f32.msk $0xffff, v26;
	v25 =	vor.u32 v2, v10  }
0x5fe: {  	v18 =	vor.u32 v6, v12;
	v24 =	vld.idx.msk [tilespmem:v27+s19+$0x0], $0xffff  }
0x5ff: {  	[tilespmem:v19+s14+$0x0] =	vst.idx.add.f32.msk $0xffff, v21;
	v19 =	vor.u32 v3, v8  }
0x600: {  	v21 =	vor.u32 v4, v16;
	v20 =	vld.idx.msk [tilespmem:v20+s19+$0x0], $0xffff  }
0x601: {  	[tilespmem:v17+s14+$0x0] =	vst.idx.add.f32.msk $0xffff, v23  }
0x602: {  	v26 =	vor.u32 v5, v30;
	[tilespmem:v25+s14+$0x0] =	vst.idx.add.f32.msk $0xffff, v22  }
0x603: {  	v17 =	vor.u32 v4, v9;
	v18 =	vld.idx.msk [tilespmem:v18+s19+$0x0], $0xffff  }
0x604: {  	v23 =	vor.u32 v6, v15;
	v19 =	vld.idx.msk [tilespmem:v19+s19+$0x0], $0xffff  }
0x605: {  	[tilespmem:v21+s14+$0x0] =	vst.idx.add.f32.msk $0xffff, v24;
	v21 =	vor.u32 v3, v10  }
0x606: {  	v22 =	vor.u32 v5, v13  }
0x607: {  	v12 =	vor.u32 v7, v12;
	v24 =	vld.idx.msk [tilespmem:v26+s19+$0x0], $0xffff  }
0x608: {  	[tilespmem:v17+s14+$0x0] =	vst.idx.add.f32.msk $0xffff, v20;
	v17 =	vor.u32 v5, v16  }
0x609: {  	[tilespmem:v23+s14+$0x0] =	vst.idx.add.f32.msk $0xffff, v18;
	v18 =	vor.u32 v4, v8  }
0x60a: {  	v23 =	vor.u32 v6, v30;
	[tilespmem:v21+s14+$0x0] =	vst.idx.add.f32.msk $0xffff, v19  }
0x60b: {  	v25 =	vld.idx.msk [tilespmem:v22+s19+$0x0], $0xffff;
	v19 =	vor.u32 v6, v14  }
0x60c: {  	v15 =	vor.u32 v7, v15;
	v28 =	vld.idx.msk [tilespmem:v12+s19+$0x0], $0xffff  }
0x60d: {  	[tilespmem:v17+s14+$0x0] =	vst.idx.add.f32.msk $0xffff, v24  }
0x60e: {  	v27 =	vor.u32 v5, v9;
	v26 =	vor.u32 v4, v10;
	v24 =	vld.idx.msk [tilespmem:v18+s19+$0x0], $0xffff  }
0x60f: {  	v20 =	vor.u32 v7, v13;
	v21 =	vor.u32 v6, v8;
	v18 =	vor.u32 v6, v13;
	v22 =	vld.idx.msk [tilespmem:v23+s19+$0x0], $0xffff  }
0x610: {  	v12 =	vor.u32 v7, v30;
	v17 =	vor.u32 v6, v9;
	v23 =	vor.u32 v6, v16;
	v19 =	vld.idx.msk [tilespmem:v19+s19+$0x0], $0xffff  }
0x611: {  	s23 =	simm.s32 $0x8;
	[tilespmem:v15+s14+$0x0] =	vst.idx.add.f32.msk $0xffff, v28;
	v15 =	vor.u32 v7, v14;
	v28 =	vor.u32 v5, v8  }
.LBB2_13:
0x612: {  	s24 =	sadd.s32 $0x1, s23  }
0x613: {  	v13 =	vmov s23;
	s25 =	sadd.s32 $0x7, s23;
	[tilespmem:v27+s14+$0x0] =	vst.idx.add.f32.msk $0xffff, v25;
	v25 =	vor.u32 v6, v11;
	v27 =	vor.u32 v5, v10;
	s26 =	smov.u32 s23;
	s22 =	sadd.s32 $0x8, s23  }
0x614: {  	p0 =	slt.u32 s23, $0x78;
	v29 =	vor.u32 $0x280, v13;
	v13 =	vshll.u32 v13, $0x7;
	v14 =	vmov s24;
	s24 =	sadd.s32 $0x2, s26;
	v30 =	vld.idx.msk [tilespmem:v18+s19+$0x0], $0xffff  }
0x615: {  	s23 =	sadd.s32 $0x3, s26;
	v32 =	vmov s25;
	v31 =	vor.u32 $0x280, v14;
	v18 =	vshll.u32 v14, $0x7;
	[tilespmem:v26+s14+$0x0] =	vst.idx.add.f32.msk $0xffff, v24  }
0x616: {  	v24 =	vmov s24;
	v26 =	vmov s23;
	s23 =	sadd.s32 $0x4, s26;
	v33 =	vor.u32 $0x280, v32;
	[tilespmem:v23+s14+$0x0] =	vst.idx.add.f32.msk $0xffff, v22  }
0x617: {  	v14 =	vshll.u32 v24, $0x7;
	v34 =	vor.u32 $0x280, v26;
	v22 =	vmov s23;
	s23 =	sadd.s32 $0x5, s26;
	v23 =	vld.idx.msk [tilespmem:v28+s19+$0x0], $0xffff  }
0x618: {  	v28 =	vor.u32 v0, v13;
	v35 =	vor.u32 $0x280, v22;
	v36 =	vmov s23;
	s23 =	sadd.s32 $0x6, s26;
	v37 =	vld.idx.msk [tilespmem:v12+s19+$0x0], $0xffff  }
0x619: {  	v32 =	vshll.u32 v32, $0x7;
	v38 =	vor.u32 $0x280, v36;
	v12 =	vmov s23;
	[tilespmem:v25+s14+$0x0] =	vst.idx.add.f32.msk $0xffff, v19  }
0x61a: {  	v39 =	vor.u32 v0, v32;
	v25 =	vor.u32 $0x280, v12;
	v19 =	vshll.u32 v12, $0x7;
	[tilespmem:v17+s14+$0x0] =	vst.idx.add.f32.msk $0xffff, v30  }
0x61b: {  	v12 =	vor.u32 v7, v14;
	v30 =	vor.u32 v0, v18;
	v29 =	vld.idx.msk [tilespmem:v29+s2+$0x0], $0xffff  }
0x61c: {  	v24 =	vor.u32 $0x280, v24;
	v17 =	vshll.u32 v26, $0x7;
	v26 =	vld.idx.msk [tilespmem:v15+s19+$0x0], $0xffff  }
0x61d: {  	v16 =	vor.u32 v7, v16;
	v40 =	vor.u32 v0, v17;
	[tilespmem:v27+s14+$0x0] =	vst.idx.add.f32.msk $0xffff, v23  }
0x61e: {  	v11 =	vor.u32 v7, v11;
	v15 =	vshll.u32 v36, $0x7;
	v21 =	vld.idx.msk [tilespmem:v21+s19+$0x0], $0xffff  }
0x61f: {  	v23 =	vshll.u32 v22, $0x7;
	v27 =	vor.u32 v0, v15;
	v20 =	vld.idx.msk [tilespmem:v20+s19+$0x0], $0xffff  }
0x620: {  	v22 =	vld.idx.msk [tilespmem:v35+s2+$0x0], $0xffff;
	v35 =	vor.u32 v0, v23  }
0x621: {  	v41 =	vor.u32 v6, v10;
	v36 =	vor.u32 v0, v19;
	v31 =	vld.idx.msk [tilespmem:v31+s2+$0x0], $0xffff  }
0x622: {  	v29 =	vshll.u32 v29, $0x7;
	[tilespmem:v16+s14+$0x0] =	vst.idx.add.f32.msk $0xffff, v37;
	v16 =	vor.u32 v7, v8;
	v8 =	vmov v32  }
0x623: {  	v32 =	vor.u32 v0, v29;
	[tilespmem:v11+s14+$0x0] =	vst.idx.add.f32.msk $0xffff, v26  }
0x624: {  	v37 =	vor.u32 v1, v8;
	v11 =	vld.idx.msk [tilespmem:v28+s19+$0x0], $0xffff;
	v28 =	vor.u32 v1, v17  }
0x625: {  	v42 =	vor.u32 v7, v9;
	v9 =	vmov v29;
	v26 =	vor.u32 v1, v13;
	v33 =	vld.idx.msk [tilespmem:v33+s2+$0x0], $0xffff  }
0x626: {  	v29 =	vor.u32 v1, v15;
	[tilespmem:v41+s14+$0x0] =	vst.idx.add.f32.msk $0xffff, v21  }
0x627: {  	v16 =	vld.idx.msk [tilespmem:v16+s19+$0x0], $0xffff  }
0x628: {  	v43 =	vor.u32 v7, v10;
	v41 =	vor.u32 v1, v19;
	v35 =	vld.idx.msk [tilespmem:v35+s19+$0x0], $0xffff  }
0x629: {  	v21 =	vshll.u32 v31, $0x7;
	v31 =	vld.idx.msk [tilespmem:v25+s2+$0x0], $0xffff  }
0x62a: {  	v44 =	vor.u32 v1, v23;
	[tilespmem:v42+s14+$0x0] =	vst.idx.add.f32.msk $0xffff, v20  }
0x62b: {  	v25 =	vshll.u32 v22, $0x7;
	v10 =	vshll.u32 v33, $0x7;
	v20 =	vld.idx.msk [tilespmem:v38+s2+$0x0], $0xffff  }
0x62c: {  	v33 =	vld.idx.msk [tilespmem:v39+s19+$0x0], $0xffff  }
0x62d: {  	v38 =	vor.u32 v2, v15;
	[tilespmem:v43+s14+$0x0] =	vst.idx.add.f32.msk $0xffff, v16  }
0x62e: {  	v39 =	vor.u32 v0, v25;
	v16 =	vor.u32 v0, v14;
	v30 =	vld.idx.msk [tilespmem:v30+s19+$0x0], $0xffff  }
0x62f: {  	v22 =	vshll.u32 v31, $0x7;
	[tilespmem:v32+s14+$0x0] =	vst.idx.add.f32.msk $0xffff, v11;
	v32 =	vor.u32 v0, v21  }
0x630: {  	v31 =	vld.idx.msk [tilespmem:v34+s2+$0x0], $0xffff;
	v34 =	vor.u32 v0, v10  }
0x631: {  	v42 =	vor.u32 v2, v23;
	v27 =	vld.idx.msk [tilespmem:v27+s19+$0x0], $0xffff  }
0x632: {  	v43 =	vor.u32 v1, v18;
	v36 =	vld.idx.msk [tilespmem:v36+s19+$0x0], $0xffff  }
0x633: {  	[tilespmem:v39+s14+$0x0] =	vst.idx.add.f32.msk $0xffff, v35  }
0x634: {  	v45 =	vor.u32 v2, v19;
	v39 =	vor.u32 v0, v22;
	v35 =	vld.idx.msk [tilespmem:v26+s19+$0x0], $0xffff  }
0x635: {  	v11 =	vshll.u32 v20, $0x7;
	v26 =	vor.u32 v2, v17;
	[tilespmem:v34+s14+$0x0] =	vst.idx.add.f32.msk $0xffff, v33  }
0x636: {  	v20 =	vshll.u32 v31, $0x7;
	v31 =	vor.u32 v3, v15;
	[tilespmem:v32+s14+$0x0] =	vst.idx.add.f32.msk $0xffff, v30;
	v30 =	vor.u32 v0, v11  }
0x637: {  	v32 =	vld.idx.msk [tilespmem:v43+s19+$0x0], $0xffff  }
0x638: {  	v33 =	vor.u32 v1, v21;
	v34 =	vld.idx.msk [tilespmem:v40+s19+$0x0], $0xffff  }
0x639: {  	v43 =	vor.u32 v0, v20;
	v40 =	vor.u32 v2, v18;
	[tilespmem:v39+s14+$0x0] =	vst.idx.add.f32.msk $0xffff, v36  }
0x63a: {  	v39 =	vor.u32 v3, v23;
	v36 =	vld.idx.msk [tilespmem:v44+s19+$0x0], $0xffff  }
0x63b: {  	v44 =	vor.u32 v1, v25;
	[tilespmem:v30+s14+$0x0] =	vst.idx.add.f32.msk $0xffff, v27  }
0x63c: {  	v30 =	vor.u32 v3, v19;
	v29 =	vld.idx.msk [tilespmem:v29+s19+$0x0], $0xffff  }
0x63d: {  	[tilespmem:v33+s14+$0x0] =	vst.idx.add.f32.msk $0xffff, v32  }
0x63e: {  	v27 =	vor.u32 v3, v17;
	[tilespmem:v43+s14+$0x0] =	vst.idx.add.f32.msk $0xffff, v34  }
0x63f: {  	v32 =	vor.u32 v2, v21;
	v33 =	vor.u32 v1, v11;
	v28 =	vld.idx.msk [tilespmem:v28+s19+$0x0], $0xffff  }
0x640: {  	[tilespmem:v44+s14+$0x0] =	vst.idx.add.f32.msk $0xffff, v36  }
0x641: {  	v34 =	vor.u32 v1, v9;
	v36 =	vld.idx.msk [tilespmem:v41+s19+$0x0], $0xffff  }
0x642: {  	v37 =	vld.idx.msk [tilespmem:v37+s19+$0x0], $0xffff  }
0x643: {  	v41 =	vld.idx.msk [tilespmem:v42+s19+$0x0], $0xffff;
	v42 =	vor.u32 v1, v22  }
0x644: {  	[tilespmem:v33+s14+$0x0] =	vst.idx.add.f32.msk $0xffff, v29  }
0x645: {  	v33 =	vor.u32 v2, v25;
	v29 =	vld.idx.msk [tilespmem:v40+s19+$0x0], $0xffff;
	v40 =	vor.u32 v4, v23  }
0x646: {  	[tilespmem:v34+s14+$0x0] =	vst.idx.add.f32.msk $0xffff, v35;
	v34 =	vor.u32 v3, v21;
	v35 =	vor.u32 v1, v10  }
0x647: {  	v38 =	vld.idx.msk [tilespmem:v38+s19+$0x0], $0xffff  }
0x648: {  	v43 =	vor.u32 v3, v18;
	[tilespmem:v42+s14+$0x0] =	vst.idx.add.f32.msk $0xffff, v36  }
0x649: {  	v36 =	vld.idx.msk [tilespmem:v45+s19+$0x0], $0xffff  }
0x64a: {  	[tilespmem:v33+s14+$0x0] =	vst.idx.add.f32.msk $0xffff, v41;
	v33 =	vor.u32 v2, v11  }
0x64b: {  	[tilespmem:v35+s14+$0x0] =	vst.idx.add.f32.msk $0xffff, v37  }
0x64c: {  	[tilespmem:v32+s14+$0x0] =	vst.idx.add.f32.msk $0xffff, v29;
	v29 =	vor.u32 v2, v22  }
0x64d: {  	v35 =	vor.u32 v4, v21;
	v32 =	vld.idx.msk [tilespmem:v43+s19+$0x0], $0xffff  }
0x64e: {  	v37 =	vld.idx.msk [tilespmem:v39+s19+$0x0], $0xffff  }
0x64f: {  	v39 =	vor.u32 v4, v18;
	[tilespmem:v33+s14+$0x0] =	vst.idx.add.f32.msk $0xffff, v38  }
0x650: {  	v33 =	vor.u32 v3, v25;
	v31 =	vld.idx.msk [tilespmem:v31+s19+$0x0], $0xffff  }
0x651: {  	[tilespmem:v29+s14+$0x0] =	vst.idx.add.f32.msk $0xffff, v36  }
0x652: {  	v29 =	vor.u32 v3, v11;
	v30 =	vld.idx.msk [tilespmem:v30+s19+$0x0], $0xffff  }
0x653: {  	[tilespmem:v34+s14+$0x0] =	vst.idx.add.f32.msk $0xffff, v32;
	v32 =	vor.u32 v3, v22  }
0x654: {  	v36 =	vor.u32 v4, v19;
	v34 =	vld.idx.msk [tilespmem:v39+s19+$0x0], $0xffff  }
0x655: {  	[tilespmem:v33+s14+$0x0] =	vst.idx.add.f32.msk $0xffff, v37  }
0x656: {  	v33 =	vor.u32 v5, v18;
	v37 =	vld.idx.msk [tilespmem:v40+s19+$0x0], $0xffff  }
0x657: {  	v38 =	vor.u32 v4, v25;
	[tilespmem:v29+s14+$0x0] =	vst.idx.add.f32.msk $0xffff, v31  }
0x658: {  	[tilespmem:v32+s14+$0x0] =	vst.idx.add.f32.msk $0xffff, v30  }
0x659: {  	v29 =	vor.u32 v5, v23;
	v30 =	vld.idx.msk [tilespmem:v36+s19+$0x0], $0xffff  }
0x65a: {  	v31 =	vor.u32 v4, v15;
	[tilespmem:v35+s14+$0x0] =	vst.idx.add.f32.msk $0xffff, v34  }
0x65b: {  	v32 =	vld.idx.msk [tilespmem:v33+s19+$0x0], $0xffff;
	v33 =	vor.u32 v4, v22  }
0x65c: {  	v34 =	vor.u32 v5, v19;
	[tilespmem:v38+s14+$0x0] =	vst.idx.add.f32.msk $0xffff, v37  }
0x65d: {  	v24 =	vld.idx.msk [tilespmem:v24+s2+$0x0], $0xffff  }
0x65e: {  	v35 =	vor.u32 v5, v21;
	v29 =	vld.idx.msk [tilespmem:v29+s19+$0x0], $0xffff  }
0x65f: {  	v36 =	vor.u32 v1, v20;
	v31 =	vld.idx.msk [tilespmem:v31+s19+$0x0], $0xffff  }
0x660: {  	v37 =	vor.u32 v5, v25;
	[tilespmem:v33+s14+$0x0] =	vst.idx.add.f32.msk $0xffff, v30  }
0x661: {  	v30 =	vor.u32 v6, v23;
	v33 =	vld.idx.msk [tilespmem:v34+s19+$0x0], $0xffff  }
0x662: {  	v38 =	vor.u32 v5, v22;
	v34 =	vld.idx.msk [tilespmem:v16+s19+$0x0], $0xffff  }
0x663: {  	v16 =	vshll.u32 v24, $0x7;
	v24 =	vor.u32 v6, v19;
	[tilespmem:v35+s14+$0x0] =	vst.idx.add.f32.msk $0xffff, v32  }
0x664: {  	v32 =	vor.u32 v0, v16;
	[tilespmem:v36+s14+$0x0] =	vst.idx.add.f32.msk $0xffff, v28  }
0x665: {  	v28 =	vor.u32 v1, v14;
	[tilespmem:v37+s14+$0x0] =	vst.idx.add.f32.msk $0xffff, v29  }
0x666: {  	v29 =	vld.idx.msk [tilespmem:v30+s19+$0x0], $0xffff  }
0x667: {  	v30 =	vor.u32 v6, v25;
	[tilespmem:v38+s14+$0x0] =	vst.idx.add.f32.msk $0xffff, v33  }
0x668: {  	v23 =	vor.u32 v7, v23;
	v24 =	vld.idx.msk [tilespmem:v24+s19+$0x0], $0xffff  }
0x669: {  	[tilespmem:v32+s14+$0x0] =	vst.idx.add.f32.msk $0xffff, v34;
	v32 =	vor.u32 v6, v22  }
0x66a: {  	v33 =	vor.u32 v4, v11;
	v28 =	vld.idx.msk [tilespmem:v28+s19+$0x0], $0xffff  }
0x66b: {  	v34 =	vor.u32 v1, v16;
	v26 =	vld.idx.msk [tilespmem:v26+s19+$0x0], $0xffff  }
0x66c: {  	v35 =	vor.u32 v2, v20;
	[tilespmem:v30+s14+$0x0] =	vst.idx.add.f32.msk $0xffff, v29  }
0x66d: {  	v23 =	vld.idx.msk [tilespmem:v23+s19+$0x0], $0xffff  }
0x66e: {  	v25 =	vor.u32 v7, v25;
	[tilespmem:v32+s14+$0x0] =	vst.idx.add.f32.msk $0xffff, v24  }
0x66f: {  	v24 =	vor.u32 v2, v14;
	[tilespmem:v33+s14+$0x0] =	vst.idx.add.f32.msk $0xffff, v31  }
0x670: {  	v29 =	vor.u32 v6, v18;
	[tilespmem:v34+s14+$0x0] =	vst.idx.add.f32.msk $0xffff, v28  }
0x671: {  	v28 =	vor.u32 v2, v13;
	[tilespmem:v35+s14+$0x0] =	vst.idx.add.f32.msk $0xffff, v26  }
0x672: {  	v26 =	vld.idx.msk [tilespmem:v27+s19+$0x0], $0xffff;
	v27 =	vor.u32 v5, v15  }
0x673: {  	v19 =	vor.u32 v7, v19;
	[tilespmem:v25+s14+$0x0] =	vst.idx.add.f32.msk $0xffff, v23  }
0x674: {  	v23 =	vld.idx.msk [tilespmem:v24+s19+$0x0], $0xffff;
	v24 =	vor.u32 v2, v8  }
0x675: {  	v25 =	vld.idx.msk [tilespmem:v29+s19+$0x0], $0xffff;
	v29 =	vor.u32 v3, v20  }
0x676: {  	v30 =	vor.u32 v2, v16;
	v28 =	vld.idx.msk [tilespmem:v28+s19+$0x0], $0xffff  }
0x677: {  	v31 =	vor.u32 v3, v14;
	v27 =	vld.idx.msk [tilespmem:v27+s19+$0x0], $0xffff  }
0x678: {  	v32 =	vor.u32 v4, v17;
	v19 =	vld.idx.msk [tilespmem:v19+s19+$0x0], $0xffff  }
0x679: {  	v33 =	vor.u32 v6, v21;
	v24 =	vld.idx.msk [tilespmem:v24+s19+$0x0], $0xffff  }
0x67a: {  	v18 =	vor.u32 v7, v18;
	[tilespmem:v29+s14+$0x0] =	vst.idx.add.f32.msk $0xffff, v26  }
0x67b: {  	v26 =	vor.u32 v2, v9;
	[tilespmem:v30+s14+$0x0] =	vst.idx.add.f32.msk $0xffff, v23  }
0x67c: {  	v23 =	vor.u32 v3, v13;
	v29 =	vld.idx.msk [tilespmem:v31+s19+$0x0], $0xffff  }
0x67d: {  	v30 =	vor.u32 v3, v16;
	v31 =	vld.idx.msk [tilespmem:v32+s19+$0x0], $0xffff;
	v32 =	vor.u32 v5, v11  }
0x67e: {  	v22 =	vor.u32 v7, v22;
	[tilespmem:v33+s14+$0x0] =	vst.idx.add.f32.msk $0xffff, v25  }
0x67f: {  	v25 =	vor.u32 v4, v20;
	v18 =	vld.idx.msk [tilespmem:v18+s19+$0x0], $0xffff  }
0x680: {  	[tilespmem:v26+s14+$0x0] =	vst.idx.add.f32.msk $0xffff, v28;
	v26 =	vor.u32 v5, v17  }
0x681: {  	v21 =	vor.u32 v7, v21;
	v23 =	vld.idx.msk [tilespmem:v23+s19+$0x0], $0xffff  }
0x682: {  	[tilespmem:v32+s14+$0x0] =	vst.idx.add.f32.msk $0xffff, v27  }
0x683: {  	v27 =	vor.u32 v4, v14;
	[tilespmem:v22+s14+$0x0] =	vst.idx.add.f32.msk $0xffff, v19  }
0x684: {  	v19 =	vor.u32 v3, v9;
	v22 =	vor.u32 v4, v16;
	[tilespmem:v25+s14+$0x0] =	vst.idx.add.f32.msk $0xffff, v31  }
0x685: {  	v25 =	vor.u32 v4, v13;
	v26 =	vld.idx.msk [tilespmem:v26+s19+$0x0], $0xffff  }
0x686: {  	[tilespmem:v21+s14+$0x0] =	vst.idx.add.f32.msk $0xffff, v18;
	v18 =	vor.u32 v5, v20  }
0x687: {  	v21 =	vor.u32 v6, v17;
	[tilespmem:v30+s14+$0x0] =	vst.idx.add.f32.msk $0xffff, v29  }
0x688: {  	v28 =	vor.u32 v2, v10;
	v27 =	vld.idx.msk [tilespmem:v27+s19+$0x0], $0xffff  }
0x689: {  	[tilespmem:v19+s14+$0x0] =	vst.idx.add.f32.msk $0xffff, v23;
	v19 =	vor.u32 v3, v8  }
0x68a: {  	v23 =	vld.idx.msk [tilespmem:v25+s19+$0x0], $0xffff  }
0x68b: {  	v25 =	vor.u32 v5, v14;
	[tilespmem:v18+s14+$0x0] =	vst.idx.add.f32.msk $0xffff, v26  }
0x68c: {  	v18 =	vor.u32 v4, v9;
	v21 =	vld.idx.msk [tilespmem:v21+s19+$0x0], $0xffff  }
0x68d: {  	v26 =	vor.u32 v6, v20;
	[tilespmem:v28+s14+$0x0] =	vst.idx.add.f32.msk $0xffff, v24  }
0x68e: {  	v17 =	vor.u32 v7, v17;
	v19 =	vld.idx.msk [tilespmem:v19+s19+$0x0], $0xffff  }
0x68f: {  	[tilespmem:v22+s14+$0x0] =	vst.idx.add.f32.msk $0xffff, v27;
	v22 =	vor.u32 v3, v10  }
0x690: {  	v24 =	vor.u32 v5, v13;
	v28 =	vld.idx.msk [tilespmem:v25+s19+$0x0], $0xffff  }
0x691: {  	[tilespmem:v18+s14+$0x0] =	vst.idx.add.f32.msk $0xffff, v23;
	v18 =	vor.u32 v5, v16  }
0x692: {  	[tilespmem:v26+s14+$0x0] =	vst.idx.add.f32.msk $0xffff, v21;
	v21 =	vor.u32 v4, v8  }
0x693: {  	v14 =	vor.u32 v6, v14;
	v17 =	vld.idx.msk [tilespmem:v17+s19+$0x0], $0xffff  }
0x694: {  	v29 =	vor.u32 v7, v20;
	[tilespmem:v22+s14+$0x0] =	vst.idx.add.f32.msk $0xffff, v19  }
0x695: {  	v19 =	vor.u32 v6, v15;
	v25 =	vld.idx.msk [tilespmem:v24+s19+$0x0], $0xffff  }
.Ltmp6:
0x696: {  	v27 =	vor.u32 v5, v9;
	[tilespmem:v18+s14+$0x0] =	vst.idx.add.f32.msk $0xffff, v28;
	(pc) =	sbr.rel @p0 .LBB2_13-.Ltmp6, $4  }
0x697: {  	v18 =	vor.u32 v6, v13;
	v24 =	vld.idx.msk [tilespmem:v21+s19+$0x0], $0xffff  }
0x698: {  	v20 =	vor.u32 v7, v13;
	v26 =	vor.u32 v4, v10;
	v22 =	vld.idx.msk [tilespmem:v14+s19+$0x0], $0xffff  }
0x699: {  	v23 =	vor.u32 v6, v16;
	v21 =	vor.u32 v6, v8;
	[tilespmem:v29+s14+$0x0] =	vst.idx.add.f32.msk $0xffff, v17  }
0x69a: {  	s23 =	smov.u32 s22;
	v15 =	vor.u32 v7, v15;
	v28 =	vor.u32 v5, v8;
	v17 =	vor.u32 v6, v9;
	v19 =	vld.idx.msk [tilespmem:v19+s19+$0x0], $0xffff  }
0x69b: {  	_ =	sdelay $0x3  }
0x69c: {  	[tilespmem:v26+s14+$0x0] =	vst.idx.add.f32.msk $0xffff, v24  }
0x69d: {  	v13 =	vor.u32 v5, v10;
	v14 =	vld.idx.msk [tilespmem:v28+s19+$0x0], $0xffff  }
0x69e: {  	[tilespmem:v27+s14+$0x0] =	vst.idx.add.f32.msk $0xffff, v25  }
0x69f: {  	v60 =	vor.u32 v6, v11;
	v18 =	vld.idx.msk [tilespmem:v18+s19+$0x0], $0xffff  }
0x6a0: {  	[tilespmem:v23+s14+$0x0] =	vst.idx.add.f32.msk $0xffff, v22  }
0x6a1: {  	v12 =	vld.idx.msk [tilespmem:v12+s19+$0x0], $0xffff  }
0x6a2: {  	[tilespmem:v13+s14+$0x0] =	vst.idx.add.f32.msk $0xffff, v14  }
0x6a3: {  	v61 =	vor.u32 v6, v10;
	v13 =	vld.idx.msk [tilespmem:v21+s19+$0x0], $0xffff  }
0x6a4: {  	v8 =	vor.u32 v7, v8;
	[tilespmem:v60+s14+$0x0] =	vst.idx.add.f32.msk $0xffff, v19  }
0x6a5: {  	[tilespmem:v17+s14+$0x0] =	vst.idx.add.f32.msk $0xffff, v18  }
0x6a6: {  	v16 =	vor.u32 v7, v16;
	v15 =	vld.idx.msk [tilespmem:v15+s19+$0x0], $0xffff  }
0x6a7: {  	v62 =	vor.u32 v7, v11;
	v17 =	vld.idx.msk [tilespmem:v20+s19+$0x0], $0xffff  }
0x6a8: {  	v9 =	vor.u32 v7, v9;
	[tilespmem:v61+s14+$0x0] =	vst.idx.add.f32.msk $0xffff, v13  }
0x6a9: {  	v63 =	vor.u32 v7, v10;
	v8 =	vld.idx.msk [tilespmem:v8+s19+$0x0], $0xffff;
	_ =	sdelay $0x1  }
0x6aa: {  	[tilespmem:v16+s14+$0x0] =	vst.idx.add.f32.msk $0xffff, v12  }
0x6ab: {  	s21 =	sadd.s32 $0x1, s21;
	[tilespmem:v62+s14+$0x0] =	vst.idx.add.f32.msk $0xffff, v15  }
0x6ac: {  	p0 =	sne.s32 s21, s12;
	[tilespmem:v9+s14+$0x0] =	vst.idx.add.f32.msk $0xffff, v17  }
.Ltmp7:
0x6ad: {  	[tilespmem:v63+s14+$0x0] =	vst.idx.add.f32.msk $0xffff, v8;
	(pc) =	sbr.rel @p0 .LBB2_2-.Ltmp7, $4  }
0x6ae: {  	[hbm4b:s10+s15] =	stream.strided.scatter [tilespmem:s14], [sflag:$0x3], $0x10000, s16, s15, $0x38;
	[tilespmem:$0x18300] =	vst v63  }
0x6af: {  	_ =	swait.ge [sflag:s13], $0x10000  }
0x6b0: {  	[sflag:s13] =	ssyncset.done $0x0  }
0x6b1: {  	[sflag:s13] =	ssyncadd.s32 $0xFFFF0000  }
.LBB2_15:
0x6b2: {  	_ =	sfence.sel $0x180000  }
0x6b3: {  	[bflag:$0x0] =	sbarrier.arrive $0xFFFF  }
0x6b4: {  	p0 =	sne.s32 s1, $0x0;
	_ =	strace $0x90000047  }
0x6b5: {  	s0 =	sadd.s32 @!p0 $0x100000, s0;
	[bflag:$0x2] =	sbarrier.arrive $0xFFFF  }
0x6b6: {  	[sflag:s0] =	ssyncadd.tile.s32 @!p0 $0x1;
	_ =	shalt  }
.Lfunc_end2:
_tile_overlayer_lowered:
.L_overlay_start_2:
0x6b7: {  	(tag) =	ssettag $0x2  }
0x6b8: {  	s0 =	rddreg [dreg:$0x0];
	s2 =	stileid.u32  }
0x6b9: {  	s1 =	rddreg [dreg:$0x1];
	p0 =	sne.s32 s2, $0x0  }
0x6ba: {  	s3 =	rddreg [dreg:$0x2];
	[bflag:$0x3] =	sbarrier.arrive $0xFFFF;
	s2 =	simm.s32 @!p0 $0x1C03  }
0x6bb: {  	[timem:s3], [sflag:s2] =	dma.local @!p0 [hbm:s0], s1  }
0x6bc: {  	s0 =	simm.s32 @!p0 $0x3  }
0x6bd: {  	_ =	swait.ge @!p0 [sflag:s0], s1  }
0x6be: {  	s1 =	ssub.s32 @!p0 $0x0, s1;
	[sflag:s0] =	ssyncset.done @!p0 $0x0  }
0x6bf: {  	[sflag:s0] =	ssyncadd.s32 @!p0 s1  }
0x6c0: {  	[bflag:$0x3] =	sbarrier.arrive $0xFFFF  }
0x6c1: {  	_ =	shalt  }

</sc_bundles>
